<compile_context>
chip_gen: v7x
topology: tpu7x:2x2x1
jax: 0.10.2.dev20260603
libtpu: 0.0.44.dev20260713+nightly
codegen_flags: <defaults>
</compile_context>

<pallas_src>
import functools

import jax
import jax.numpy as jnp
import numpy as np
from jax import lax
from jax.experimental import pallas as pl
from jax.experimental.pallas import tpu as pltpu
from jax.experimental.pallas import tpu_sc as plsc

N_NODES = 10000
DEG = 16
E_EDGES = N_NODES * DEG
C_Z = 128
H = 4
D_H = C_Z // H
NUM_RBF = 64
TBL_W = 128

G = 16
BLK_E = G * DEG
N_BLOCKS = E_EDGES // BLK_E

SC_NC = 2
SC_NS = 16
SC_W = SC_NC * SC_NS
SC_CHUNK = 128
SC_CPW = 10
E_PART = SC_W * SC_CPW * SC_CHUNK
N_PARTS = 4
E_PAD = N_PARTS * E_PART



def _table_body(nt_ref, nf_ref, w_ref, b_ref, out_ref):
    nf = nf_ref[...]
    nlr = jnp.dot(nf, w_ref[...], preferred_element_type=jnp.float32) + b_ref[...]
    nt = nt_ref[...]
    one = jnp.ones((nt.shape[0], 1), jnp.float32)
    z4 = jnp.zeros((nt.shape[0], 4), jnp.float32)
    zpad = jnp.zeros((nt.shape[0], TBL_W - 24), jnp.float32)
    out_ref[...] = jnp.concatenate([nt, one, z4, nlr, zpad], axis=1)


def _build_table(node_trans, node_features, W_lr, b_lr):
    blk = 2000
    grid = (N_NODES // blk,)
    return pl.pallas_call(
        _table_body,
        grid=grid,
        in_specs=[
            pl.BlockSpec((blk, 3), lambda i: (i, 0)),
            pl.BlockSpec((blk, C_Z), lambda i: (i, 0)),
            pl.BlockSpec((C_Z, 16), lambda i: (0, 0)),
            pl.BlockSpec((1, 16), lambda i: (0, 0)),
        ],
        out_specs=pl.BlockSpec((blk, TBL_W), lambda i: (i, 0)),
        out_shape=jax.ShapeDtypeStruct((N_NODES, TBL_W), jnp.float32),
    )(node_trans, node_features, W_lr, b_lr)



def _sc_gather_body(table_hbm, idx_hbm, out_hbm, idx_v, rows_v, sem):
    wid = lax.axis_index("s") * SC_NC + lax.axis_index("c")

    def chunk(c, carry):
        base = wid * (SC_CPW * SC_CHUNK) + c * SC_CHUNK
        pltpu.sync_copy(idx_hbm.at[pl.ds(base, SC_CHUNK)], idx_v)
        pltpu.async_copy(table_hbm.at[idx_v], rows_v, sem).wait()
        pltpu.sync_copy(rows_v, out_hbm.at[pl.ds(base, SC_CHUNK)])
        return carry

    lax.fori_loop(0, SC_CPW, chunk, 0)


def _sc_gather(table, idx_pad):
    f = functools.partial(
        pl.kernel,
        out_type=jax.ShapeDtypeStruct((E_PART, TBL_W), jnp.float32),
        mesh=plsc.VectorSubcoreMesh(
            core_axis_name="c", subcore_axis_name="s", num_cores=SC_NC),
        scratch_types=[
            pltpu.VMEM((SC_CHUNK,), jnp.int32),
            pltpu.VMEM((SC_CHUNK, TBL_W), jnp.float32),
            pltpu.SemaphoreType.DMA,
        ],
    )(_sc_gather_body)
    return f(table, idx_pad)



def _main_body(gat_ref, ef_ref, rrep_ref, trep_ref, neg_ref, ea_ref, eb_ref,
               lng_ref,
               lnb_ref, wq_ref, bq_ref, wkv_ref, bkv_ref, wg_ref, bg_ref,
               wbg_ref, bbg_ref, wdb_ref, bdb_ref, wtb_ref, wo_ref, bo_ref,
               out_ref):
    f32 = jnp.float32
    ef0 = ef_ref[...]
    mu_ = jnp.mean(ef0, axis=-1, keepdims=True)
    xc = ef0 - mu_
    var = jnp.mean(xc * xc, axis=-1, keepdims=True)
    ef = xc / jnp.sqrt(var + 1e-5) * lng_ref[...] + lnb_ref[...]

    q = jnp.dot(ef, wq_ref[...], preferred_element_type=f32) + bq_ref[...]
    kv = jnp.dot(ef, wkv_ref[...], preferred_element_type=f32) + bkv_ref[...]
    kk = kv[:, :C_Z]
    v = kv[:, C_Z:]
    gate = jax.nn.sigmoid(
        jnp.dot(ef, wg_ref[...], preferred_element_type=f32) + bg_ref[...])

    gat = gat_ref[...]

    def nbr16(col):
        cg = col.reshape(G, DEG)
        return jnp.broadcast_to(cg[:, None, :], (G, DEG, DEG)).reshape(
            BLK_E, DEG)

    tx, ty, tz = gat[:, 0:1], gat[:, 1:2], gat[:, 2:3]
    dx = tx - nbr16(tx)
    dy = ty - nbr16(ty)
    dz = tz - nbr16(tz)
    d2 = dx * dx + dy * dy + dz * dz
    rowm = lax.broadcasted_iota(jnp.int32, (BLK_E, DEG), 0) % DEG
    lane = lax.broadcasted_iota(jnp.int32, (BLK_E, DEG), 1)
    d2 = jnp.where(rowm == lane, jnp.inf, d2)

    d2_i = d2[:, None, :]
    d2_l = d2[:, :, None]
    li = lax.broadcasted_iota(jnp.int32, (1, DEG, DEG), 1)
    ii = lax.broadcasted_iota(jnp.int32, (1, DEG, DEG), 2)
    beats = (d2_l < d2_i) | ((d2_l == d2_i) & (li < ii))
    cnt = jnp.sum(beats.astype(f32), axis=1)
    sel128 = jnp.tile(cnt, (1, G)) < 8

    gat24 = gat[:, 0:24]
    lhsA = jnp.dot(gat24, ea_ref[...], preferred_element_type=f32)
    lhsB = jnp.dot(gat24, eb_ref[...], preferred_element_type=f32)
    aside = jnp.dot(rrep_ref[...], lhsA, preferred_element_type=f32)
    bside = jnp.dot(trep_ref[...], lhsB, preferred_element_type=f32)
    pair = aside[:, :64] * bside[:, :64]
    e3g = jnp.dot(pair, wbg_ref[...], preferred_element_type=f32) + bbg_ref[...]

    pq = aside[:, 64:67] - bside[:, 64:67]
    sq = pq * pq
    d1 = jnp.sqrt(sq[:, 0:1] + sq[:, 1:2] + sq[:, 2:3])
    mu_rbf = lax.broadcasted_iota(jnp.int32, (1, NUM_RBF), 1).astype(f32) * (
        20.0 / (NUM_RBF - 1))
    sigma = 20.0 / NUM_RBF
    rbf = jnp.exp(-(((d1 - mu_rbf) / sigma) ** 2))
    db = jnp.dot(rbf, wdb_ref[...], preferred_element_type=f32) + bdb_ref[...]

    zb = jax.nn.sigmoid(e3g) * db
    bias4 = jnp.dot(zb, wtb_ref[...], preferred_element_type=f32)
    b64h = jnp.swapaxes(bias4.reshape(BLK_E, DEG, H), 1, 2).reshape(
        BLK_E, DEG * H)

    neg = neg_ref[...]
    outs = []
    for h in range(H):
        qh = q[:, h * D_H:(h + 1) * D_H]
        kh = kk[:, h * D_H:(h + 1) * D_H]
        vh = v[:, h * D_H:(h + 1) * D_H]
        lg = lax.dot_general(qh, kh, (((1,), (1,)), ((), ())),
                             preferred_element_type=f32)
        lg = lg + jnp.tile(b64h[:, h * DEG:(h + 1) * DEG], (1, G)) + neg
        lg = jnp.where(sel128, lg, -jnp.inf)
        mx = jnp.max(lg, axis=-1, keepdims=True)
        ex = jnp.exp(lg - mx)
        sm = jnp.sum(ex, axis=-1, keepdims=True)
        p = ex / (sm + 1e-16)
        outs.append(jnp.dot(p, vh, preferred_element_type=f32))
    upd = jnp.concatenate(outs, axis=1)
    out = jnp.dot(upd * gate, wo_ref[...], preferred_element_type=f32)
    out_ref[...] = out + bo_ref[...]


def _main(gathered, edge_features, rrep, trep, neg, ea, eb, ln_gamma,
          ln_beta, W_q, b_q, W_kv, b_kv, W_gate, b_gate, W_bg, b_bg, W_db, b_db, W_tb,
          W_out, b_out, n_blocks, ef_off, out_rows):
    full = lambda shape: pl.BlockSpec(shape, lambda i: tuple(0 for _ in shape))
    return pl.pallas_call(
        _main_body,
        grid=(n_blocks,),
        in_specs=[
            pl.BlockSpec((BLK_E, TBL_W), lambda i: (i, 0)),
            pl.BlockSpec((BLK_E, C_Z), lambda i: (i + ef_off, 0)),
            full((BLK_E * DEG, BLK_E)), full((BLK_E * DEG, BLK_E)),
            full((BLK_E, BLK_E)),
            full((24, 67)), full((24, 67)),
            full((1, C_Z)), full((1, C_Z)),
            full((C_Z, C_Z)), full((1, C_Z)),
            full((C_Z, 2 * C_Z)), full((1, 2 * C_Z)),
            full((C_Z, C_Z)), full((1, C_Z)),
            full((64, C_Z)), full((1, C_Z)),
            full((NUM_RBF, C_Z)), full((1, C_Z)),
            full((C_Z, H)),
            full((C_Z, C_Z)), full((1, C_Z)),
        ],
        out_specs=pl.BlockSpec((BLK_E, C_Z), lambda i: (i, 0)),
        out_shape=jax.ShapeDtypeStruct((out_rows, C_Z), jnp.float32),
    )(gathered, edge_features, rrep, trep, neg, ea, eb, ln_gamma, ln_beta,
      W_q, b_q,
      W_kv, b_kv, W_gate, b_gate, W_bg, b_bg, W_db, b_db, W_tb, W_out, b_out)



def kernel(node_features, node_trans, edge_features, edge_index, k, ln_gamma,
           ln_beta, W_nl, b_nl, W_nr, b_nr, W_bg, b_bg, W_db, b_db, W_tb,
           W_q, b_q, W_kv, b_kv, W_gate, b_gate, W_out, b_out):
    W_lr = jnp.concatenate([W_nl, W_nr], axis=1)
    b_lr = jnp.concatenate([b_nl, b_nr])[None, :]
    table = _build_table(node_trans, node_features, W_lr, b_lr)
    src = jnp.pad(edge_index[0].astype(jnp.int32), (0, E_PAD - E_EDGES))
    gs = [_sc_gather(table, src[i * E_PART:(i + 1) * E_PART])
          for i in range(N_PARTS)]
    p_ = np.arange(BLK_E * DEG)
    rrep = jnp.asarray((p_[:, None] // DEG) == np.arange(BLK_E)[None, :],
                       dtype=jnp.float32)
    tcol = (p_ // (DEG * DEG)) * DEG + (p_ % DEG)
    trep = jnp.asarray(tcol[:, None] == np.arange(BLK_E)[None, :],
                       dtype=jnp.float32)
    gsame = (np.arange(BLK_E)[:, None] // DEG) == (np.arange(BLK_E)[None, :]
                                                   // DEG)
    neg = jnp.asarray(np.where(gsame, 0.0, -np.inf), dtype=jnp.float32)
    ea_np = np.zeros((24, 67), np.float32)
    eb_np = np.zeros((24, 67), np.float32)
    for u in range(8):
        ea_np[8 + u, u * 8:(u + 1) * 8] = 1.0
        eb_np[16 + u, u:64:8] = 1.0
    for c in range(3):
        ea_np[c, 64 + c] = 1.0
        eb_np[c, 64 + c] = 1.0
    ea_np[3, 64:67] = 1e-8
    ea = jnp.asarray(ea_np)
    eb = jnp.asarray(eb_np)
    scale = jnp.float32(1.0 / np.sqrt(C_Z))
    row = lambda x: x[None, :]
    wargs = (rrep, trep, neg, ea, eb, row(ln_gamma), row(ln_beta),
             W_q * scale, row(b_q * scale), W_kv, row(b_kv), W_gate,
             row(b_gate), W_bg, row(b_bg), W_db, row(b_db), W_tb, W_out,
             row(b_out))
    nbp = E_PART // BLK_E
    outs = []
    for i in range(N_PARTS):
        rows = min(E_PART, E_EDGES - i * E_PART)
        outs.append(_main(gs[i], edge_features, *wargs,
                          n_blocks=rows // BLK_E, ef_off=i * nbp,
                          out_rows=rows))
    return jnp.concatenate(outs, axis=0)

# --- scband reference (transcript-rebuilt; emitter-appended) ---
"""Pipeline reference for scband-sparse-triangle-self-attention-37134287242029 (READ-ONLY COPY).

The authoritative reference and input builder live on the scoring server;
editing this copy changes nothing except your own understanding.
"""

import jax, jax.numpy as jnp
import numpy as np

N = 10000
DEG = 16
E = N * DEG
C_S = 128
C_Z = 128
C_GATE = 8
H = 4
D_H = C_Z // H
NUM_RBF = 64


def _rbf(d, D_count=64, D_min=0.0, D_max=20.0):
    mu = jnp.linspace(D_min, D_max, D_count)
    sigma = (D_max - D_min) / D_count
    return jnp.exp(-(((d[..., None] - mu) / sigma) ** 2))


def _layer_norm(x, g, b, eps=1e-5):
    m = jnp.mean(x, axis=-1, keepdims=True)
    v = jnp.var(x, axis=-1, keepdims=True)
    return (x - m) / jnp.sqrt(v + eps) * g + b


def _knn_edge_graph(pos, k):
    # pos: [E, 3] positions of edge source nodes; edges are grouped contiguously
    # by destination node (batch = edge_index[1]), DEG edges per group.
    k_static = 8
    p = pos.reshape(N, DEG, 3)
    d2 = jnp.sum((p[:, :, None, :] - p[:, None, :, :]) ** 2, axis=-1)
    d2 = jnp.where(jnp.eye(DEG, dtype=bool)[None, :, :], jnp.inf, d2)
    _, nbr = jax.lax.top_k(-d2, k_static)  # [N, DEG, k]
    base = (jnp.arange(N) * DEG + k * 0)[:, None, None]
    src = (nbr + base).reshape(-1)
    dst = (jnp.broadcast_to(jnp.arange(DEG)[None, :, None], (N, DEG, k_static)) + base).reshape(-1)
    return jnp.stack([src, dst], axis=0)


def _segment_softmax(x, index, num_segments):
    m = jax.ops.segment_max(x, index, num_segments=num_segments)
    m = jax.lax.stop_gradient(jnp.where(jnp.isfinite(m), m, 0.0))
    ex = jnp.exp(x - m[index])
    s = jax.ops.segment_sum(ex, index, num_segments=num_segments)
    return ex / (s[index] + 1e-16)


def _forward(node_features, node_trans, edge_features, ln_gamma, ln_beta, W_nl, b_nl, W_nr, b_nr, W_bg, b_bg, W_db, b_db, W_tb, W_q, b_q, W_kv, b_kv, W_gate, b_gate, W_out, b_out, edge_index, k, eps=1e-8):
    eei = _knn_edge_graph(node_trans[edge_index[0]], k)
    e3n1 = edge_index[0][eei[1]]
    e3n2 = edge_index[0][eei[0]]
    ef = _layer_norm(edge_features, ln_gamma, ln_beta)
    nl = node_features @ W_nl + b_nl
    nr = node_features @ W_nr + b_nr
    a = nl[e3n1]
    b = nr[e3n2]
    edge3 = (a[:, :, None] * b[:, None, :]).reshape(-1, C_GATE * C_GATE)
    edge3_gate = edge3 @ W_bg + b_bg
    t1 = node_trans[e3n1]
    t2 = node_trans[e3n2]
    dist = jnp.linalg.norm(t1 - t2 + eps, axis=-1)
    rbf = _rbf(dist, NUM_RBF)
    dist_bias = rbf @ W_db + b_db
    bias = (jax.nn.sigmoid(edge3_gate) * dist_bias) @ W_tb  # [M, H]
    q = (ef @ W_q + b_q).reshape(-1, H, D_H)
    kv = ef @ W_kv + b_kv
    kk = kv[:, :C_Z].reshape(-1, H, D_H)
    v = kv[:, C_Z:].reshape(-1, H, D_H)
    attn = jnp.sum(q[eei[1]] * kk[eei[0]], axis=-1) / np.sqrt(C_Z)
    attn = attn + bias
    attn = _segment_softmax(attn, eei[1], E)
    upd = jax.ops.segment_sum(v[eei[0]] * attn[..., None], eei[1], num_segments=E)
    upd = upd.reshape(-1, C_Z)
    upd = upd * jax.nn.sigmoid(ef @ W_gate + b_gate)
    upd = upd @ W_out + b_out
    return upd


def setup_inputs(seed: int = 0):
    key = jax.random.key(seed)
    ks = jax.random.split(key, 16)
    inp = {}
    inp['node_features'] = jax.random.normal(ks[0], (N, C_S), dtype=jnp.float32)
    inp['node_trans'] = jax.random.normal(ks[1], (N, 3), dtype=jnp.float32) * 10.0
    inp['edge_features'] = jax.random.normal(ks[2], (E, C_Z), dtype=jnp.float32)
    src = jax.random.randint(ks[3], (E,), 0, N)
    dst = jnp.repeat(jnp.arange(N), DEG)
    inp['edge_index'] = jnp.stack([src, dst], axis=0)
    inp['k'] = 8
    inp['ln_gamma'] = jnp.ones((C_Z,), dtype=jnp.float32)
    inp['ln_beta'] = jnp.zeros((C_Z,), dtype=jnp.float32)
    inp['W_nl'] = jax.random.normal(ks[4], (C_S, C_GATE), dtype=jnp.float32) / np.sqrt(C_S)
    inp['b_nl'] = jnp.zeros((C_GATE,), dtype=jnp.float32)
    inp['W_nr'] = jax.random.normal(ks[5], (C_S, C_GATE), dtype=jnp.float32) / np.sqrt(C_S)
    inp['b_nr'] = jnp.zeros((C_GATE,), dtype=jnp.float32)
    inp['W_bg'] = jax.random.normal(ks[6], (C_GATE * C_GATE, C_Z), dtype=jnp.float32) * 0.02
    inp['b_bg'] = jnp.ones((C_Z,), dtype=jnp.float32)
    inp['W_db'] = jax.random.normal(ks[7], (NUM_RBF, C_Z), dtype=jnp.float32) / np.sqrt(NUM_RBF)
    inp['b_db'] = jnp.zeros((C_Z,), dtype=jnp.float32)
    inp['W_tb'] = jax.random.normal(ks[8], (C_Z, H), dtype=jnp.float32) * 0.02
    inp['W_q'] = jax.random.normal(ks[9], (C_Z, C_Z), dtype=jnp.float32) / np.sqrt(C_Z)
    inp['b_q'] = jnp.zeros((C_Z,), dtype=jnp.float32)
    inp['W_kv'] = jax.random.normal(ks[10], (C_Z, 2 * C_Z), dtype=jnp.float32) / np.sqrt(C_Z)
    inp['b_kv'] = jnp.zeros((2 * C_Z,), dtype=jnp.float32)
    inp['W_gate'] = jax.random.normal(ks[11], (C_Z, C_Z), dtype=jnp.float32) * 0.02
    inp['b_gate'] = jnp.ones((C_Z,), dtype=jnp.float32)
    inp['W_out'] = jax.random.normal(ks[12], (C_Z, C_Z), dtype=jnp.float32) * 0.02
    inp['b_out'] = jnp.zeros((C_Z,), dtype=jnp.float32)
    return inp


def reference(node_features, node_trans, edge_features, edge_index, k, ln_gamma, ln_beta, W_nl, b_nl, W_nr, b_nr, W_bg, b_bg, W_db, b_db, W_tb, W_q, b_q, W_kv, b_kv, W_gate, b_gate, W_out, b_out):
    return _forward(node_features, node_trans, edge_features, ln_gamma, ln_beta, W_nl, b_nl, W_nr, b_nr, W_bg, b_bg, W_db, b_db, W_tb, W_q, b_q, W_kv, b_kv, W_gate, b_gate, W_out, b_out, edge_index, k)

if __name__ == "__main__":
    import jax
    _d = setup_inputs()
    print(jax.jit(kernel)(*tuple(_d.values())))

</pallas_src>

<mosaic_0001>
#map = affine_map<(d0, d1) -> (0, 0)>
#map1 = affine_map<(d0, d1) -> (0)>
module attributes {stable_mosaic.version = 14 : i64} {
  func.func @_sc_gather_body(%arg0: i32, %arg1: i32, %arg2: memref<10000x128xf32, #tpu.memory_space<hbm>>, %arg3: memref<40960xi32, #tpu.memory_space<hbm>>, %arg4: memref<40960x128xf32, #tpu.memory_space<hbm>>, %arg5: memref<128xi32, #tpu.memory_space<vmem>>, %arg6: memref<128x128xf32, #tpu.memory_space<vmem>>, %arg7: memref<!tpu.dma_semaphore, #tpu.memory_space<semaphore_mem>>) attributes {dimension_semantics = [#tpu.dimension_semantics<core_parallel>, #tpu.dimension_semantics<subcore_parallel>], iteration_bounds = array<i64: 2, 16>, scalar_prefetch = 0 : i64, scratch_operands = 3 : i64, tpu.core_type = #tpu.core_type<sc_vector_subcore>, window_params = [{transform_indices = #map}, {transform_indices = #map1}, {transform_indices = #map}]} {
    %mul3A = arith.constant 2 : i32
    %mul3A_0 = arith.muli %arg1, %mul3A : i32
    %add3A = arith.addi %mul3A_0, %arg0 : i32
    %scan3A = arith.constant 0 : i32
    %scan3A_1 = arith.constant 0 : i32
    %scan3A_2 = arith.constant 10 : i32
    %scan3A_3 = arith.addi %scan3A_1, %scan3A_2 : i32
    %scan3A_4 = arith.constant 1 : i32
    scf.for %scan3A_6 = %scan3A_1 to %scan3A_3 step %scan3A_4  : i32 {
      %mul3A_7 = arith.constant 1280 : i32
      %mul3A_8 = arith.muli %add3A, %mul3A_7 : i32
      %mul3A_9 = arith.constant 128 : i32
      %mul3A_10 = arith.muli %scan3A_6, %mul3A_9 : i32
      %add3A_11 = arith.addi %mul3A_8, %mul3A_10 : i32
      "tpu.region"() ({
        %run_scoped3A = tpu.sem_alloc : memref<!tpu.dma_semaphore, #tpu.memory_space<semaphore_mem>>
        %dma_start3A_16 = tpu.memref_slice %arg3[%add3A_11] : memref<40960xi32, #tpu.memory_space<hbm>> -> memref<128xi32, #tpu.memory_space<hbm>>
        %dma_start3A_17 = tpu.memref_slice %arg3[%add3A_11] : memref<40960xi32, #tpu.memory_space<hbm>> -> memref<128xi32, #tpu.memory_space<hbm>>
        tpu.enqueue_dma source(%dma_start3A_17 : memref<128xi32, #tpu.memory_space<hbm>>) target(%arg5 : memref<128xi32, #tpu.memory_space<vmem>>) target_semaphore(%run_scoped3A : memref<!tpu.dma_semaphore, #tpu.memory_space<semaphore_mem>>)
        %dma_wait3A_18 = tpu.memref_slice %arg3[%add3A_11] : memref<40960xi32, #tpu.memory_space<hbm>> -> memref<128xi32, #tpu.memory_space<hbm>>
        %dma_wait3A_19 = tpu.memref_slice %arg3[%add3A_11] : memref<40960xi32, #tpu.memory_space<hbm>> -> memref<128xi32, #tpu.memory_space<hbm>>
        tpu.wait_dma2 semaphore(%run_scoped3A : memref<!tpu.dma_semaphore, #tpu.memory_space<semaphore_mem>>) src(%dma_wait3A_19 : memref<128xi32, #tpu.memory_space<hbm>>) dst(%arg5 : memref<128xi32, #tpu.memory_space<vmem>>)
        tpu.yield
      }) : () -> ()
      %dma_start3A = arith.constant 0 : i32
      %dma_start3A_12 = arith.constant 0 : i32
      %dma_start3A_13 = tpu.memref_slice %arg2[%dma_start3A, %dma_start3A_12] : memref<10000x128xf32, #tpu.memory_space<hbm>> -> memref<10000x128xf32, #tpu.memory_space<hbm>>
      tpu.enqueue_indirect_dma source(%dma_start3A_13 : memref<10000x128xf32, #tpu.memory_space<hbm>>) target(%arg6 : memref<128x128xf32, #tpu.memory_space<vmem>>) offsets(%arg5 : memref<128xi32, #tpu.memory_space<vmem>>) semaphore(%arg7 : memref<!tpu.dma_semaphore, #tpu.memory_space<semaphore_mem>>)
      %dma_wait3A = arith.constant 0 : i32
      %dma_wait3A_14 = arith.constant 0 : i32
      %dma_wait3A_15 = tpu.memref_slice %arg2[%dma_wait3A, %dma_wait3A_14] : memref<10000x128xf32, #tpu.memory_space<hbm>> -> memref<10000x128xf32, #tpu.memory_space<hbm>>
      tpu.wait_indirect_dma semaphore(%arg7 : memref<!tpu.dma_semaphore, #tpu.memory_space<semaphore_mem>>) src(%dma_wait3A_15 : memref<10000x128xf32, #tpu.memory_space<hbm>>) dst(%arg6 : memref<128x128xf32, #tpu.memory_space<vmem>>)
      "tpu.region"() ({
        %run_scoped3A = tpu.sem_alloc : memref<!tpu.dma_semaphore, #tpu.memory_space<semaphore_mem>>
        %dma_start3A_16 = arith.constant 0 : i32
        %dma_start3A_17 = tpu.memref_slice %arg4[%add3A_11, %dma_start3A_16] : memref<40960x128xf32, #tpu.memory_space<hbm>> -> memref<128x128xf32, #tpu.memory_space<hbm>>
        %dma_start3A_18 = arith.constant 0 : i32
        %dma_start3A_19 = tpu.memref_slice %arg4[%add3A_11, %dma_start3A_18] : memref<40960x128xf32, #tpu.memory_space<hbm>> -> memref<128x128xf32, #tpu.memory_space<hbm>>
        tpu.enqueue_dma source(%arg6 : memref<128x128xf32, #tpu.memory_space<vmem>>) target(%dma_start3A_19 : memref<128x128xf32, #tpu.memory_space<hbm>>) target_semaphore(%run_scoped3A : memref<!tpu.dma_semaphore, #tpu.memory_space<semaphore_mem>>)
        %dma_wait3A_20 = arith.constant 0 : i32
        %dma_wait3A_21 = tpu.memref_slice %arg4[%add3A_11, %dma_wait3A_20] : memref<40960x128xf32, #tpu.memory_space<hbm>> -> memref<128x128xf32, #tpu.memory_space<hbm>>
        %dma_wait3A_22 = arith.constant 0 : i32
        %dma_wait3A_23 = tpu.memref_slice %arg4[%add3A_11, %dma_wait3A_22] : memref<40960x128xf32, #tpu.memory_space<hbm>> -> memref<128x128xf32, #tpu.memory_space<hbm>>
        tpu.wait_dma2 semaphore(%run_scoped3A : memref<!tpu.dma_semaphore, #tpu.memory_space<semaphore_mem>>) src(%arg6 : memref<128x128xf32, #tpu.memory_space<vmem>>) dst(%dma_wait3A_23 : memref<128x128xf32, #tpu.memory_space<hbm>>)
        tpu.yield
      }) : () -> ()
    }
    %scan3A_5 = arith.constant 10 : i32
    return
  }
}

#map = affine_map<(d0, d1) -> (0, 0)>
#map1 = affine_map<(d0, d1) -> (0)>
module attributes {stable_mosaic.version = 14 : i64} {
  func.func @_sc_gather_body(%arg0: i32, %arg1: i32, %arg2: memref<10000x128xf32, #tpu.memory_space<hbm>>, %arg3: memref<40960xi32, #tpu.memory_space<hbm>>, %arg4: memref<40960x128xf32, #tpu.memory_space<hbm>>, %arg5: memref<128xi32, #tpu.memory_space<vmem>>, %arg6: memref<128x128xf32, #tpu.memory_space<vmem>>, %arg7: memref<!tpu.dma_semaphore, #tpu.memory_space<semaphore_mem>>) attributes {dimension_semantics = [#tpu.dimension_semantics<core_parallel>, #tpu.dimension_semantics<subcore_parallel>], iteration_bounds = array<i64: 2, 16>, scalar_prefetch = 0 : i64, scratch_operands = 3 : i64, tpu.core_type = #tpu.core_type<sc_vector_subcore>, window_params = [{transform_indices = #map}, {transform_indices = #map1}, {transform_indices = #map}]} {
    %mul3A = arith.constant 2 : i32
    %mul3A_0 = arith.muli %arg1, %mul3A : i32
    %add3A = arith.addi %mul3A_0, %arg0 : i32
    %scan3A = arith.constant 0 : i32
    %scan3A_1 = arith.constant 0 : i32
    %scan3A_2 = arith.constant 10 : i32
    %scan3A_3 = arith.addi %scan3A_1, %scan3A_2 : i32
    %scan3A_4 = arith.constant 1 : i32
    scf.for %scan3A_6 = %scan3A_1 to %scan3A_3 step %scan3A_4  : i32 {
      %mul3A_7 = arith.constant 1280 : i32
      %mul3A_8 = arith.muli %add3A, %mul3A_7 : i32
      %mul3A_9 = arith.constant 128 : i32
      %mul3A_10 = arith.muli %scan3A_6, %mul3A_9 : i32
      %add3A_11 = arith.addi %mul3A_8, %mul3A_10 : i32
      "tpu.region"() ({
        %run_scoped3A = tpu.sem_alloc : memref<!tpu.dma_semaphore, #tpu.memory_space<semaphore_mem>>
        %dma_start3A_16 = tpu.memref_slice %arg3[%add3A_11] : memref<40960xi32, #tpu.memory_space<hbm>> -> memref<128xi32, #tpu.memory_space<hbm>>
        %dma_start3A_17 = tpu.memref_slice %arg3[%add3A_11] : memref<40960xi32, #tpu.memory_space<hbm>> -> memref<128xi32, #tpu.memory_space<hbm>>
        tpu.enqueue_dma source(%dma_start3A_17 : memref<128xi32, #tpu.memory_space<hbm>>) target(%arg5 : memref<128xi32, #tpu.memory_space<vmem>>) target_semaphore(%run_scoped3A : memref<!tpu.dma_semaphore, #tpu.memory_space<semaphore_mem>>)
        %dma_wait3A_18 = tpu.memref_slice %arg3[%add3A_11] : memref<40960xi32, #tpu.memory_space<hbm>> -> memref<128xi32, #tpu.memory_space<hbm>>
        %dma_wait3A_19 = tpu.memref_slice %arg3[%add3A_11] : memref<40960xi32, #tpu.memory_space<hbm>> -> memref<128xi32, #tpu.memory_space<hbm>>
        tpu.wait_dma2 semaphore(%run_scoped3A : memref<!tpu.dma_semaphore, #tpu.memory_space<semaphore_mem>>) src(%dma_wait3A_19 : memref<128xi32, #tpu.memory_space<hbm>>) dst(%arg5 : memref<128xi32, #tpu.memory_space<vmem>>)
        tpu.yield
      }) : () -> ()
      %dma_start3A = arith.constant 0 : i32
      %dma_start3A_12 = arith.constant 0 : i32
      %dma_start3A_13 = tpu.memref_slice %arg2[%dma_start3A, %dma_start3A_12] : memref<10000x128xf32, #tpu.memory_space<hbm>> -> memref<10000x128xf32, #tpu.memory_space<hbm>>
      tpu.enqueue_indirect_dma source(%dma_start3A_13 : memref<10000x128xf32, #tpu.memory_space<hbm>>) target(%arg6 : memref<128x128xf32, #tpu.memory_space<vmem>>) offsets(%arg5 : memref<128xi32, #tpu.memory_space<vmem>>) semaphore(%arg7 : memref<!tpu.dma_semaphore, #tpu.memory_space<semaphore_mem>>)
      %dma_wait3A = arith.constant 0 : i32
      %dma_wait3A_14 = arith.constant 0 : i32
      %dma_wait3A_15 = tpu.memref_slice %arg2[%dma_wait3A, %dma_wait3A_14] : memref<10000x128xf32, #tpu.memory_space<hbm>> -> memref<10000x128xf32, #tpu.memory_space<hbm>>
      tpu.wait_indirect_dma semaphore(%arg7 : memref<!tpu.dma_semaphore, #tpu.memory_space<semaphore_mem>>) src(%dma_wait3A_15 : memref<10000x128xf32, #tpu.memory_space<hbm>>) dst(%arg6 : memref<128x128xf32, #tpu.memory_space<vmem>>)
      "tpu.region"() ({
        %run_scoped3A = tpu.sem_alloc : memref<!tpu.dma_semaphore, #tpu.memory_space<semaphore_mem>>
        %dma_start3A_16 = arith.constant 0 : i32
        %dma_start3A_17 = tpu.memref_slice %arg4[%add3A_11, %dma_start3A_16] : memref<40960x128xf32, #tpu.memory_space<hbm>> -> memref<128x128xf32, #tpu.memory_space<hbm>>
        %dma_start3A_18 = arith.constant 0 : i32
        %dma_start3A_19 = tpu.memref_slice %arg4[%add3A_11, %dma_start3A_18] : memref<40960x128xf32, #tpu.memory_space<hbm>> -> memref<128x128xf32, #tpu.memory_space<hbm>>
        tpu.enqueue_dma source(%arg6 : memref<128x128xf32, #tpu.memory_space<vmem>>) target(%dma_start3A_19 : memref<128x128xf32, #tpu.memory_space<hbm>>) target_semaphore(%run_scoped3A : memref<!tpu.dma_semaphore, #tpu.memory_space<semaphore_mem>>)
        %dma_wait3A_20 = arith.constant 0 : i32
        %dma_wait3A_21 = tpu.memref_slice %arg4[%add3A_11, %dma_wait3A_20] : memref<40960x128xf32, #tpu.memory_space<hbm>> -> memref<128x128xf32, #tpu.memory_space<hbm>>
        %dma_wait3A_22 = arith.constant 0 : i32
        %dma_wait3A_23 = tpu.memref_slice %arg4[%add3A_11, %dma_wait3A_22] : memref<40960x128xf32, #tpu.memory_space<hbm>> -> memref<128x128xf32, #tpu.memory_space<hbm>>
        tpu.wait_dma2 semaphore(%run_scoped3A : memref<!tpu.dma_semaphore, #tpu.memory_space<semaphore_mem>>) src(%arg6 : memref<128x128xf32, #tpu.memory_space<vmem>>) dst(%dma_wait3A_23 : memref<128x128xf32, #tpu.memory_space<hbm>>)
        tpu.yield
      }) : () -> ()
    }
    %scan3A_5 = arith.constant 10 : i32
    return
  }
}

#map = affine_map<(d0, d1) -> (0, 0)>
#map1 = affine_map<(d0, d1) -> (0)>
module attributes {stable_mosaic.version = 14 : i64} {
  func.func @_sc_gather_body(%arg0: i32, %arg1: i32, %arg2: memref<10000x128xf32, #tpu.memory_space<hbm>>, %arg3: memref<40960xi32, #tpu.memory_space<hbm>>, %arg4: memref<40960x128xf32, #tpu.memory_space<hbm>>, %arg5: memref<128xi32, #tpu.memory_space<vmem>>, %arg6: memref<128x128xf32, #tpu.memory_space<vmem>>, %arg7: memref<!tpu.dma_semaphore, #tpu.memory_space<semaphore_mem>>) attributes {dimension_semantics = [#tpu.dimension_semantics<core_parallel>, #tpu.dimension_semantics<subcore_parallel>], iteration_bounds = array<i64: 2, 16>, scalar_prefetch = 0 : i64, scratch_operands = 3 : i64, tpu.core_type = #tpu.core_type<sc_vector_subcore>, window_params = [{transform_indices = #map}, {transform_indices = #map1}, {transform_indices = #map}]} {
    %mul3A = arith.constant 2 : i32
    %mul3A_0 = arith.muli %arg1, %mul3A : i32
    %add3A = arith.addi %mul3A_0, %arg0 : i32
    %scan3A = arith.constant 0 : i32
    %scan3A_1 = arith.constant 0 : i32
    %scan3A_2 = arith.constant 10 : i32
    %scan3A_3 = arith.addi %scan3A_1, %scan3A_2 : i32
    %scan3A_4 = arith.constant 1 : i32
    scf.for %scan3A_6 = %scan3A_1 to %scan3A_3 step %scan3A_4  : i32 {
      %mul3A_7 = arith.constant 1280 : i32
      %mul3A_8 = arith.muli %add3A, %mul3A_7 : i32
      %mul3A_9 = arith.constant 128 : i32
      %mul3A_10 = arith.muli %scan3A_6, %mul3A_9 : i32
      %add3A_11 = arith.addi %mul3A_8, %mul3A_10 : i32
      "tpu.region"() ({
        %run_scoped3A = tpu.sem_alloc : memref<!tpu.dma_semaphore, #tpu.memory_space<semaphore_mem>>
        %dma_start3A_16 = tpu.memref_slice %arg3[%add3A_11] : memref<40960xi32, #tpu.memory_space<hbm>> -> memref<128xi32, #tpu.memory_space<hbm>>
        %dma_start3A_17 = tpu.memref_slice %arg3[%add3A_11] : memref<40960xi32, #tpu.memory_space<hbm>> -> memref<128xi32, #tpu.memory_space<hbm>>
        tpu.enqueue_dma source(%dma_start3A_17 : memref<128xi32, #tpu.memory_space<hbm>>) target(%arg5 : memref<128xi32, #tpu.memory_space<vmem>>) target_semaphore(%run_scoped3A : memref<!tpu.dma_semaphore, #tpu.memory_space<semaphore_mem>>)
        %dma_wait3A_18 = tpu.memref_slice %arg3[%add3A_11] : memref<40960xi32, #tpu.memory_space<hbm>> -> memref<128xi32, #tpu.memory_space<hbm>>
        %dma_wait3A_19 = tpu.memref_slice %arg3[%add3A_11] : memref<40960xi32, #tpu.memory_space<hbm>> -> memref<128xi32, #tpu.memory_space<hbm>>
        tpu.wait_dma2 semaphore(%run_scoped3A : memref<!tpu.dma_semaphore, #tpu.memory_space<semaphore_mem>>) src(%dma_wait3A_19 : memref<128xi32, #tpu.memory_space<hbm>>) dst(%arg5 : memref<128xi32, #tpu.memory_space<vmem>>)
        tpu.yield
      }) : () -> ()
      %dma_start3A = arith.constant 0 : i32
      %dma_start3A_12 = arith.constant 0 : i32
      %dma_start3A_13 = tpu.memref_slice %arg2[%dma_start3A, %dma_start3A_12] : memref<10000x128xf32, #tpu.memory_space<hbm>> -> memref<10000x128xf32, #tpu.memory_space<hbm>>
      tpu.enqueue_indirect_dma source(%dma_start3A_13 : memref<10000x128xf32, #tpu.memory_space<hbm>>) target(%arg6 : memref<128x128xf32, #tpu.memory_space<vmem>>) offsets(%arg5 : memref<128xi32, #tpu.memory_space<vmem>>) semaphore(%arg7 : memref<!tpu.dma_semaphore, #tpu.memory_space<semaphore_mem>>)
      %dma_wait3A = arith.constant 0 : i32
      %dma_wait3A_14 = arith.constant 0 : i32
      %dma_wait3A_15 = tpu.memref_slice %arg2[%dma_wait3A, %dma_wait3A_14] : memref<10000x128xf32, #tpu.memory_space<hbm>> -> memref<10000x128xf32, #tpu.memory_space<hbm>>
      tpu.wait_indirect_dma semaphore(%arg7 : memref<!tpu.dma_semaphore, #tpu.memory_space<semaphore_mem>>) src(%dma_wait3A_15 : memref<10000x128xf32, #tpu.memory_space<hbm>>) dst(%arg6 : memref<128x128xf32, #tpu.memory_space<vmem>>)
      "tpu.region"() ({
        %run_scoped3A = tpu.sem_alloc : memref<!tpu.dma_semaphore, #tpu.memory_space<semaphore_mem>>
        %dma_start3A_16 = arith.constant 0 : i32
        %dma_start3A_17 = tpu.memref_slice %arg4[%add3A_11, %dma_start3A_16] : memref<40960x128xf32, #tpu.memory_space<hbm>> -> memref<128x128xf32, #tpu.memory_space<hbm>>
        %dma_start3A_18 = arith.constant 0 : i32
        %dma_start3A_19 = tpu.memref_slice %arg4[%add3A_11, %dma_start3A_18] : memref<40960x128xf32, #tpu.memory_space<hbm>> -> memref<128x128xf32, #tpu.memory_space<hbm>>
        tpu.enqueue_dma source(%arg6 : memref<128x128xf32, #tpu.memory_space<vmem>>) target(%dma_start3A_19 : memref<128x128xf32, #tpu.memory_space<hbm>>) target_semaphore(%run_scoped3A : memref<!tpu.dma_semaphore, #tpu.memory_space<semaphore_mem>>)
        %dma_wait3A_20 = arith.constant 0 : i32
        %dma_wait3A_21 = tpu.memref_slice %arg4[%add3A_11, %dma_wait3A_20] : memref<40960x128xf32, #tpu.memory_space<hbm>> -> memref<128x128xf32, #tpu.memory_space<hbm>>
        %dma_wait3A_22 = arith.constant 0 : i32
        %dma_wait3A_23 = tpu.memref_slice %arg4[%add3A_11, %dma_wait3A_22] : memref<40960x128xf32, #tpu.memory_space<hbm>> -> memref<128x128xf32, #tpu.memory_space<hbm>>
        tpu.wait_dma2 semaphore(%run_scoped3A : memref<!tpu.dma_semaphore, #tpu.memory_space<semaphore_mem>>) src(%arg6 : memref<128x128xf32, #tpu.memory_space<vmem>>) dst(%dma_wait3A_23 : memref<128x128xf32, #tpu.memory_space<hbm>>)
        tpu.yield
      }) : () -> ()
    }
    %scan3A_5 = arith.constant 10 : i32
    return
  }
}

#map = affine_map<(d0, d1) -> (0, 0)>
#map1 = affine_map<(d0, d1) -> (0)>
module attributes {stable_mosaic.version = 14 : i64} {
  func.func @_sc_gather_body(%arg0: i32, %arg1: i32, %arg2: memref<10000x128xf32, #tpu.memory_space<hbm>>, %arg3: memref<40960xi32, #tpu.memory_space<hbm>>, %arg4: memref<40960x128xf32, #tpu.memory_space<hbm>>, %arg5: memref<128xi32, #tpu.memory_space<vmem>>, %arg6: memref<128x128xf32, #tpu.memory_space<vmem>>, %arg7: memref<!tpu.dma_semaphore, #tpu.memory_space<semaphore_mem>>) attributes {dimension_semantics = [#tpu.dimension_semantics<core_parallel>, #tpu.dimension_semantics<subcore_parallel>], iteration_bounds = array<i64: 2, 16>, scalar_prefetch = 0 : i64, scratch_operands = 3 : i64, tpu.core_type = #tpu.core_type<sc_vector_subcore>, window_params = [{transform_indices = #map}, {transform_indices = #map1}, {transform_indices = #map}]} {
    %mul3A = arith.constant 2 : i32
    %mul3A_0 = arith.muli %arg1, %mul3A : i32
    %add3A = arith.addi %mul3A_0, %arg0 : i32
    %scan3A = arith.constant 0 : i32
    %scan3A_1 = arith.constant 0 : i32
    %scan3A_2 = arith.constant 10 : i32
    %scan3A_3 = arith.addi %scan3A_1, %scan3A_2 : i32
    %scan3A_4 = arith.constant 1 : i32
    scf.for %scan3A_6 = %scan3A_1 to %scan3A_3 step %scan3A_4  : i32 {
      %mul3A_7 = arith.constant 1280 : i32
      %mul3A_8 = arith.muli %add3A, %mul3A_7 : i32
      %mul3A_9 = arith.constant 128 : i32
      %mul3A_10 = arith.muli %scan3A_6, %mul3A_9 : i32
      %add3A_11 = arith.addi %mul3A_8, %mul3A_10 : i32
      "tpu.region"() ({
        %run_scoped3A = tpu.sem_alloc : memref<!tpu.dma_semaphore, #tpu.memory_space<semaphore_mem>>
        %dma_start3A_16 = tpu.memref_slice %arg3[%add3A_11] : memref<40960xi32, #tpu.memory_space<hbm>> -> memref<128xi32, #tpu.memory_space<hbm>>
        %dma_start3A_17 = tpu.memref_slice %arg3[%add3A_11] : memref<40960xi32, #tpu.memory_space<hbm>> -> memref<128xi32, #tpu.memory_space<hbm>>
        tpu.enqueue_dma source(%dma_start3A_17 : memref<128xi32, #tpu.memory_space<hbm>>) target(%arg5 : memref<128xi32, #tpu.memory_space<vmem>>) target_semaphore(%run_scoped3A : memref<!tpu.dma_semaphore, #tpu.memory_space<semaphore_mem>>)
        %dma_wait3A_18 = tpu.memref_slice %arg3[%add3A_11] : memref<40960xi32, #tpu.memory_space<hbm>> -> memref<128xi32, #tpu.memory_space<hbm>>
        %dma_wait3A_19 = tpu.memref_slice %arg3[%add3A_11] : memref<40960xi32, #tpu.memory_space<hbm>> -> memref<128xi32, #tpu.memory_space<hbm>>
        tpu.wait_dma2 semaphore(%run_scoped3A : memref<!tpu.dma_semaphore, #tpu.memory_space<semaphore_mem>>) src(%dma_wait3A_19 : memref<128xi32, #tpu.memory_space<hbm>>) dst(%arg5 : memref<128xi32, #tpu.memory_space<vmem>>)
        tpu.yield
      }) : () -> ()
      %dma_start3A = arith.constant 0 : i32
      %dma_start3A_12 = arith.constant 0 : i32
      %dma_start3A_13 = tpu.memref_slice %arg2[%dma_start3A, %dma_start3A_12] : memref<10000x128xf32, #tpu.memory_space<hbm>> -> memref<10000x128xf32, #tpu.memory_space<hbm>>
      tpu.enqueue_indirect_dma source(%dma_start3A_13 : memref<10000x128xf32, #tpu.memory_space<hbm>>) target(%arg6 : memref<128x128xf32, #tpu.memory_space<vmem>>) offsets(%arg5 : memref<128xi32, #tpu.memory_space<vmem>>) semaphore(%arg7 : memref<!tpu.dma_semaphore, #tpu.memory_space<semaphore_mem>>)
      %dma_wait3A = arith.constant 0 : i32
      %dma_wait3A_14 = arith.constant 0 : i32
      %dma_wait3A_15 = tpu.memref_slice %arg2[%dma_wait3A, %dma_wait3A_14] : memref<10000x128xf32, #tpu.memory_space<hbm>> -> memref<10000x128xf32, #tpu.memory_space<hbm>>
      tpu.wait_indirect_dma semaphore(%arg7 : memref<!tpu.dma_semaphore, #tpu.memory_space<semaphore_mem>>) src(%dma_wait3A_15 : memref<10000x128xf32, #tpu.memory_space<hbm>>) dst(%arg6 : memref<128x128xf32, #tpu.memory_space<vmem>>)
      "tpu.region"() ({
        %run_scoped3A = tpu.sem_alloc : memref<!tpu.dma_semaphore, #tpu.memory_space<semaphore_mem>>
        %dma_start3A_16 = arith.constant 0 : i32
        %dma_start3A_17 = tpu.memref_slice %arg4[%add3A_11, %dma_start3A_16] : memref<40960x128xf32, #tpu.memory_space<hbm>> -> memref<128x128xf32, #tpu.memory_space<hbm>>
        %dma_start3A_18 = arith.constant 0 : i32
        %dma_start3A_19 = tpu.memref_slice %arg4[%add3A_11, %dma_start3A_18] : memref<40960x128xf32, #tpu.memory_space<hbm>> -> memref<128x128xf32, #tpu.memory_space<hbm>>
        tpu.enqueue_dma source(%arg6 : memref<128x128xf32, #tpu.memory_space<vmem>>) target(%dma_start3A_19 : memref<128x128xf32, #tpu.memory_space<hbm>>) target_semaphore(%run_scoped3A : memref<!tpu.dma_semaphore, #tpu.memory_space<semaphore_mem>>)
        %dma_wait3A_20 = arith.constant 0 : i32
        %dma_wait3A_21 = tpu.memref_slice %arg4[%add3A_11, %dma_wait3A_20] : memref<40960x128xf32, #tpu.memory_space<hbm>> -> memref<128x128xf32, #tpu.memory_space<hbm>>
        %dma_wait3A_22 = arith.constant 0 : i32
        %dma_wait3A_23 = tpu.memref_slice %arg4[%add3A_11, %dma_wait3A_22] : memref<40960x128xf32, #tpu.memory_space<hbm>> -> memref<128x128xf32, #tpu.memory_space<hbm>>
        tpu.wait_dma2 semaphore(%run_scoped3A : memref<!tpu.dma_semaphore, #tpu.memory_space<semaphore_mem>>) src(%arg6 : memref<128x128xf32, #tpu.memory_space<vmem>>) dst(%dma_wait3A_23 : memref<128x128xf32, #tpu.memory_space<hbm>>)
        tpu.yield
      }) : () -> ()
    }
    %scan3A_5 = arith.constant 10 : i32
    return
  }
}

module attributes {stable_mosaic.version = 14 : i64} {
  func.func @_table_body(%arg0: i32, %arg1: memref<2000x3xf32, #tpu.memory_space<vmem>>, %arg2: memref<2000x128xf32, #tpu.memory_space<vmem>>, %arg3: memref<128x16xf32, #tpu.memory_space<vmem>>, %arg4: memref<1x16xf32, #tpu.memory_space<vmem>>, %arg5: memref<2000x128xf32, #tpu.memory_space<vmem>>) attributes {dimension_semantics = [#tpu.dimension_semantics<arbitrary>], iteration_bounds = array<i64: 5>, scalar_prefetch = 0 : i64, scratch_operands = 0 : i64, tpu.core_type = #tpu.core_type<tc>, window_params = [{transform_indices = @transform_0, window_bounds = array<i64: 2000, 3>}, {transform_indices = @transform_1, window_bounds = array<i64: 2000, 128>}, {pipeline_mode = #tpu.pipeline_mode<synchronous>, transform_indices = @transform_2, window_bounds = array<i64: 128, 16>}, {pipeline_mode = #tpu.pipeline_mode<synchronous>, transform_indices = @transform_3, window_bounds = array<i64: 1, 16>}, {transform_indices = @transform_4, window_bounds = array<i64: 2000, 128>}]} {
    %get3A = arith.constant 0 : index
    %get3A_0 = arith.constant 0 : index
    %get3A_1 = vector.load %arg2[%get3A, %get3A_0] : memref<2000x128xf32, #tpu.memory_space<vmem>>, vector<2000x128xf32>
    %get3A_2 = arith.constant 0 : index
    %get3A_3 = arith.constant 0 : index
    %get3A_4 = vector.load %arg3[%get3A_2, %get3A_3] : memref<128x16xf32, #tpu.memory_space<vmem>>, vector<128x16xf32>
    %dot_general3A = arith.constant dense<0.000000e+00> : vector<2000x16xf32>
    %dot_general3A_5 = tpu.matmul %get3A_1, %get3A_4, %dot_general3A {dimension_numbers = #tpu.dot_dimension_numbers<[1], [0], [0], [1], [0, 0, 1, 1], [], []>, transpose_lhs_hint = false} : vector<2000x128xf32>, vector<128x16xf32>, vector<2000x16xf32> -> vector<2000x16xf32>
    %get3A_6 = arith.constant 0 : index
    %get3A_7 = arith.constant 0 : index
    %get3A_8 = vector.load %arg4[%get3A_6, %get3A_7] : memref<1x16xf32, #tpu.memory_space<vmem>>, vector<1x16xf32>
    %add3A = vector.broadcast %get3A_8 : vector<1x16xf32> to vector<2000x16xf32>
    %add3A_9 = arith.addf %dot_general3A_5, %add3A : vector<2000x16xf32>
    %get3A_10 = arith.constant 0 : index
    %get3A_11 = arith.constant 0 : index
    %get3A_12 = vector.load %arg1[%get3A_10, %get3A_11] : memref<2000x3xf32, #tpu.memory_space<vmem>>, vector<2000x3xf32>
    %broadcast_in_dim3A = arith.constant 1.000000e+00 : f32
    %broadcast_in_dim3A_13 = vector.broadcast %broadcast_in_dim3A : f32 to vector<2000x1xf32>
    %broadcast_in_dim3A_14 = arith.constant 0.000000e+00 : f32
    %broadcast_in_dim3A_15 = vector.broadcast %broadcast_in_dim3A_14 : f32 to vector<2000x4xf32>
    %broadcast_in_dim3A_16 = arith.constant 0.000000e+00 : f32
    %broadcast_in_dim3A_17 = vector.broadcast %broadcast_in_dim3A_16 : f32 to vector<2000x104xf32>
    %concatenate3A = tpu.concatenate %get3A_12, %broadcast_in_dim3A_13, %broadcast_in_dim3A_15, %add3A_9, %broadcast_in_dim3A_17 in 1 : vector<2000x3xf32>, vector<2000x1xf32>, vector<2000x4xf32>, vector<2000x16xf32>, vector<2000x104xf32> -> vector<2000x128xf32>
    %swap3A = arith.constant 0 : index
    %swap3A_18 = arith.constant 0 : index
    %swap3A_19 = vector.load %arg5[%swap3A, %swap3A_18] : memref<2000x128xf32, #tpu.memory_space<vmem>>, vector<2000x128xf32>
    tpu.vector_store %arg5[%swap3A, %swap3A_18], %concatenate3A {strides = array<i32>} : memref<2000x128xf32, #tpu.memory_space<vmem>>, vector<2000x128xf32>,
    return
  }
  func.func @transform_0(%arg0: i32) -> (i32, i32) {
    %c0_i32 = arith.constant 0 : i32
    %c0_i32_0 = arith.constant 0 : i32
    return %arg0, %c0_i32 : i32, i32
  }
  func.func @transform_1(%arg0: i32) -> (i32, i32) {
    %c0_i32 = arith.constant 0 : i32
    %c0_i32_0 = arith.constant 0 : i32
    return %arg0, %c0_i32 : i32, i32
  }
  func.func @transform_2(%arg0: i32) -> (i32, i32) {
    %c0_i32 = arith.constant 0 : i32
    %c0_i32_0 = arith.constant 0 : i32
    %c0_i32_1 = arith.constant 0 : i32
    return %c0_i32, %c0_i32_0 : i32, i32
  }
  func.func @transform_3(%arg0: i32) -> (i32, i32) {
    %c0_i32 = arith.constant 0 : i32
    %c0_i32_0 = arith.constant 0 : i32
    %c0_i32_1 = arith.constant 0 : i32
    return %c0_i32, %c0_i32_0 : i32, i32
  }
  func.func @transform_4(%arg0: i32) -> (i32, i32) {
    %c0_i32 = arith.constant 0 : i32
    %c0_i32_0 = arith.constant 0 : i32
    return %arg0, %c0_i32 : i32, i32
  }
}

module attributes {stable_mosaic.version = 14 : i64} {
  func.func @_main_body(%arg0: i32, %arg1: memref<256x128xf32, #tpu.memory_space<vmem>>, %arg2: memref<256x128xf32, #tpu.memory_space<vmem>>, %arg3: memref<4096x256xf32, #tpu.memory_space<vmem>>, %arg4: memref<4096x256xf32, #tpu.memory_space<vmem>>, %arg5: memref<256x256xf32, #tpu.memory_space<vmem>>, %arg6: memref<24x67xf32, #tpu.memory_space<vmem>>, %arg7: memref<24x67xf32, #tpu.memory_space<vmem>>, %arg8: memref<1x128xf32, #tpu.memory_space<vmem>>, %arg9: memref<1x128xf32, #tpu.memory_space<vmem>>, %arg10: memref<128x128xf32, #tpu.memory_space<vmem>>, %arg11: memref<1x128xf32, #tpu.memory_space<vmem>>, %arg12: memref<128x256xf32, #tpu.memory_space<vmem>>, %arg13: memref<1x256xf32, #tpu.memory_space<vmem>>, %arg14: memref<128x128xf32, #tpu.memory_space<vmem>>, %arg15: memref<1x128xf32, #tpu.memory_space<vmem>>, %arg16: memref<64x128xf32, #tpu.memory_space<vmem>>, %arg17: memref<1x128xf32, #tpu.memory_space<vmem>>, %arg18: memref<64x128xf32, #tpu.memory_space<vmem>>, %arg19: memref<1x128xf32, #tpu.memory_space<vmem>>, %arg20: memref<128x4xf32, #tpu.memory_space<vmem>>, %arg21: memref<128x128xf32, #tpu.memory_space<vmem>>, %arg22: memref<1x128xf32, #tpu.memory_space<vmem>>, %arg23: memref<256x128xf32, #tpu.memory_space<vmem>>) attributes {dimension_semantics = [#tpu.dimension_semantics<arbitrary>], iteration_bounds = array<i64: 145>, scalar_prefetch = 0 : i64, scratch_operands = 0 : i64, tpu.core_type = #tpu.core_type<tc>, window_params = [{transform_indices = @transform_0, window_bounds = array<i64: 256, 128>}, {transform_indices = @transform_1, window_bounds = array<i64: 256, 128>}, {pipeline_mode = #tpu.pipeline_mode<synchronous>, transform_indices = @transform_2, window_bounds = array<i64: 4096, 256>}, {pipeline_mode = #tpu.pipeline_mode<synchronous>, transform_indices = @transform_3, window_bounds = array<i64: 4096, 256>}, {pipeline_mode = #tpu.pipeline_mode<synchronous>, transform_indices = @transform_4, window_bounds = array<i64: 256, 256>}, {pipeline_mode = #tpu.pipeline_mode<synchronous>, transform_indices = @transform_5, window_bounds = array<i64: 24, 67>}, {pipeline_mode = #tpu.pipeline_mode<synchronous>, transform_indices = @transform_6, window_bounds = array<i64: 24, 67>}, {pipeline_mode = #tpu.pipeline_mode<synchronous>, transform_indices = @transform_7, window_bounds = array<i64: 1, 128>}, {pipeline_mode = #tpu.pipeline_mode<synchronous>, transform_indices = @transform_8, window_bounds = array<i64: 1, 128>}, {pipeline_mode = #tpu.pipeline_mode<synchronous>, transform_indices = @transform_9, window_bounds = array<i64: 128, 128>}, {pipeline_mode = #tpu.pipeline_mode<synchronous>, transform_indices = @transform_10, window_bounds = array<i64: 1, 128>}, {pipeline_mode = #tpu.pipeline_mode<synchronous>, transform_indices = @transform_11, window_bounds = array<i64: 128, 256>}, {pipeline_mode = #tpu.pipeline_mode<synchronous>, transform_indices = @transform_12, window_bounds = array<i64: 1, 256>}, {pipeline_mode = #tpu.pipeline_mode<synchronous>, transform_indices = @transform_13, window_bounds = array<i64: 128, 128>}, {pipeline_mode = #tpu.pipeline_mode<synchronous>, transform_indices = @transform_14, window_bounds = array<i64: 1, 128>}, {pipeline_mode = #tpu.pipeline_mode<synchronous>, transform_indices = @transform_15, window_bounds = array<i64: 64, 128>}, {pipeline_mode = #tpu.pipeline_mode<synchronous>, transform_indices = @transform_16, window_bounds = array<i64: 1, 128>}, {pipeline_mode = #tpu.pipeline_mode<synchronous>, transform_indices = @transform_17, window_bounds = array<i64: 64, 128>}, {pipeline_mode = #tpu.pipeline_mode<synchronous>, transform_indices = @transform_18, window_bounds = array<i64: 1, 128>}, {pipeline_mode = #tpu.pipeline_mode<synchronous>, transform_indices = @transform_19, window_bounds = array<i64: 128, 4>}, {pipeline_mode = #tpu.pipeline_mode<synchronous>, transform_indices = @transform_20, window_bounds = array<i64: 128, 128>}, {pipeline_mode = #tpu.pipeline_mode<synchronous>, transform_indices = @transform_21, window_bounds = array<i64: 1, 128>}, {transform_indices = @transform_22, window_bounds = array<i64: 256, 128>}]} {
    %get3A = arith.constant 0 : index
    %get3A_0 = arith.constant 0 : index
    %get3A_1 = vector.load %arg2[%get3A, %get3A_0] : memref<256x128xf32, #tpu.memory_space<vmem>>, vector<256x128xf32>
    %reduce_sum3A = arith.constant dense<0.000000e+00> : vector<256xf32>
    %reduce_sum3A_2 = vector.multi_reduction <add>, %get3A_1, %reduce_sum3A [1] : vector<256x128xf32> to vector<256xf32>
    %broadcast_in_dim3A = vector.shape_cast %reduce_sum3A_2 : vector<256xf32> to vector<256x1xf32>
    %div3A = arith.constant 1.280000e+02 : f32
    %div3A_3 = vector.broadcast %div3A : f32 to vector<256x1xf32>
    %div3A_4 = arith.divf %broadcast_in_dim3A, %div3A_3 : vector<256x1xf32>
    %sub3A = vector.broadcast %div3A_4 : vector<256x1xf32> to vector<256x128xf32>
    %sub3A_5 = arith.subf %get3A_1, %sub3A : vector<256x128xf32>
    %mul3A = arith.mulf %sub3A_5, %sub3A_5 : vector<256x128xf32>
    %reduce_sum3A_6 = arith.constant dense<0.000000e+00> : vector<256xf32>
    %reduce_sum3A_7 = vector.multi_reduction <add>, %mul3A, %reduce_sum3A_6 [1] : vector<256x128xf32> to vector<256xf32>
    %broadcast_in_dim3A_8 = vector.shape_cast %reduce_sum3A_7 : vector<256xf32> to vector<256x1xf32>
    %div3A_9 = arith.constant 1.280000e+02 : f32
    %div3A_10 = vector.broadcast %div3A_9 : f32 to vector<256x1xf32>
    %div3A_11 = arith.divf %broadcast_in_dim3A_8, %div3A_10 : vector<256x1xf32>
    %add3A = arith.constant 9.99999974E-6 : f32
    %add3A_12 = vector.broadcast %add3A : f32 to vector<256x1xf32>
    %add3A_13 = arith.addf %div3A_11, %add3A_12 : vector<256x1xf32>
    %sqrt3A = math.sqrt %add3A_13 : vector<256x1xf32>
    %div3A_14 = vector.broadcast %sqrt3A : vector<256x1xf32> to vector<256x128xf32>
    %div3A_15 = arith.divf %sub3A_5, %div3A_14 : vector<256x128xf32>
    %get3A_16 = arith.constant 0 : index
    %get3A_17 = arith.constant 0 : index
    %get3A_18 = vector.load %arg8[%get3A_16, %get3A_17] : memref<1x128xf32, #tpu.memory_space<vmem>>, vector<1x128xf32>
    %mul3A_19 = vector.broadcast %get3A_18 : vector<1x128xf32> to vector<256x128xf32>
    %mul3A_20 = arith.mulf %div3A_15, %mul3A_19 : vector<256x128xf32>
    %get3A_21 = arith.constant 0 : index
    %get3A_22 = arith.constant 0 : index
    %get3A_23 = vector.load %arg9[%get3A_21, %get3A_22] : memref<1x128xf32, #tpu.memory_space<vmem>>, vector<1x128xf32>
    %add3A_24 = vector.broadcast %get3A_23 : vector<1x128xf32> to vector<256x128xf32>
    %add3A_25 = arith.addf %mul3A_20, %add3A_24 : vector<256x128xf32>
    %get3A_26 = arith.constant 0 : index
    %get3A_27 = arith.constant 0 : index
    %get3A_28 = vector.load %arg10[%get3A_26, %get3A_27] : memref<128x128xf32, #tpu.memory_space<vmem>>, vector<128x128xf32>
    %dot_general3A = arith.constant dense<0.000000e+00> : vector<256x128xf32>
    %dot_general3A_29 = tpu.matmul %add3A_25, %get3A_28, %dot_general3A {dimension_numbers = #tpu.dot_dimension_numbers<[1], [0], [0], [1], [0, 0, 1, 1], [], []>, transpose_lhs_hint = false} : vector<256x128xf32>, vector<128x128xf32>, vector<256x128xf32> -> vector<256x128xf32>
    %get3A_30 = arith.constant 0 : index
    %get3A_31 = arith.constant 0 : index
    %get3A_32 = vector.load %arg11[%get3A_30, %get3A_31] : memref<1x128xf32, #tpu.memory_space<vmem>>, vector<1x128xf32>
    %add3A_33 = vector.broadcast %get3A_32 : vector<1x128xf32> to vector<256x128xf32>
    %add3A_34 = arith.addf %dot_general3A_29, %add3A_33 : vector<256x128xf32>
    %get3A_35 = arith.constant 0 : index
    %get3A_36 = arith.constant 0 : index
    %get3A_37 = vector.load %arg12[%get3A_35, %get3A_36] : memref<128x256xf32, #tpu.memory_space<vmem>>, vector<128x256xf32>
    %dot_general3A_38 = arith.constant dense<0.000000e+00> : vector<256x256xf32>
    %dot_general3A_39 = tpu.matmul %add3A_25, %get3A_37, %dot_general3A_38 {dimension_numbers = #tpu.dot_dimension_numbers<[1], [0], [0], [1], [0, 0, 1, 1], [], []>, transpose_lhs_hint = false} : vector<256x128xf32>, vector<128x256xf32>, vector<256x256xf32> -> vector<256x256xf32>
    %get3A_40 = arith.constant 0 : index
    %get3A_41 = arith.constant 0 : index
    %get3A_42 = vector.load %arg13[%get3A_40, %get3A_41] : memref<1x256xf32, #tpu.memory_space<vmem>>, vector<1x256xf32>
    %add3A_43 = vector.broadcast %get3A_42 : vector<1x256xf32> to vector<256x256xf32>
    %add3A_44 = arith.addf %dot_general3A_39, %add3A_43 : vector<256x256xf32>
    %slice3A = vector.extract_strided_slice %add3A_44 {offsets = [0, 0], sizes = [256, 128], strides = [1, 1]} : vector<256x256xf32> to vector<256x128xf32>
    %slice3A_45 = vector.extract_strided_slice %add3A_44 {offsets = [0, 128], sizes = [256, 128], strides = [1, 1]} : vector<256x256xf32> to vector<256x128xf32>
    %get3A_46 = arith.constant 0 : index
    %get3A_47 = arith.constant 0 : index
    %get3A_48 = vector.load %arg14[%get3A_46, %get3A_47] : memref<128x128xf32, #tpu.memory_space<vmem>>, vector<128x128xf32>
    %dot_general3A_49 = arith.constant dense<0.000000e+00> : vector<256x128xf32>
    %dot_general3A_50 = tpu.matmul %add3A_25, %get3A_48, %dot_general3A_49 {dimension_numbers = #tpu.dot_dimension_numbers<[1], [0], [0], [1], [0, 0, 1, 1], [], []>, transpose_lhs_hint = false} : vector<256x128xf32>, vector<128x128xf32>, vector<256x128xf32> -> vector<256x128xf32>
    %get3A_51 = arith.constant 0 : index
    %get3A_52 = arith.constant 0 : index
    %get3A_53 = vector.load %arg15[%get3A_51, %get3A_52] : memref<1x128xf32, #tpu.memory_space<vmem>>, vector<1x128xf32>
    %add3A_54 = vector.broadcast %get3A_53 : vector<1x128xf32> to vector<256x128xf32>
    %add3A_55 = arith.addf %dot_general3A_50, %add3A_54 : vector<256x128xf32>
    %logistic3A = arith.negf %add3A_55 : vector<256x128xf32>
    %logistic3A_56 = math.exp %logistic3A : vector<256x128xf32>
    %logistic3A_57 = arith.constant 1.000000e+00 : f32
    %logistic3A_58 = vector.broadcast %logistic3A_57 : f32 to vector<256x128xf32>
    %logistic3A_59 = arith.addf %logistic3A_58, %logistic3A_56 : vector<256x128xf32>
    %logistic3A_60 = arith.divf %logistic3A_58, %logistic3A_59 : vector<256x128xf32>
    %get3A_61 = arith.constant 0 : index
    %get3A_62 = arith.constant 0 : index
    %get3A_63 = vector.load %arg1[%get3A_61, %get3A_62] : memref<256x128xf32, #tpu.memory_space<vmem>>, vector<256x128xf32>
    %slice3A_64 = vector.extract_strided_slice %get3A_63 {offsets = [0, 0], sizes = [256, 1], strides = [1, 1]} : vector<256x128xf32> to vector<256x1xf32>
    %slice3A_65 = vector.extract_strided_slice %get3A_63 {offsets = [0, 1], sizes = [256, 1], strides = [1, 1]} : vector<256x128xf32> to vector<256x1xf32>
    %slice3A_66 = vector.extract_strided_slice %get3A_63 {offsets = [0, 2], sizes = [256, 1], strides = [1, 1]} : vector<256x128xf32> to vector<256x1xf32>
    %reshape3A = vector.shape_cast %slice3A_64 : vector<256x1xf32> to vector<16x16xf32>
    %broadcast_in_dim3A_67 = vector.shape_cast %reshape3A : vector<16x16xf32> to vector<16x1x16xf32>
    %broadcast_in_dim3A_68 = vector.shape_cast %broadcast_in_dim3A_67 : vector<16x1x16xf32> to vector<16x1x16xf32>
    %broadcast_in_dim3A_69 = vector.broadcast %broadcast_in_dim3A_68 : vector<16x1x16xf32> to vector<16x16x16xf32>
    %reshape3A_70 = vector.shape_cast %broadcast_in_dim3A_69 : vector<16x16x16xf32> to vector<256x16xf32>
    %sub3A_71 = vector.broadcast %slice3A_64 : vector<256x1xf32> to vector<256x16xf32>
    %sub3A_72 = arith.subf %sub3A_71, %reshape3A_70 : vector<256x16xf32>
    %reshape3A_73 = vector.shape_cast %slice3A_65 : vector<256x1xf32> to vector<16x16xf32>
    %broadcast_in_dim3A_74 = vector.shape_cast %reshape3A_73 : vector<16x16xf32> to vector<16x1x16xf32>
    %broadcast_in_dim3A_75 = vector.shape_cast %broadcast_in_dim3A_74 : vector<16x1x16xf32> to vector<16x1x16xf32>
    %broadcast_in_dim3A_76 = vector.broadcast %broadcast_in_dim3A_75 : vector<16x1x16xf32> to vector<16x16x16xf32>
    %reshape3A_77 = vector.shape_cast %broadcast_in_dim3A_76 : vector<16x16x16xf32> to vector<256x16xf32>
    %sub3A_78 = vector.broadcast %slice3A_65 : vector<256x1xf32> to vector<256x16xf32>
    %sub3A_79 = arith.subf %sub3A_78, %reshape3A_77 : vector<256x16xf32>
    %reshape3A_80 = vector.shape_cast %slice3A_66 : vector<256x1xf32> to vector<16x16xf32>
    %broadcast_in_dim3A_81 = vector.shape_cast %reshape3A_80 : vector<16x16xf32> to vector<16x1x16xf32>
    %broadcast_in_dim3A_82 = vector.shape_cast %broadcast_in_dim3A_81 : vector<16x1x16xf32> to vector<16x1x16xf32>
    %broadcast_in_dim3A_83 = vector.broadcast %broadcast_in_dim3A_82 : vector<16x1x16xf32> to vector<16x16x16xf32>
    %reshape3A_84 = vector.shape_cast %broadcast_in_dim3A_83 : vector<16x16x16xf32> to vector<256x16xf32>
    %sub3A_85 = vector.broadcast %slice3A_66 : vector<256x1xf32> to vector<256x16xf32>
    %sub3A_86 = arith.subf %sub3A_85, %reshape3A_84 : vector<256x16xf32>
    %mul3A_87 = arith.mulf %sub3A_72, %sub3A_72 : vector<256x16xf32>
    %mul3A_88 = arith.mulf %sub3A_79, %sub3A_79 : vector<256x16xf32>
    %add3A_89 = arith.addf %mul3A_87, %mul3A_88 : vector<256x16xf32>
    %mul3A_90 = arith.mulf %sub3A_86, %sub3A_86 : vector<256x16xf32>
    %add3A_91 = arith.addf %add3A_89, %mul3A_90 : vector<256x16xf32>
    %iota3A = tpu.iota {dimensions = array<i32: 0>} : vector<256x16xi32>
    %jit3A = arith.constant 16 : i32
    %eq3A = arith.constant 0 : i32
    %eq3A_92 = arith.cmpi eq, %jit3A, %eq3A : i32
    %jit3A_93 = arith.constant 1 : i32
    %select_n3A = arith.select %eq3A_92, %jit3A_93, %jit3A : i32
    %rem3A = vector.broadcast %select_n3A : i32 to vector<256x16xi32>
    %rem3A_94 = arith.remsi %iota3A, %rem3A : vector<256x16xi32>
    %ne3A = arith.constant 0 : i32
    %ne3A_95 = vector.broadcast %ne3A : i32 to vector<256x16xi32>
    %ne3A_96 = arith.cmpi ne, %rem3A_94, %ne3A_95 : vector<256x16xi32>
    %lt3A = arith.constant 0 : i32
    %lt3A_97 = vector.broadcast %lt3A : i32 to vector<256x16xi32>
    %lt3A_98 = arith.cmpi slt, %rem3A_94, %lt3A_97 : vector<256x16xi32>
    %lt3A_99 = arith.constant 0 : i32
    %lt3A_100 = arith.cmpi slt, %select_n3A, %lt3A_99 : i32
    %ne3A_101 = vector.broadcast %lt3A_100 : i1 to vector<256x16xi1>
    %ne3A_102 = vector.broadcast %ne3A_101 : vector<256x16xi1> to vector<256x16xi1>
    %ne3A_103 = arith.xori %lt3A_98, %ne3A_102 : vector<256x16xi1>
    %and3A = arith.andi %ne3A_103, %ne3A_96 : vector<256x16xi1>
    %add3A_104 = vector.broadcast %select_n3A : i32 to vector<256x16xi32>
    %add3A_105 = arith.addi %rem3A_94, %add3A_104 : vector<256x16xi32>
    %select_n3A_106 = arith.select %and3A, %add3A_105, %rem3A_94 : vector<256x16xi1>, vector<256x16xi32>
    %iota3A_107 = tpu.iota {dimensions = array<i32: 1>} : vector<256x16xi32>
    %eq3A_108 = arith.cmpi eq, %select_n3A_106, %iota3A_107 : vector<256x16xi32>
    %jit3A_109 = arith.constant 0x7F800000 : f32
    %broadcast_in_dim3A_110 = vector.broadcast %jit3A_109 : f32 to vector<256x16xf32>
    %select_n3A_111 = arith.select %eq3A_108, %broadcast_in_dim3A_110, %add3A_91 : vector<256x16xi1>, vector<256x16xf32>
    %broadcast_in_dim3A_112 = vector.shape_cast %select_n3A_111 : vector<256x16xf32> to vector<256x1x16xf32>
    %broadcast_in_dim3A_113 = vector.shape_cast %select_n3A_111 : vector<256x16xf32> to vector<256x16x1xf32>
    %iota3A_114 = tpu.iota {dimensions = array<i32: 1>} : vector<1x16x16xi32>
    %iota3A_115 = tpu.iota {dimensions = array<i32: 2>} : vector<1x16x16xi32>
    %lt3A_116 = vector.broadcast %broadcast_in_dim3A_113 : vector<256x16x1xf32> to vector<256x16x16xf32>
    %lt3A_117 = vector.broadcast %broadcast_in_dim3A_112 : vector<256x1x16xf32> to vector<256x16x16xf32>
    %lt3A_118 = arith.cmpf olt, %lt3A_116, %lt3A_117 : vector<256x16x16xf32>
    %eq3A_119 = vector.broadcast %broadcast_in_dim3A_113 : vector<256x16x1xf32> to vector<256x16x16xf32>
    %eq3A_120 = vector.broadcast %broadcast_in_dim3A_112 : vector<256x1x16xf32> to vector<256x16x16xf32>
    %eq3A_121 = arith.cmpf oeq, %eq3A_119, %eq3A_120 : vector<256x16x16xf32>
    %lt3A_122 = arith.cmpi slt, %iota3A_114, %iota3A_115 : vector<1x16x16xi32>
    %and3A_123 = vector.broadcast %lt3A_122 : vector<1x16x16xi1> to vector<256x16x16xi1>
    %and3A_124 = arith.andi %eq3A_121, %and3A_123 : vector<256x16x16xi1>
    %or3A = arith.ori %lt3A_118, %and3A_124 : vector<256x16x16xi1>
    %convert_element_type3A = arith.extui %or3A : vector<256x16x16xi1> to vector<256x16x16xi32>
    %convert_element_type3A_125 = arith.sitofp %convert_element_type3A : vector<256x16x16xi32> to vector<256x16x16xf32>
    %reduce_sum3A_126 = arith.constant dense<0.000000e+00> : vector<256x16xf32>
    %reduce_sum3A_127 = vector.multi_reduction <add>, %convert_element_type3A_125, %reduce_sum3A_126 [1] : vector<256x16x16xf32> to vector<256x16xf32>
    %tile3A = tpu.concatenate %reduce_sum3A_127, %reduce_sum3A_127, %reduce_sum3A_127, %reduce_sum3A_127, %reduce_sum3A_127, %reduce_sum3A_127, %reduce_sum3A_127, %reduce_sum3A_127, %reduce_sum3A_127, %reduce_sum3A_127, %reduce_sum3A_127, %reduce_sum3A_127, %reduce_sum3A_127, %reduce_sum3A_127, %reduce_sum3A_127, %reduce_sum3A_127 in 1 : vector<256x16xf32>, vector<256x16xf32>, vector<256x16xf32>, vector<256x16xf32>, vector<256x16xf32>, vector<256x16xf32>, vector<256x16xf32>, vector<256x16xf32>, vector<256x16xf32>, vector<256x16xf32>, vector<256x16xf32>, vector<256x16xf32>, vector<256x16xf32>, vector<256x16xf32>, vector<256x16xf32>, vector<256x16xf32> -> vector<256x256xf32>
    %lt3A_128 = arith.constant 8.000000e+00 : f32
    %lt3A_129 = vector.broadcast %lt3A_128 : f32 to vector<256x256xf32>
    %lt3A_130 = arith.cmpf olt, %tile3A, %lt3A_129 : vector<256x256xf32>
    %slice3A_131 = vector.extract_strided_slice %get3A_63 {offsets = [0, 0], sizes = [256, 24], strides = [1, 1]} : vector<256x128xf32> to vector<256x24xf32>
    %get3A_132 = arith.constant 0 : index
    %get3A_133 = arith.constant 0 : index
    %get3A_134 = vector.load %arg6[%get3A_132, %get3A_133] : memref<24x67xf32, #tpu.memory_space<vmem>>, vector<24x67xf32>
    %dot_general3A_135 = arith.constant dense<0.000000e+00> : vector<256x67xf32>
    %dot_general3A_136 = tpu.matmul %slice3A_131, %get3A_134, %dot_general3A_135 {dimension_numbers = #tpu.dot_dimension_numbers<[1], [0], [0], [1], [0, 0, 1, 1], [], []>, transpose_lhs_hint = false} : vector<256x24xf32>, vector<24x67xf32>, vector<256x67xf32> -> vector<256x67xf32>
    %get3A_137 = arith.constant 0 : index
    %get3A_138 = arith.constant 0 : index
    %get3A_139 = vector.load %arg7[%get3A_137, %get3A_138] : memref<24x67xf32, #tpu.memory_space<vmem>>, vector<24x67xf32>
    %dot_general3A_140 = arith.constant dense<0.000000e+00> : vector<256x67xf32>
    %dot_general3A_141 = tpu.matmul %slice3A_131, %get3A_139, %dot_general3A_140 {dimension_numbers = #tpu.dot_dimension_numbers<[1], [0], [0], [1], [0, 0, 1, 1], [], []>, transpose_lhs_hint = false} : vector<256x24xf32>, vector<24x67xf32>, vector<256x67xf32> -> vector<256x67xf32>
    %get3A_142 = arith.constant 0 : index
    %get3A_143 = arith.constant 0 : index
    %get3A_144 = vector.load %arg3[%get3A_142, %get3A_143] : memref<4096x256xf32, #tpu.memory_space<vmem>>, vector<4096x256xf32>
    %dot_general3A_145 = arith.constant dense<0.000000e+00> : vector<4096x67xf32>
    %dot_general3A_146 = tpu.matmul %get3A_144, %dot_general3A_136, %dot_general3A_145 {dimension_numbers = #tpu.dot_dimension_numbers<[1], [0], [0], [1], [0, 0, 1, 1], [], []>, transpose_lhs_hint = false} : vector<4096x256xf32>, vector<256x67xf32>, vector<4096x67xf32> -> vector<4096x67xf32>
    %get3A_147 = arith.constant 0 : index
    %get3A_148 = arith.constant 0 : index
    %get3A_149 = vector.load %arg4[%get3A_147, %get3A_148] : memref<4096x256xf32, #tpu.memory_space<vmem>>, vector<4096x256xf32>
    %dot_general3A_150 = arith.constant dense<0.000000e+00> : vector<4096x67xf32>
    %dot_general3A_151 = tpu.matmul %get3A_149, %dot_general3A_141, %dot_general3A_150 {dimension_numbers = #tpu.dot_dimension_numbers<[1], [0], [0], [1], [0, 0, 1, 1], [], []>, transpose_lhs_hint = false} : vector<4096x256xf32>, vector<256x67xf32>, vector<4096x67xf32> -> vector<4096x67xf32>
    %slice3A_152 = vector.extract_strided_slice %dot_general3A_146 {offsets = [0, 0], sizes = [4096, 64], strides = [1, 1]} : vector<4096x67xf32> to vector<4096x64xf32>
    %slice3A_153 = vector.extract_strided_slice %dot_general3A_151 {offsets = [0, 0], sizes = [4096, 64], strides = [1, 1]} : vector<4096x67xf32> to vector<4096x64xf32>
    %mul3A_154 = arith.mulf %slice3A_152, %slice3A_153 : vector<4096x64xf32>
    %get3A_155 = arith.constant 0 : index
    %get3A_156 = arith.constant 0 : index
    %get3A_157 = vector.load %arg16[%get3A_155, %get3A_156] : memref<64x128xf32, #tpu.memory_space<vmem>>, vector<64x128xf32>
    %dot_general3A_158 = arith.constant dense<0.000000e+00> : vector<4096x128xf32>
    %dot_general3A_159 = tpu.matmul %mul3A_154, %get3A_157, %dot_general3A_158 {dimension_numbers = #tpu.dot_dimension_numbers<[1], [0], [0], [1], [0, 0, 1, 1], [], []>, transpose_lhs_hint = false} : vector<4096x64xf32>, vector<64x128xf32>, vector<4096x128xf32> -> vector<4096x128xf32>
    %get3A_160 = arith.constant 0 : index
    %get3A_161 = arith.constant 0 : index
    %get3A_162 = vector.load %arg17[%get3A_160, %get3A_161] : memref<1x128xf32, #tpu.memory_space<vmem>>, vector<1x128xf32>
    %add3A_163 = vector.broadcast %get3A_162 : vector<1x128xf32> to vector<4096x128xf32>
    %add3A_164 = arith.addf %dot_general3A_159, %add3A_163 : vector<4096x128xf32>
    %slice3A_165 = vector.extract_strided_slice %dot_general3A_146 {offsets = [0, 64], sizes = [4096, 3], strides = [1, 1]} : vector<4096x67xf32> to vector<4096x3xf32>
    %slice3A_166 = vector.extract_strided_slice %dot_general3A_151 {offsets = [0, 64], sizes = [4096, 3], strides = [1, 1]} : vector<4096x67xf32> to vector<4096x3xf32>
    %sub3A_167 = arith.subf %slice3A_165, %slice3A_166 : vector<4096x3xf32>
    %mul3A_168 = arith.mulf %sub3A_167, %sub3A_167 : vector<4096x3xf32>
    %slice3A_169 = vector.extract_strided_slice %mul3A_168 {offsets = [0, 0], sizes = [4096, 1], strides = [1, 1]} : vector<4096x3xf32> to vector<4096x1xf32>
    %slice3A_170 = vector.extract_strided_slice %mul3A_168 {offsets = [0, 1], sizes = [4096, 1], strides = [1, 1]} : vector<4096x3xf32> to vector<4096x1xf32>
    %add3A_171 = arith.addf %slice3A_169, %slice3A_170 : vector<4096x1xf32>
    %slice3A_172 = vector.extract_strided_slice %mul3A_168 {offsets = [0, 2], sizes = [4096, 1], strides = [1, 1]} : vector<4096x3xf32> to vector<4096x1xf32>
    %add3A_173 = arith.addf %add3A_171, %slice3A_172 : vector<4096x1xf32>
    %sqrt3A_174 = math.sqrt %add3A_173 : vector<4096x1xf32>
    %iota3A_175 = tpu.iota {dimensions = array<i32: 1>} : vector<1x64xi32>
    %convert_element_type3A_176 = arith.sitofp %iota3A_175 : vector<1x64xi32> to vector<1x64xf32>
    %mul3A_177 = arith.constant 0.317460328 : f32
    %mul3A_178 = vector.broadcast %mul3A_177 : f32 to vector<1x64xf32>
    %mul3A_179 = arith.mulf %convert_element_type3A_176, %mul3A_178 : vector<1x64xf32>
    %sub3A_180 = vector.broadcast %sqrt3A_174 : vector<4096x1xf32> to vector<4096x64xf32>
    %sub3A_181 = vector.broadcast %mul3A_179 : vector<1x64xf32> to vector<4096x64xf32>
    %sub3A_182 = arith.subf %sub3A_180, %sub3A_181 : vector<4096x64xf32>
    %div3A_183 = arith.constant 3.125000e-01 : f32
    %div3A_184 = vector.broadcast %div3A_183 : f32 to vector<4096x64xf32>
    %div3A_185 = arith.divf %sub3A_182, %div3A_184 : vector<4096x64xf32>
    %integer_pow3A = arith.mulf %div3A_185, %div3A_185 : vector<4096x64xf32>
    %neg3A = arith.constant 0.000000e+00 : f32
    %neg3A_186 = vector.broadcast %neg3A : f32 to vector<4096x64xf32>
    %neg3A_187 = arith.subf %neg3A_186, %integer_pow3A : vector<4096x64xf32>
    %exp3A = math.exp %neg3A_187 : vector<4096x64xf32>
    %get3A_188 = arith.constant 0 : index
    %get3A_189 = arith.constant 0 : index
    %get3A_190 = vector.load %arg18[%get3A_188, %get3A_189] : memref<64x128xf32, #tpu.memory_space<vmem>>, vector<64x128xf32>
    %dot_general3A_191 = arith.constant dense<0.000000e+00> : vector<4096x128xf32>
    %dot_general3A_192 = tpu.matmul %exp3A, %get3A_190, %dot_general3A_191 {dimension_numbers = #tpu.dot_dimension_numbers<[1], [0], [0], [1], [0, 0, 1, 1], [], []>, transpose_lhs_hint = false} : vector<4096x64xf32>, vector<64x128xf32>, vector<4096x128xf32> -> vector<4096x128xf32>
    %get3A_193 = arith.constant 0 : index
    %get3A_194 = arith.constant 0 : index
    %get3A_195 = vector.load %arg19[%get3A_193, %get3A_194] : memref<1x128xf32, #tpu.memory_space<vmem>>, vector<1x128xf32>
    %add3A_196 = vector.broadcast %get3A_195 : vector<1x128xf32> to vector<4096x128xf32>
    %add3A_197 = arith.addf %dot_general3A_192, %add3A_196 : vector<4096x128xf32>
    %logistic3A_198 = arith.negf %add3A_164 : vector<4096x128xf32>
    %logistic3A_199 = math.exp %logistic3A_198 : vector<4096x128xf32>
    %logistic3A_200 = arith.constant 1.000000e+00 : f32
    %logistic3A_201 = vector.broadcast %logistic3A_200 : f32 to vector<4096x128xf32>
    %logistic3A_202 = arith.addf %logistic3A_201, %logistic3A_199 : vector<4096x128xf32>
    %logistic3A_203 = arith.divf %logistic3A_201, %logistic3A_202 : vector<4096x128xf32>
    %mul3A_204 = arith.mulf %logistic3A_203, %add3A_197 : vector<4096x128xf32>
    %get3A_205 = arith.constant 0 : index
    %get3A_206 = arith.constant 0 : index
    %get3A_207 = vector.load %arg20[%get3A_205, %get3A_206] : memref<128x4xf32, #tpu.memory_space<vmem>>, vector<128x4xf32>
    %dot_general3A_208 = arith.constant dense<0.000000e+00> : vector<4096x4xf32>
    %dot_general3A_209 = tpu.matmul %mul3A_204, %get3A_207, %dot_general3A_208 {dimension_numbers = #tpu.dot_dimension_numbers<[1], [0], [0], [1], [0, 0, 1, 1], [], []>, transpose_lhs_hint = false} : vector<4096x128xf32>, vector<128x4xf32>, vector<4096x4xf32> -> vector<4096x4xf32>
    %reshape3A_210 = vector.shape_cast %dot_general3A_209 : vector<4096x4xf32> to vector<256x16x4xf32>
    %transpose3A = tpu.transpose %reshape3A_210, [0, 2, 1] : vector<256x16x4xf32> -> vector<256x4x16xf32>
    %reshape3A_211 = vector.shape_cast %transpose3A : vector<256x4x16xf32> to vector<256x64xf32>
    %get3A_212 = arith.constant 0 : index
    %get3A_213 = arith.constant 0 : index
    %get3A_214 = vector.load %arg5[%get3A_212, %get3A_213] : memref<256x256xf32, #tpu.memory_space<vmem>>, vector<256x256xf32>
    %slice3A_215 = vector.extract_strided_slice %add3A_34 {offsets = [0, 0], sizes = [256, 32], strides = [1, 1]} : vector<256x128xf32> to vector<256x32xf32>
    %slice3A_216 = vector.extract_strided_slice %slice3A {offsets = [0, 0], sizes = [256, 32], strides = [1, 1]} : vector<256x128xf32> to vector<256x32xf32>
    %slice3A_217 = vector.extract_strided_slice %slice3A_45 {offsets = [0, 0], sizes = [256, 32], strides = [1, 1]} : vector<256x128xf32> to vector<256x32xf32>
    %dot_general3A_218 = arith.constant dense<0.000000e+00> : vector<256x256xf32>
    %dot_general3A_219 = tpu.matmul %slice3A_215, %slice3A_216, %dot_general3A_218 {dimension_numbers = #tpu.dot_dimension_numbers<[1], [1], [0], [0], [0, 0, 1, 0], [], []>, transpose_lhs_hint = false} : vector<256x32xf32>, vector<256x32xf32>, vector<256x256xf32> -> vector<256x256xf32>
    %slice3A_220 = vector.extract_strided_slice %reshape3A_211 {offsets = [0, 0], sizes = [256, 16], strides = [1, 1]} : vector<256x64xf32> to vector<256x16xf32>
    %tile3A_221 = tpu.concatenate %slice3A_220, %slice3A_220, %slice3A_220, %slice3A_220, %slice3A_220, %slice3A_220, %slice3A_220, %slice3A_220, %slice3A_220, %slice3A_220, %slice3A_220, %slice3A_220, %slice3A_220, %slice3A_220, %slice3A_220, %slice3A_220 in 1 : vector<256x16xf32>, vector<256x16xf32>, vector<256x16xf32>, vector<256x16xf32>, vector<256x16xf32>, vector<256x16xf32>, vector<256x16xf32>, vector<256x16xf32>, vector<256x16xf32>, vector<256x16xf32>, vector<256x16xf32>, vector<256x16xf32>, vector<256x16xf32>, vector<256x16xf32>, vector<256x16xf32>, vector<256x16xf32> -> vector<256x256xf32>
    %add3A_222 = arith.addf %dot_general3A_219, %tile3A_221 : vector<256x256xf32>
    %add3A_223 = arith.addf %add3A_222, %get3A_214 : vector<256x256xf32>
    %jit3A_224 = arith.constant 0xFF800000 : f32
    %broadcast_in_dim3A_225 = vector.broadcast %jit3A_224 : f32 to vector<256x256xf32>
    %select_n3A_226 = arith.select %lt3A_130, %add3A_223, %broadcast_in_dim3A_225 : vector<256x256xi1>, vector<256x256xf32>
    %reduce_max3A = arith.constant dense<0xFF800000> : vector<256xf32>
    %reduce_max3A_227 = vector.multi_reduction <maximumf>, %select_n3A_226, %reduce_max3A [1] : vector<256x256xf32> to vector<256xf32>
    %broadcast_in_dim3A_228 = vector.shape_cast %reduce_max3A_227 : vector<256xf32> to vector<256x1xf32>
    %sub3A_229 = vector.broadcast %broadcast_in_dim3A_228 : vector<256x1xf32> to vector<256x256xf32>
    %sub3A_230 = arith.subf %select_n3A_226, %sub3A_229 : vector<256x256xf32>
    %exp3A_231 = math.exp %sub3A_230 : vector<256x256xf32>
    %reduce_sum3A_232 = arith.constant dense<0.000000e+00> : vector<256xf32>
    %reduce_sum3A_233 = vector.multi_reduction <add>, %exp3A_231, %reduce_sum3A_232 [1] : vector<256x256xf32> to vector<256xf32>
    %broadcast_in_dim3A_234 = vector.shape_cast %reduce_sum3A_233 : vector<256xf32> to vector<256x1xf32>
    %add3A_235 = arith.constant 1.000000e-16 : f32
    %add3A_236 = vector.broadcast %add3A_235 : f32 to vector<256x1xf32>
    %add3A_237 = arith.addf %broadcast_in_dim3A_234, %add3A_236 : vector<256x1xf32>
    %div3A_238 = vector.broadcast %add3A_237 : vector<256x1xf32> to vector<256x256xf32>
    %div3A_239 = arith.divf %exp3A_231, %div3A_238 : vector<256x256xf32>
    %dot_general3A_240 = arith.constant dense<0.000000e+00> : vector<256x32xf32>
    %dot_general3A_241 = tpu.matmul %div3A_239, %slice3A_217, %dot_general3A_240 {dimension_numbers = #tpu.dot_dimension_numbers<[1], [0], [0], [1], [0, 0, 1, 1], [], []>, transpose_lhs_hint = false} : vector<256x256xf32>, vector<256x32xf32>, vector<256x32xf32> -> vector<256x32xf32>
    %slice3A_242 = vector.extract_strided_slice %add3A_34 {offsets = [0, 32], sizes = [256, 32], strides = [1, 1]} : vector<256x128xf32> to vector<256x32xf32>
    %slice3A_243 = vector.extract_strided_slice %slice3A {offsets = [0, 32], sizes = [256, 32], strides = [1, 1]} : vector<256x128xf32> to vector<256x32xf32>
    %slice3A_244 = vector.extract_strided_slice %slice3A_45 {offsets = [0, 32], sizes = [256, 32], strides = [1, 1]} : vector<256x128xf32> to vector<256x32xf32>
    %dot_general3A_245 = arith.constant dense<0.000000e+00> : vector<256x256xf32>
    %dot_general3A_246 = tpu.matmul %slice3A_242, %slice3A_243, %dot_general3A_245 {dimension_numbers = #tpu.dot_dimension_numbers<[1], [1], [0], [0], [0, 0, 1, 0], [], []>, transpose_lhs_hint = false} : vector<256x32xf32>, vector<256x32xf32>, vector<256x256xf32> -> vector<256x256xf32>
    %slice3A_247 = vector.extract_strided_slice %reshape3A_211 {offsets = [0, 16], sizes = [256, 16], strides = [1, 1]} : vector<256x64xf32> to vector<256x16xf32>
    %tile3A_248 = tpu.concatenate %slice3A_247, %slice3A_247, %slice3A_247, %slice3A_247, %slice3A_247, %slice3A_247, %slice3A_247, %slice3A_247, %slice3A_247, %slice3A_247, %slice3A_247, %slice3A_247, %slice3A_247, %slice3A_247, %slice3A_247, %slice3A_247 in 1 : vector<256x16xf32>, vector<256x16xf32>, vector<256x16xf32>, vector<256x16xf32>, vector<256x16xf32>, vector<256x16xf32>, vector<256x16xf32>, vector<256x16xf32>, vector<256x16xf32>, vector<256x16xf32>, vector<256x16xf32>, vector<256x16xf32>, vector<256x16xf32>, vector<256x16xf32>, vector<256x16xf32>, vector<256x16xf32> -> vector<256x256xf32>
    %add3A_249 = arith.addf %dot_general3A_246, %tile3A_248 : vector<256x256xf32>
    %add3A_250 = arith.addf %add3A_249, %get3A_214 : vector<256x256xf32>
    %jit3A_251 = arith.constant 0xFF800000 : f32
    %broadcast_in_dim3A_252 = vector.broadcast %jit3A_251 : f32 to vector<256x256xf32>
    %select_n3A_253 = arith.select %lt3A_130, %add3A_250, %broadcast_in_dim3A_252 : vector<256x256xi1>, vector<256x256xf32>
    %reduce_max3A_254 = arith.constant dense<0xFF800000> : vector<256xf32>
    %reduce_max3A_255 = vector.multi_reduction <maximumf>, %select_n3A_253, %reduce_max3A_254 [1] : vector<256x256xf32> to vector<256xf32>
    %broadcast_in_dim3A_256 = vector.shape_cast %reduce_max3A_255 : vector<256xf32> to vector<256x1xf32>
    %sub3A_257 = vector.broadcast %broadcast_in_dim3A_256 : vector<256x1xf32> to vector<256x256xf32>
    %sub3A_258 = arith.subf %select_n3A_253, %sub3A_257 : vector<256x256xf32>
    %exp3A_259 = math.exp %sub3A_258 : vector<256x256xf32>
    %reduce_sum3A_260 = arith.constant dense<0.000000e+00> : vector<256xf32>
    %reduce_sum3A_261 = vector.multi_reduction <add>, %exp3A_259, %reduce_sum3A_260 [1] : vector<256x256xf32> to vector<256xf32>
    %broadcast_in_dim3A_262 = vector.shape_cast %reduce_sum3A_261 : vector<256xf32> to vector<256x1xf32>
    %add3A_263 = arith.constant 1.000000e-16 : f32
    %add3A_264 = vector.broadcast %add3A_263 : f32 to vector<256x1xf32>
    %add3A_265 = arith.addf %broadcast_in_dim3A_262, %add3A_264 : vector<256x1xf32>
    %div3A_266 = vector.broadcast %add3A_265 : vector<256x1xf32> to vector<256x256xf32>
    %div3A_267 = arith.divf %exp3A_259, %div3A_266 : vector<256x256xf32>
    %dot_general3A_268 = arith.constant dense<0.000000e+00> : vector<256x32xf32>
    %dot_general3A_269 = tpu.matmul %div3A_267, %slice3A_244, %dot_general3A_268 {dimension_numbers = #tpu.dot_dimension_numbers<[1], [0], [0], [1], [0, 0, 1, 1], [], []>, transpose_lhs_hint = false} : vector<256x256xf32>, vector<256x32xf32>, vector<256x32xf32> -> vector<256x32xf32>
    %slice3A_270 = vector.extract_strided_slice %add3A_34 {offsets = [0, 64], sizes = [256, 32], strides = [1, 1]} : vector<256x128xf32> to vector<256x32xf32>
    %slice3A_271 = vector.extract_strided_slice %slice3A {offsets = [0, 64], sizes = [256, 32], strides = [1, 1]} : vector<256x128xf32> to vector<256x32xf32>
    %slice3A_272 = vector.extract_strided_slice %slice3A_45 {offsets = [0, 64], sizes = [256, 32], strides = [1, 1]} : vector<256x128xf32> to vector<256x32xf32>
    %dot_general3A_273 = arith.constant dense<0.000000e+00> : vector<256x256xf32>
    %dot_general3A_274 = tpu.matmul %slice3A_270, %slice3A_271, %dot_general3A_273 {dimension_numbers = #tpu.dot_dimension_numbers<[1], [1], [0], [0], [0, 0, 1, 0], [], []>, transpose_lhs_hint = false} : vector<256x32xf32>, vector<256x32xf32>, vector<256x256xf32> -> vector<256x256xf32>
    %slice3A_275 = vector.extract_strided_slice %reshape3A_211 {offsets = [0, 32], sizes = [256, 16], strides = [1, 1]} : vector<256x64xf32> to vector<256x16xf32>
    %tile3A_276 = tpu.concatenate %slice3A_275, %slice3A_275, %slice3A_275, %slice3A_275, %slice3A_275, %slice3A_275, %slice3A_275, %slice3A_275, %slice3A_275, %slice3A_275, %slice3A_275, %slice3A_275, %slice3A_275, %slice3A_275, %slice3A_275, %slice3A_275 in 1 : vector<256x16xf32>, vector<256x16xf32>, vector<256x16xf32>, vector<256x16xf32>, vector<256x16xf32>, vector<256x16xf32>, vector<256x16xf32>, vector<256x16xf32>, vector<256x16xf32>, vector<256x16xf32>, vector<256x16xf32>, vector<256x16xf32>, vector<256x16xf32>, vector<256x16xf32>, vector<256x16xf32>, vector<256x16xf32> -> vector<256x256xf32>
    %add3A_277 = arith.addf %dot_general3A_274, %tile3A_276 : vector<256x256xf32>
    %add3A_278 = arith.addf %add3A_277, %get3A_214 : vector<256x256xf32>
    %jit3A_279 = arith.constant 0xFF800000 : f32
    %broadcast_in_dim3A_280 = vector.broadcast %jit3A_279 : f32 to vector<256x256xf32>
    %select_n3A_281 = arith.select %lt3A_130, %add3A_278, %broadcast_in_dim3A_280 : vector<256x256xi1>, vector<256x256xf32>
    %reduce_max3A_282 = arith.constant dense<0xFF800000> : vector<256xf32>
    %reduce_max3A_283 = vector.multi_reduction <maximumf>, %select_n3A_281, %reduce_max3A_282 [1] : vector<256x256xf32> to vector<256xf32>
    %broadcast_in_dim3A_284 = vector.shape_cast %reduce_max3A_283 : vector<256xf32> to vector<256x1xf32>
    %sub3A_285 = vector.broadcast %broadcast_in_dim3A_284 : vector<256x1xf32> to vector<256x256xf32>
    %sub3A_286 = arith.subf %select_n3A_281, %sub3A_285 : vector<256x256xf32>
    %exp3A_287 = math.exp %sub3A_286 : vector<256x256xf32>
    %reduce_sum3A_288 = arith.constant dense<0.000000e+00> : vector<256xf32>
    %reduce_sum3A_289 = vector.multi_reduction <add>, %exp3A_287, %reduce_sum3A_288 [1] : vector<256x256xf32> to vector<256xf32>
    %broadcast_in_dim3A_290 = vector.shape_cast %reduce_sum3A_289 : vector<256xf32> to vector<256x1xf32>
    %add3A_291 = arith.constant 1.000000e-16 : f32
    %add3A_292 = vector.broadcast %add3A_291 : f32 to vector<256x1xf32>
    %add3A_293 = arith.addf %broadcast_in_dim3A_290, %add3A_292 : vector<256x1xf32>
    %div3A_294 = vector.broadcast %add3A_293 : vector<256x1xf32> to vector<256x256xf32>
    %div3A_295 = arith.divf %exp3A_287, %div3A_294 : vector<256x256xf32>
    %dot_general3A_296 = arith.constant dense<0.000000e+00> : vector<256x32xf32>
    %dot_general3A_297 = tpu.matmul %div3A_295, %slice3A_272, %dot_general3A_296 {dimension_numbers = #tpu.dot_dimension_numbers<[1], [0], [0], [1], [0, 0, 1, 1], [], []>, transpose_lhs_hint = false} : vector<256x256xf32>, vector<256x32xf32>, vector<256x32xf32> -> vector<256x32xf32>
    %slice3A_298 = vector.extract_strided_slice %add3A_34 {offsets = [0, 96], sizes = [256, 32], strides = [1, 1]} : vector<256x128xf32> to vector<256x32xf32>
    %slice3A_299 = vector.extract_strided_slice %slice3A {offsets = [0, 96], sizes = [256, 32], strides = [1, 1]} : vector<256x128xf32> to vector<256x32xf32>
    %slice3A_300 = vector.extract_strided_slice %slice3A_45 {offsets = [0, 96], sizes = [256, 32], strides = [1, 1]} : vector<256x128xf32> to vector<256x32xf32>
    %dot_general3A_301 = arith.constant dense<0.000000e+00> : vector<256x256xf32>
    %dot_general3A_302 = tpu.matmul %slice3A_298, %slice3A_299, %dot_general3A_301 {dimension_numbers = #tpu.dot_dimension_numbers<[1], [1], [0], [0], [0, 0, 1, 0], [], []>, transpose_lhs_hint = false} : vector<256x32xf32>, vector<256x32xf32>, vector<256x256xf32> -> vector<256x256xf32>
    %slice3A_303 = vector.extract_strided_slice %reshape3A_211 {offsets = [0, 48], sizes = [256, 16], strides = [1, 1]} : vector<256x64xf32> to vector<256x16xf32>
    %tile3A_304 = tpu.concatenate %slice3A_303, %slice3A_303, %slice3A_303, %slice3A_303, %slice3A_303, %slice3A_303, %slice3A_303, %slice3A_303, %slice3A_303, %slice3A_303, %slice3A_303, %slice3A_303, %slice3A_303, %slice3A_303, %slice3A_303, %slice3A_303 in 1 : vector<256x16xf32>, vector<256x16xf32>, vector<256x16xf32>, vector<256x16xf32>, vector<256x16xf32>, vector<256x16xf32>, vector<256x16xf32>, vector<256x16xf32>, vector<256x16xf32>, vector<256x16xf32>, vector<256x16xf32>, vector<256x16xf32>, vector<256x16xf32>, vector<256x16xf32>, vector<256x16xf32>, vector<256x16xf32> -> vector<256x256xf32>
    %add3A_305 = arith.addf %dot_general3A_302, %tile3A_304 : vector<256x256xf32>
    %add3A_306 = arith.addf %add3A_305, %get3A_214 : vector<256x256xf32>
    %jit3A_307 = arith.constant 0xFF800000 : f32
    %broadcast_in_dim3A_308 = vector.broadcast %jit3A_307 : f32 to vector<256x256xf32>
    %select_n3A_309 = arith.select %lt3A_130, %add3A_306, %broadcast_in_dim3A_308 : vector<256x256xi1>, vector<256x256xf32>
    %reduce_max3A_310 = arith.constant dense<0xFF800000> : vector<256xf32>
    %reduce_max3A_311 = vector.multi_reduction <maximumf>, %select_n3A_309, %reduce_max3A_310 [1] : vector<256x256xf32> to vector<256xf32>
    %broadcast_in_dim3A_312 = vector.shape_cast %reduce_max3A_311 : vector<256xf32> to vector<256x1xf32>
    %sub3A_313 = vector.broadcast %broadcast_in_dim3A_312 : vector<256x1xf32> to vector<256x256xf32>
    %sub3A_314 = arith.subf %select_n3A_309, %sub3A_313 : vector<256x256xf32>
    %exp3A_315 = math.exp %sub3A_314 : vector<256x256xf32>
    %reduce_sum3A_316 = arith.constant dense<0.000000e+00> : vector<256xf32>
    %reduce_sum3A_317 = vector.multi_reduction <add>, %exp3A_315, %reduce_sum3A_316 [1] : vector<256x256xf32> to vector<256xf32>
    %broadcast_in_dim3A_318 = vector.shape_cast %reduce_sum3A_317 : vector<256xf32> to vector<256x1xf32>
    %add3A_319 = arith.constant 1.000000e-16 : f32
    %add3A_320 = vector.broadcast %add3A_319 : f32 to vector<256x1xf32>
    %add3A_321 = arith.addf %broadcast_in_dim3A_318, %add3A_320 : vector<256x1xf32>
    %div3A_322 = vector.broadcast %add3A_321 : vector<256x1xf32> to vector<256x256xf32>
    %div3A_323 = arith.divf %exp3A_315, %div3A_322 : vector<256x256xf32>
    %dot_general3A_324 = arith.constant dense<0.000000e+00> : vector<256x32xf32>
    %dot_general3A_325 = tpu.matmul %div3A_323, %slice3A_300, %dot_general3A_324 {dimension_numbers = #tpu.dot_dimension_numbers<[1], [0], [0], [1], [0, 0, 1, 1], [], []>, transpose_lhs_hint = false} : vector<256x256xf32>, vector<256x32xf32>, vector<256x32xf32> -> vector<256x32xf32>
    %concatenate3A = tpu.concatenate %dot_general3A_241, %dot_general3A_269, %dot_general3A_297, %dot_general3A_325 in 1 : vector<256x32xf32>, vector<256x32xf32>, vector<256x32xf32>, vector<256x32xf32> -> vector<256x128xf32>
    %mul3A_326 = arith.mulf %concatenate3A, %logistic3A_60 : vector<256x128xf32>
    %get3A_327 = arith.constant 0 : index
    %get3A_328 = arith.constant 0 : index
    %get3A_329 = vector.load %arg21[%get3A_327, %get3A_328] : memref<128x128xf32, #tpu.memory_space<vmem>>, vector<128x128xf32>
    %dot_general3A_330 = arith.constant dense<0.000000e+00> : vector<256x128xf32>
    %dot_general3A_331 = tpu.matmul %mul3A_326, %get3A_329, %dot_general3A_330 {dimension_numbers = #tpu.dot_dimension_numbers<[1], [0], [0], [1], [0, 0, 1, 1], [], []>, transpose_lhs_hint = false} : vector<256x128xf32>, vector<128x128xf32>, vector<256x128xf32> -> vector<256x128xf32>
    %get3A_332 = arith.constant 0 : index
    %get3A_333 = arith.constant 0 : index
    %get3A_334 = vector.load %arg22[%get3A_332, %get3A_333] : memref<1x128xf32, #tpu.memory_space<vmem>>, vector<1x128xf32>
    %add3A_335 = vector.broadcast %get3A_334 : vector<1x128xf32> to vector<256x128xf32>
    %add3A_336 = arith.addf %dot_general3A_331, %add3A_335 : vector<256x128xf32>
    %swap3A = arith.constant 0 : index
    %swap3A_337 = arith.constant 0 : index
    %swap3A_338 = vector.load %arg23[%swap3A, %swap3A_337] : memref<256x128xf32, #tpu.memory_space<vmem>>, vector<256x128xf32>
    tpu.vector_store %arg23[%swap3A, %swap3A_337], %add3A_336 {strides = array<i32>} : memref<256x128xf32, #tpu.memory_space<vmem>>, vector<256x128xf32>,
    return
  }
  func.func @transform_0(%arg0: i32) -> (i32, i32) {
    %c0_i32 = arith.constant 0 : i32
    %c0_i32_0 = arith.constant 0 : i32
    return %arg0, %c0_i32 : i32, i32
  }
  func.func @transform_1(%arg0: i32) -> (i32, i32) {
    %add3A = arith.constant 480 : i32
    %add3A_0 = arith.addi %arg0, %add3A : i32
    %c0_i32 = arith.constant 0 : i32
    %c0_i32_1 = arith.constant 0 : i32
    return %add3A_0, %c0_i32 : i32, i32
  }
  func.func @transform_2(%arg0: i32) -> (i32, i32) {
    %c0_i32 = arith.constant 0 : i32
    %c0_i32_0 = arith.constant 0 : i32
    %c0_i32_1 = arith.constant 0 : i32
    return %c0_i32, %c0_i32_0 : i32, i32
  }
  func.func @transform_3(%arg0: i32) -> (i32, i32) {
    %c0_i32 = arith.constant 0 : i32
    %c0_i32_0 = arith.constant 0 : i32
    %c0_i32_1 = arith.constant 0 : i32
    return %c0_i32, %c0_i32_0 : i32, i32
  }
  func.func @transform_4(%arg0: i32) -> (i32, i32) {
    %c0_i32 = arith.constant 0 : i32
    %c0_i32_0 = arith.constant 0 : i32
    %c0_i32_1 = arith.constant 0 : i32
    return %c0_i32, %c0_i32_0 : i32, i32
  }
  func.func @transform_5(%arg0: i32) -> (i32, i32) {
    %c0_i32 = arith.constant 0 : i32
    %c0_i32_0 = arith.constant 0 : i32
    %c0_i32_1 = arith.constant 0 : i32
    return %c0_i32, %c0_i32_0 : i32, i32
  }
  func.func @transform_6(%arg0: i32) -> (i32, i32) {
    %c0_i32 = arith.constant 0 : i32
    %c0_i32_0 = arith.constant 0 : i32
    %c0_i32_1 = arith.constant 0 : i32
    return %c0_i32, %c0_i32_0 : i32, i32
  }
  func.func @transform_7(%arg0: i32) -> (i32, i32) {
    %c0_i32 = arith.constant 0 : i32
    %c0_i32_0 = arith.constant 0 : i32
    %c0_i32_1 = arith.constant 0 : i32
    return %c0_i32, %c0_i32_0 : i32, i32
  }
  func.func @transform_8(%arg0: i32) -> (i32, i32) {
    %c0_i32 = arith.constant 0 : i32
    %c0_i32_0 = arith.constant 0 : i32
    %c0_i32_1 = arith.constant 0 : i32
    return %c0_i32, %c0_i32_0 : i32, i32
  }
  func.func @transform_9(%arg0: i32) -> (i32, i32) {
    %c0_i32 = arith.constant 0 : i32
    %c0_i32_0 = arith.constant 0 : i32
    %c0_i32_1 = arith.constant 0 : i32
    return %c0_i32, %c0_i32_0 : i32, i32
  }
  func.func @transform_10(%arg0: i32) -> (i32, i32) {
    %c0_i32 = arith.constant 0 : i32
    %c0_i32_0 = arith.constant 0 : i32
    %c0_i32_1 = arith.constant 0 : i32
    return %c0_i32, %c0_i32_0 : i32, i32
  }
  func.func @transform_11(%arg0: i32) -> (i32, i32) {
    %c0_i32 = arith.constant 0 : i32
    %c0_i32_0 = arith.constant 0 : i32
    %c0_i32_1 = arith.constant 0 : i32
    return %c0_i32, %c0_i32_0 : i32, i32
  }
  func.func @transform_12(%arg0: i32) -> (i32, i32) {
    %c0_i32 = arith.constant 0 : i32
    %c0_i32_0 = arith.constant 0 : i32
    %c0_i32_1 = arith.constant 0 : i32
    return %c0_i32, %c0_i32_0 : i32, i32
  }
  func.func @transform_13(%arg0: i32) -> (i32, i32) {
    %c0_i32 = arith.constant 0 : i32
    %c0_i32_0 = arith.constant 0 : i32
    %c0_i32_1 = arith.constant 0 : i32
    return %c0_i32, %c0_i32_0 : i32, i32
  }
  func.func @transform_14(%arg0: i32) -> (i32, i32) {
    %c0_i32 = arith.constant 0 : i32
    %c0_i32_0 = arith.constant 0 : i32
    %c0_i32_1 = arith.constant 0 : i32
    return %c0_i32, %c0_i32_0 : i32, i32
  }
  func.func @transform_15(%arg0: i32) -> (i32, i32) {
    %c0_i32 = arith.constant 0 : i32
    %c0_i32_0 = arith.constant 0 : i32
    %c0_i32_1 = arith.constant 0 : i32
    return %c0_i32, %c0_i32_0 : i32, i32
  }
  func.func @transform_16(%arg0: i32) -> (i32, i32) {
    %c0_i32 = arith.constant 0 : i32
    %c0_i32_0 = arith.constant 0 : i32
    %c0_i32_1 = arith.constant 0 : i32
    return %c0_i32, %c0_i32_0 : i32, i32
  }
  func.func @transform_17(%arg0: i32) -> (i32, i32) {
    %c0_i32 = arith.constant 0 : i32
    %c0_i32_0 = arith.constant 0 : i32
    %c0_i32_1 = arith.constant 0 : i32
    return %c0_i32, %c0_i32_0 : i32, i32
  }
  func.func @transform_18(%arg0: i32) -> (i32, i32) {
    %c0_i32 = arith.constant 0 : i32
    %c0_i32_0 = arith.constant 0 : i32
    %c0_i32_1 = arith.constant 0 : i32
    return %c0_i32, %c0_i32_0 : i32, i32
  }
  func.func @transform_19(%arg0: i32) -> (i32, i32) {
    %c0_i32 = arith.constant 0 : i32
    %c0_i32_0 = arith.constant 0 : i32
    %c0_i32_1 = arith.constant 0 : i32
    return %c0_i32, %c0_i32_0 : i32, i32
  }
  func.func @transform_20(%arg0: i32) -> (i32, i32) {
    %c0_i32 = arith.constant 0 : i32
    %c0_i32_0 = arith.constant 0 : i32
    %c0_i32_1 = arith.constant 0 : i32
    return %c0_i32, %c0_i32_0 : i32, i32
  }
  func.func @transform_21(%arg0: i32) -> (i32, i32) {
    %c0_i32 = arith.constant 0 : i32
    %c0_i32_0 = arith.constant 0 : i32
    %c0_i32_1 = arith.constant 0 : i32
    return %c0_i32, %c0_i32_0 : i32, i32
  }
  func.func @transform_22(%arg0: i32) -> (i32, i32) {
    %c0_i32 = arith.constant 0 : i32
    %c0_i32_0 = arith.constant 0 : i32
    return %arg0, %c0_i32 : i32, i32
  }
}

module attributes {stable_mosaic.version = 14 : i64} {
  func.func @_main_body(%arg0: i32, %arg1: memref<256x128xf32, #tpu.memory_space<vmem>>, %arg2: memref<256x128xf32, #tpu.memory_space<vmem>>, %arg3: memref<4096x256xf32, #tpu.memory_space<vmem>>, %arg4: memref<4096x256xf32, #tpu.memory_space<vmem>>, %arg5: memref<256x256xf32, #tpu.memory_space<vmem>>, %arg6: memref<24x67xf32, #tpu.memory_space<vmem>>, %arg7: memref<24x67xf32, #tpu.memory_space<vmem>>, %arg8: memref<1x128xf32, #tpu.memory_space<vmem>>, %arg9: memref<1x128xf32, #tpu.memory_space<vmem>>, %arg10: memref<128x128xf32, #tpu.memory_space<vmem>>, %arg11: memref<1x128xf32, #tpu.memory_space<vmem>>, %arg12: memref<128x256xf32, #tpu.memory_space<vmem>>, %arg13: memref<1x256xf32, #tpu.memory_space<vmem>>, %arg14: memref<128x128xf32, #tpu.memory_space<vmem>>, %arg15: memref<1x128xf32, #tpu.memory_space<vmem>>, %arg16: memref<64x128xf32, #tpu.memory_space<vmem>>, %arg17: memref<1x128xf32, #tpu.memory_space<vmem>>, %arg18: memref<64x128xf32, #tpu.memory_space<vmem>>, %arg19: memref<1x128xf32, #tpu.memory_space<vmem>>, %arg20: memref<128x4xf32, #tpu.memory_space<vmem>>, %arg21: memref<128x128xf32, #tpu.memory_space<vmem>>, %arg22: memref<1x128xf32, #tpu.memory_space<vmem>>, %arg23: memref<256x128xf32, #tpu.memory_space<vmem>>) attributes {dimension_semantics = [#tpu.dimension_semantics<arbitrary>], iteration_bounds = array<i64: 160>, scalar_prefetch = 0 : i64, scratch_operands = 0 : i64, tpu.core_type = #tpu.core_type<tc>, window_params = [{transform_indices = @transform_0, window_bounds = array<i64: 256, 128>}, {transform_indices = @transform_1, window_bounds = array<i64: 256, 128>}, {pipeline_mode = #tpu.pipeline_mode<synchronous>, transform_indices = @transform_2, window_bounds = array<i64: 4096, 256>}, {pipeline_mode = #tpu.pipeline_mode<synchronous>, transform_indices = @transform_3, window_bounds = array<i64: 4096, 256>}, {pipeline_mode = #tpu.pipeline_mode<synchronous>, transform_indices = @transform_4, window_bounds = array<i64: 256, 256>}, {pipeline_mode = #tpu.pipeline_mode<synchronous>, transform_indices = @transform_5, window_bounds = array<i64: 24, 67>}, {pipeline_mode = #tpu.pipeline_mode<synchronous>, transform_indices = @transform_6, window_bounds = array<i64: 24, 67>}, {pipeline_mode = #tpu.pipeline_mode<synchronous>, transform_indices = @transform_7, window_bounds = array<i64: 1, 128>}, {pipeline_mode = #tpu.pipeline_mode<synchronous>, transform_indices = @transform_8, window_bounds = array<i64: 1, 128>}, {pipeline_mode = #tpu.pipeline_mode<synchronous>, transform_indices = @transform_9, window_bounds = array<i64: 128, 128>}, {pipeline_mode = #tpu.pipeline_mode<synchronous>, transform_indices = @transform_10, window_bounds = array<i64: 1, 128>}, {pipeline_mode = #tpu.pipeline_mode<synchronous>, transform_indices = @transform_11, window_bounds = array<i64: 128, 256>}, {pipeline_mode = #tpu.pipeline_mode<synchronous>, transform_indices = @transform_12, window_bounds = array<i64: 1, 256>}, {pipeline_mode = #tpu.pipeline_mode<synchronous>, transform_indices = @transform_13, window_bounds = array<i64: 128, 128>}, {pipeline_mode = #tpu.pipeline_mode<synchronous>, transform_indices = @transform_14, window_bounds = array<i64: 1, 128>}, {pipeline_mode = #tpu.pipeline_mode<synchronous>, transform_indices = @transform_15, window_bounds = array<i64: 64, 128>}, {pipeline_mode = #tpu.pipeline_mode<synchronous>, transform_indices = @transform_16, window_bounds = array<i64: 1, 128>}, {pipeline_mode = #tpu.pipeline_mode<synchronous>, transform_indices = @transform_17, window_bounds = array<i64: 64, 128>}, {pipeline_mode = #tpu.pipeline_mode<synchronous>, transform_indices = @transform_18, window_bounds = array<i64: 1, 128>}, {pipeline_mode = #tpu.pipeline_mode<synchronous>, transform_indices = @transform_19, window_bounds = array<i64: 128, 4>}, {pipeline_mode = #tpu.pipeline_mode<synchronous>, transform_indices = @transform_20, window_bounds = array<i64: 128, 128>}, {pipeline_mode = #tpu.pipeline_mode<synchronous>, transform_indices = @transform_21, window_bounds = array<i64: 1, 128>}, {transform_indices = @transform_22, window_bounds = array<i64: 256, 128>}]} {
    %get3A = arith.constant 0 : index
    %get3A_0 = arith.constant 0 : index
    %get3A_1 = vector.load %arg2[%get3A, %get3A_0] : memref<256x128xf32, #tpu.memory_space<vmem>>, vector<256x128xf32>
    %reduce_sum3A = arith.constant dense<0.000000e+00> : vector<256xf32>
    %reduce_sum3A_2 = vector.multi_reduction <add>, %get3A_1, %reduce_sum3A [1] : vector<256x128xf32> to vector<256xf32>
    %broadcast_in_dim3A = vector.shape_cast %reduce_sum3A_2 : vector<256xf32> to vector<256x1xf32>
    %div3A = arith.constant 1.280000e+02 : f32
    %div3A_3 = vector.broadcast %div3A : f32 to vector<256x1xf32>
    %div3A_4 = arith.divf %broadcast_in_dim3A, %div3A_3 : vector<256x1xf32>
    %sub3A = vector.broadcast %div3A_4 : vector<256x1xf32> to vector<256x128xf32>
    %sub3A_5 = arith.subf %get3A_1, %sub3A : vector<256x128xf32>
    %mul3A = arith.mulf %sub3A_5, %sub3A_5 : vector<256x128xf32>
    %reduce_sum3A_6 = arith.constant dense<0.000000e+00> : vector<256xf32>
    %reduce_sum3A_7 = vector.multi_reduction <add>, %mul3A, %reduce_sum3A_6 [1] : vector<256x128xf32> to vector<256xf32>
    %broadcast_in_dim3A_8 = vector.shape_cast %reduce_sum3A_7 : vector<256xf32> to vector<256x1xf32>
    %div3A_9 = arith.constant 1.280000e+02 : f32
    %div3A_10 = vector.broadcast %div3A_9 : f32 to vector<256x1xf32>
    %div3A_11 = arith.divf %broadcast_in_dim3A_8, %div3A_10 : vector<256x1xf32>
    %add3A = arith.constant 9.99999974E-6 : f32
    %add3A_12 = vector.broadcast %add3A : f32 to vector<256x1xf32>
    %add3A_13 = arith.addf %div3A_11, %add3A_12 : vector<256x1xf32>
    %sqrt3A = math.sqrt %add3A_13 : vector<256x1xf32>
    %div3A_14 = vector.broadcast %sqrt3A : vector<256x1xf32> to vector<256x128xf32>
    %div3A_15 = arith.divf %sub3A_5, %div3A_14 : vector<256x128xf32>
    %get3A_16 = arith.constant 0 : index
    %get3A_17 = arith.constant 0 : index
    %get3A_18 = vector.load %arg8[%get3A_16, %get3A_17] : memref<1x128xf32, #tpu.memory_space<vmem>>, vector<1x128xf32>
    %mul3A_19 = vector.broadcast %get3A_18 : vector<1x128xf32> to vector<256x128xf32>
    %mul3A_20 = arith.mulf %div3A_15, %mul3A_19 : vector<256x128xf32>
    %get3A_21 = arith.constant 0 : index
    %get3A_22 = arith.constant 0 : index
    %get3A_23 = vector.load %arg9[%get3A_21, %get3A_22] : memref<1x128xf32, #tpu.memory_space<vmem>>, vector<1x128xf32>
    %add3A_24 = vector.broadcast %get3A_23 : vector<1x128xf32> to vector<256x128xf32>
    %add3A_25 = arith.addf %mul3A_20, %add3A_24 : vector<256x128xf32>
    %get3A_26 = arith.constant 0 : index
    %get3A_27 = arith.constant 0 : index
    %get3A_28 = vector.load %arg10[%get3A_26, %get3A_27] : memref<128x128xf32, #tpu.memory_space<vmem>>, vector<128x128xf32>
    %dot_general3A = arith.constant dense<0.000000e+00> : vector<256x128xf32>
    %dot_general3A_29 = tpu.matmul %add3A_25, %get3A_28, %dot_general3A {dimension_numbers = #tpu.dot_dimension_numbers<[1], [0], [0], [1], [0, 0, 1, 1], [], []>, transpose_lhs_hint = false} : vector<256x128xf32>, vector<128x128xf32>, vector<256x128xf32> -> vector<256x128xf32>
    %get3A_30 = arith.constant 0 : index
    %get3A_31 = arith.constant 0 : index
    %get3A_32 = vector.load %arg11[%get3A_30, %get3A_31] : memref<1x128xf32, #tpu.memory_space<vmem>>, vector<1x128xf32>
    %add3A_33 = vector.broadcast %get3A_32 : vector<1x128xf32> to vector<256x128xf32>
    %add3A_34 = arith.addf %dot_general3A_29, %add3A_33 : vector<256x128xf32>
    %get3A_35 = arith.constant 0 : index
    %get3A_36 = arith.constant 0 : index
    %get3A_37 = vector.load %arg12[%get3A_35, %get3A_36] : memref<128x256xf32, #tpu.memory_space<vmem>>, vector<128x256xf32>
    %dot_general3A_38 = arith.constant dense<0.000000e+00> : vector<256x256xf32>
    %dot_general3A_39 = tpu.matmul %add3A_25, %get3A_37, %dot_general3A_38 {dimension_numbers = #tpu.dot_dimension_numbers<[1], [0], [0], [1], [0, 0, 1, 1], [], []>, transpose_lhs_hint = false} : vector<256x128xf32>, vector<128x256xf32>, vector<256x256xf32> -> vector<256x256xf32>
    %get3A_40 = arith.constant 0 : index
    %get3A_41 = arith.constant 0 : index
    %get3A_42 = vector.load %arg13[%get3A_40, %get3A_41] : memref<1x256xf32, #tpu.memory_space<vmem>>, vector<1x256xf32>
    %add3A_43 = vector.broadcast %get3A_42 : vector<1x256xf32> to vector<256x256xf32>
    %add3A_44 = arith.addf %dot_general3A_39, %add3A_43 : vector<256x256xf32>
    %slice3A = vector.extract_strided_slice %add3A_44 {offsets = [0, 0], sizes = [256, 128], strides = [1, 1]} : vector<256x256xf32> to vector<256x128xf32>
    %slice3A_45 = vector.extract_strided_slice %add3A_44 {offsets = [0, 128], sizes = [256, 128], strides = [1, 1]} : vector<256x256xf32> to vector<256x128xf32>
    %get3A_46 = arith.constant 0 : index
    %get3A_47 = arith.constant 0 : index
    %get3A_48 = vector.load %arg14[%get3A_46, %get3A_47] : memref<128x128xf32, #tpu.memory_space<vmem>>, vector<128x128xf32>
    %dot_general3A_49 = arith.constant dense<0.000000e+00> : vector<256x128xf32>
    %dot_general3A_50 = tpu.matmul %add3A_25, %get3A_48, %dot_general3A_49 {dimension_numbers = #tpu.dot_dimension_numbers<[1], [0], [0], [1], [0, 0, 1, 1], [], []>, transpose_lhs_hint = false} : vector<256x128xf32>, vector<128x128xf32>, vector<256x128xf32> -> vector<256x128xf32>
    %get3A_51 = arith.constant 0 : index
    %get3A_52 = arith.constant 0 : index
    %get3A_53 = vector.load %arg15[%get3A_51, %get3A_52] : memref<1x128xf32, #tpu.memory_space<vmem>>, vector<1x128xf32>
    %add3A_54 = vector.broadcast %get3A_53 : vector<1x128xf32> to vector<256x128xf32>
    %add3A_55 = arith.addf %dot_general3A_50, %add3A_54 : vector<256x128xf32>
    %logistic3A = arith.negf %add3A_55 : vector<256x128xf32>
    %logistic3A_56 = math.exp %logistic3A : vector<256x128xf32>
    %logistic3A_57 = arith.constant 1.000000e+00 : f32
    %logistic3A_58 = vector.broadcast %logistic3A_57 : f32 to vector<256x128xf32>
    %logistic3A_59 = arith.addf %logistic3A_58, %logistic3A_56 : vector<256x128xf32>
    %logistic3A_60 = arith.divf %logistic3A_58, %logistic3A_59 : vector<256x128xf32>
    %get3A_61 = arith.constant 0 : index
    %get3A_62 = arith.constant 0 : index
    %get3A_63 = vector.load %arg1[%get3A_61, %get3A_62] : memref<256x128xf32, #tpu.memory_space<vmem>>, vector<256x128xf32>
    %slice3A_64 = vector.extract_strided_slice %get3A_63 {offsets = [0, 0], sizes = [256, 1], strides = [1, 1]} : vector<256x128xf32> to vector<256x1xf32>
    %slice3A_65 = vector.extract_strided_slice %get3A_63 {offsets = [0, 1], sizes = [256, 1], strides = [1, 1]} : vector<256x128xf32> to vector<256x1xf32>
    %slice3A_66 = vector.extract_strided_slice %get3A_63 {offsets = [0, 2], sizes = [256, 1], strides = [1, 1]} : vector<256x128xf32> to vector<256x1xf32>
    %reshape3A = vector.shape_cast %slice3A_64 : vector<256x1xf32> to vector<16x16xf32>
    %broadcast_in_dim3A_67 = vector.shape_cast %reshape3A : vector<16x16xf32> to vector<16x1x16xf32>
    %broadcast_in_dim3A_68 = vector.shape_cast %broadcast_in_dim3A_67 : vector<16x1x16xf32> to vector<16x1x16xf32>
    %broadcast_in_dim3A_69 = vector.broadcast %broadcast_in_dim3A_68 : vector<16x1x16xf32> to vector<16x16x16xf32>
    %reshape3A_70 = vector.shape_cast %broadcast_in_dim3A_69 : vector<16x16x16xf32> to vector<256x16xf32>
    %sub3A_71 = vector.broadcast %slice3A_64 : vector<256x1xf32> to vector<256x16xf32>
    %sub3A_72 = arith.subf %sub3A_71, %reshape3A_70 : vector<256x16xf32>
    %reshape3A_73 = vector.shape_cast %slice3A_65 : vector<256x1xf32> to vector<16x16xf32>
    %broadcast_in_dim3A_74 = vector.shape_cast %reshape3A_73 : vector<16x16xf32> to vector<16x1x16xf32>
    %broadcast_in_dim3A_75 = vector.shape_cast %broadcast_in_dim3A_74 : vector<16x1x16xf32> to vector<16x1x16xf32>
    %broadcast_in_dim3A_76 = vector.broadcast %broadcast_in_dim3A_75 : vector<16x1x16xf32> to vector<16x16x16xf32>
    %reshape3A_77 = vector.shape_cast %broadcast_in_dim3A_76 : vector<16x16x16xf32> to vector<256x16xf32>
    %sub3A_78 = vector.broadcast %slice3A_65 : vector<256x1xf32> to vector<256x16xf32>
    %sub3A_79 = arith.subf %sub3A_78, %reshape3A_77 : vector<256x16xf32>
    %reshape3A_80 = vector.shape_cast %slice3A_66 : vector<256x1xf32> to vector<16x16xf32>
    %broadcast_in_dim3A_81 = vector.shape_cast %reshape3A_80 : vector<16x16xf32> to vector<16x1x16xf32>
    %broadcast_in_dim3A_82 = vector.shape_cast %broadcast_in_dim3A_81 : vector<16x1x16xf32> to vector<16x1x16xf32>
    %broadcast_in_dim3A_83 = vector.broadcast %broadcast_in_dim3A_82 : vector<16x1x16xf32> to vector<16x16x16xf32>
    %reshape3A_84 = vector.shape_cast %broadcast_in_dim3A_83 : vector<16x16x16xf32> to vector<256x16xf32>
    %sub3A_85 = vector.broadcast %slice3A_66 : vector<256x1xf32> to vector<256x16xf32>
    %sub3A_86 = arith.subf %sub3A_85, %reshape3A_84 : vector<256x16xf32>
    %mul3A_87 = arith.mulf %sub3A_72, %sub3A_72 : vector<256x16xf32>
    %mul3A_88 = arith.mulf %sub3A_79, %sub3A_79 : vector<256x16xf32>
    %add3A_89 = arith.addf %mul3A_87, %mul3A_88 : vector<256x16xf32>
    %mul3A_90 = arith.mulf %sub3A_86, %sub3A_86 : vector<256x16xf32>
    %add3A_91 = arith.addf %add3A_89, %mul3A_90 : vector<256x16xf32>
    %iota3A = tpu.iota {dimensions = array<i32: 0>} : vector<256x16xi32>
    %jit3A = arith.constant 16 : i32
    %eq3A = arith.constant 0 : i32
    %eq3A_92 = arith.cmpi eq, %jit3A, %eq3A : i32
    %jit3A_93 = arith.constant 1 : i32
    %select_n3A = arith.select %eq3A_92, %jit3A_93, %jit3A : i32
    %rem3A = vector.broadcast %select_n3A : i32 to vector<256x16xi32>
    %rem3A_94 = arith.remsi %iota3A, %rem3A : vector<256x16xi32>
    %ne3A = arith.constant 0 : i32
    %ne3A_95 = vector.broadcast %ne3A : i32 to vector<256x16xi32>
    %ne3A_96 = arith.cmpi ne, %rem3A_94, %ne3A_95 : vector<256x16xi32>
    %lt3A = arith.constant 0 : i32
    %lt3A_97 = vector.broadcast %lt3A : i32 to vector<256x16xi32>
    %lt3A_98 = arith.cmpi slt, %rem3A_94, %lt3A_97 : vector<256x16xi32>
    %lt3A_99 = arith.constant 0 : i32
    %lt3A_100 = arith.cmpi slt, %select_n3A, %lt3A_99 : i32
    %ne3A_101 = vector.broadcast %lt3A_100 : i1 to vector<256x16xi1>
    %ne3A_102 = vector.broadcast %ne3A_101 : vector<256x16xi1> to vector<256x16xi1>
    %ne3A_103 = arith.xori %lt3A_98, %ne3A_102 : vector<256x16xi1>
    %and3A = arith.andi %ne3A_103, %ne3A_96 : vector<256x16xi1>
    %add3A_104 = vector.broadcast %select_n3A : i32 to vector<256x16xi32>
    %add3A_105 = arith.addi %rem3A_94, %add3A_104 : vector<256x16xi32>
    %select_n3A_106 = arith.select %and3A, %add3A_105, %rem3A_94 : vector<256x16xi1>, vector<256x16xi32>
    %iota3A_107 = tpu.iota {dimensions = array<i32: 1>} : vector<256x16xi32>
    %eq3A_108 = arith.cmpi eq, %select_n3A_106, %iota3A_107 : vector<256x16xi32>
    %jit3A_109 = arith.constant 0x7F800000 : f32
    %broadcast_in_dim3A_110 = vector.broadcast %jit3A_109 : f32 to vector<256x16xf32>
    %select_n3A_111 = arith.select %eq3A_108, %broadcast_in_dim3A_110, %add3A_91 : vector<256x16xi1>, vector<256x16xf32>
    %broadcast_in_dim3A_112 = vector.shape_cast %select_n3A_111 : vector<256x16xf32> to vector<256x1x16xf32>
    %broadcast_in_dim3A_113 = vector.shape_cast %select_n3A_111 : vector<256x16xf32> to vector<256x16x1xf32>
    %iota3A_114 = tpu.iota {dimensions = array<i32: 1>} : vector<1x16x16xi32>
    %iota3A_115 = tpu.iota {dimensions = array<i32: 2>} : vector<1x16x16xi32>
    %lt3A_116 = vector.broadcast %broadcast_in_dim3A_113 : vector<256x16x1xf32> to vector<256x16x16xf32>
    %lt3A_117 = vector.broadcast %broadcast_in_dim3A_112 : vector<256x1x16xf32> to vector<256x16x16xf32>
    %lt3A_118 = arith.cmpf olt, %lt3A_116, %lt3A_117 : vector<256x16x16xf32>
    %eq3A_119 = vector.broadcast %broadcast_in_dim3A_113 : vector<256x16x1xf32> to vector<256x16x16xf32>
    %eq3A_120 = vector.broadcast %broadcast_in_dim3A_112 : vector<256x1x16xf32> to vector<256x16x16xf32>
    %eq3A_121 = arith.cmpf oeq, %eq3A_119, %eq3A_120 : vector<256x16x16xf32>
    %lt3A_122 = arith.cmpi slt, %iota3A_114, %iota3A_115 : vector<1x16x16xi32>
    %and3A_123 = vector.broadcast %lt3A_122 : vector<1x16x16xi1> to vector<256x16x16xi1>
    %and3A_124 = arith.andi %eq3A_121, %and3A_123 : vector<256x16x16xi1>
    %or3A = arith.ori %lt3A_118, %and3A_124 : vector<256x16x16xi1>
    %convert_element_type3A = arith.extui %or3A : vector<256x16x16xi1> to vector<256x16x16xi32>
    %convert_element_type3A_125 = arith.sitofp %convert_element_type3A : vector<256x16x16xi32> to vector<256x16x16xf32>
    %reduce_sum3A_126 = arith.constant dense<0.000000e+00> : vector<256x16xf32>
    %reduce_sum3A_127 = vector.multi_reduction <add>, %convert_element_type3A_125, %reduce_sum3A_126 [1] : vector<256x16x16xf32> to vector<256x16xf32>
    %tile3A = tpu.concatenate %reduce_sum3A_127, %reduce_sum3A_127, %reduce_sum3A_127, %reduce_sum3A_127, %reduce_sum3A_127, %reduce_sum3A_127, %reduce_sum3A_127, %reduce_sum3A_127, %reduce_sum3A_127, %reduce_sum3A_127, %reduce_sum3A_127, %reduce_sum3A_127, %reduce_sum3A_127, %reduce_sum3A_127, %reduce_sum3A_127, %reduce_sum3A_127 in 1 : vector<256x16xf32>, vector<256x16xf32>, vector<256x16xf32>, vector<256x16xf32>, vector<256x16xf32>, vector<256x16xf32>, vector<256x16xf32>, vector<256x16xf32>, vector<256x16xf32>, vector<256x16xf32>, vector<256x16xf32>, vector<256x16xf32>, vector<256x16xf32>, vector<256x16xf32>, vector<256x16xf32>, vector<256x16xf32> -> vector<256x256xf32>
    %lt3A_128 = arith.constant 8.000000e+00 : f32
    %lt3A_129 = vector.broadcast %lt3A_128 : f32 to vector<256x256xf32>
    %lt3A_130 = arith.cmpf olt, %tile3A, %lt3A_129 : vector<256x256xf32>
    %slice3A_131 = vector.extract_strided_slice %get3A_63 {offsets = [0, 0], sizes = [256, 24], strides = [1, 1]} : vector<256x128xf32> to vector<256x24xf32>
    %get3A_132 = arith.constant 0 : index
    %get3A_133 = arith.constant 0 : index
    %get3A_134 = vector.load %arg6[%get3A_132, %get3A_133] : memref<24x67xf32, #tpu.memory_space<vmem>>, vector<24x67xf32>
    %dot_general3A_135 = arith.constant dense<0.000000e+00> : vector<256x67xf32>
    %dot_general3A_136 = tpu.matmul %slice3A_131, %get3A_134, %dot_general3A_135 {dimension_numbers = #tpu.dot_dimension_numbers<[1], [0], [0], [1], [0, 0, 1, 1], [], []>, transpose_lhs_hint = false} : vector<256x24xf32>, vector<24x67xf32>, vector<256x67xf32> -> vector<256x67xf32>
    %get3A_137 = arith.constant 0 : index
    %get3A_138 = arith.constant 0 : index
    %get3A_139 = vector.load %arg7[%get3A_137, %get3A_138] : memref<24x67xf32, #tpu.memory_space<vmem>>, vector<24x67xf32>
    %dot_general3A_140 = arith.constant dense<0.000000e+00> : vector<256x67xf32>
    %dot_general3A_141 = tpu.matmul %slice3A_131, %get3A_139, %dot_general3A_140 {dimension_numbers = #tpu.dot_dimension_numbers<[1], [0], [0], [1], [0, 0, 1, 1], [], []>, transpose_lhs_hint = false} : vector<256x24xf32>, vector<24x67xf32>, vector<256x67xf32> -> vector<256x67xf32>
    %get3A_142 = arith.constant 0 : index
    %get3A_143 = arith.constant 0 : index
    %get3A_144 = vector.load %arg3[%get3A_142, %get3A_143] : memref<4096x256xf32, #tpu.memory_space<vmem>>, vector<4096x256xf32>
    %dot_general3A_145 = arith.constant dense<0.000000e+00> : vector<4096x67xf32>
    %dot_general3A_146 = tpu.matmul %get3A_144, %dot_general3A_136, %dot_general3A_145 {dimension_numbers = #tpu.dot_dimension_numbers<[1], [0], [0], [1], [0, 0, 1, 1], [], []>, transpose_lhs_hint = false} : vector<4096x256xf32>, vector<256x67xf32>, vector<4096x67xf32> -> vector<4096x67xf32>
    %get3A_147 = arith.constant 0 : index
    %get3A_148 = arith.constant 0 : index
    %get3A_149 = vector.load %arg4[%get3A_147, %get3A_148] : memref<4096x256xf32, #tpu.memory_space<vmem>>, vector<4096x256xf32>
    %dot_general3A_150 = arith.constant dense<0.000000e+00> : vector<4096x67xf32>
    %dot_general3A_151 = tpu.matmul %get3A_149, %dot_general3A_141, %dot_general3A_150 {dimension_numbers = #tpu.dot_dimension_numbers<[1], [0], [0], [1], [0, 0, 1, 1], [], []>, transpose_lhs_hint = false} : vector<4096x256xf32>, vector<256x67xf32>, vector<4096x67xf32> -> vector<4096x67xf32>
    %slice3A_152 = vector.extract_strided_slice %dot_general3A_146 {offsets = [0, 0], sizes = [4096, 64], strides = [1, 1]} : vector<4096x67xf32> to vector<4096x64xf32>
    %slice3A_153 = vector.extract_strided_slice %dot_general3A_151 {offsets = [0, 0], sizes = [4096, 64], strides = [1, 1]} : vector<4096x67xf32> to vector<4096x64xf32>
    %mul3A_154 = arith.mulf %slice3A_152, %slice3A_153 : vector<4096x64xf32>
    %get3A_155 = arith.constant 0 : index
    %get3A_156 = arith.constant 0 : index
    %get3A_157 = vector.load %arg16[%get3A_155, %get3A_156] : memref<64x128xf32, #tpu.memory_space<vmem>>, vector<64x128xf32>
    %dot_general3A_158 = arith.constant dense<0.000000e+00> : vector<4096x128xf32>
    %dot_general3A_159 = tpu.matmul %mul3A_154, %get3A_157, %dot_general3A_158 {dimension_numbers = #tpu.dot_dimension_numbers<[1], [0], [0], [1], [0, 0, 1, 1], [], []>, transpose_lhs_hint = false} : vector<4096x64xf32>, vector<64x128xf32>, vector<4096x128xf32> -> vector<4096x128xf32>
    %get3A_160 = arith.constant 0 : index
    %get3A_161 = arith.constant 0 : index
    %get3A_162 = vector.load %arg17[%get3A_160, %get3A_161] : memref<1x128xf32, #tpu.memory_space<vmem>>, vector<1x128xf32>
    %add3A_163 = vector.broadcast %get3A_162 : vector<1x128xf32> to vector<4096x128xf32>
    %add3A_164 = arith.addf %dot_general3A_159, %add3A_163 : vector<4096x128xf32>
    %slice3A_165 = vector.extract_strided_slice %dot_general3A_146 {offsets = [0, 64], sizes = [4096, 3], strides = [1, 1]} : vector<4096x67xf32> to vector<4096x3xf32>
    %slice3A_166 = vector.extract_strided_slice %dot_general3A_151 {offsets = [0, 64], sizes = [4096, 3], strides = [1, 1]} : vector<4096x67xf32> to vector<4096x3xf32>
    %sub3A_167 = arith.subf %slice3A_165, %slice3A_166 : vector<4096x3xf32>
    %mul3A_168 = arith.mulf %sub3A_167, %sub3A_167 : vector<4096x3xf32>
    %slice3A_169 = vector.extract_strided_slice %mul3A_168 {offsets = [0, 0], sizes = [4096, 1], strides = [1, 1]} : vector<4096x3xf32> to vector<4096x1xf32>
    %slice3A_170 = vector.extract_strided_slice %mul3A_168 {offsets = [0, 1], sizes = [4096, 1], strides = [1, 1]} : vector<4096x3xf32> to vector<4096x1xf32>
    %add3A_171 = arith.addf %slice3A_169, %slice3A_170 : vector<4096x1xf32>
    %slice3A_172 = vector.extract_strided_slice %mul3A_168 {offsets = [0, 2], sizes = [4096, 1], strides = [1, 1]} : vector<4096x3xf32> to vector<4096x1xf32>
    %add3A_173 = arith.addf %add3A_171, %slice3A_172 : vector<4096x1xf32>
    %sqrt3A_174 = math.sqrt %add3A_173 : vector<4096x1xf32>
    %iota3A_175 = tpu.iota {dimensions = array<i32: 1>} : vector<1x64xi32>
    %convert_element_type3A_176 = arith.sitofp %iota3A_175 : vector<1x64xi32> to vector<1x64xf32>
    %mul3A_177 = arith.constant 0.317460328 : f32
    %mul3A_178 = vector.broadcast %mul3A_177 : f32 to vector<1x64xf32>
    %mul3A_179 = arith.mulf %convert_element_type3A_176, %mul3A_178 : vector<1x64xf32>
    %sub3A_180 = vector.broadcast %sqrt3A_174 : vector<4096x1xf32> to vector<4096x64xf32>
    %sub3A_181 = vector.broadcast %mul3A_179 : vector<1x64xf32> to vector<4096x64xf32>
    %sub3A_182 = arith.subf %sub3A_180, %sub3A_181 : vector<4096x64xf32>
    %div3A_183 = arith.constant 3.125000e-01 : f32
    %div3A_184 = vector.broadcast %div3A_183 : f32 to vector<4096x64xf32>
    %div3A_185 = arith.divf %sub3A_182, %div3A_184 : vector<4096x64xf32>
    %integer_pow3A = arith.mulf %div3A_185, %div3A_185 : vector<4096x64xf32>
    %neg3A = arith.constant 0.000000e+00 : f32
    %neg3A_186 = vector.broadcast %neg3A : f32 to vector<4096x64xf32>
    %neg3A_187 = arith.subf %neg3A_186, %integer_pow3A : vector<4096x64xf32>
    %exp3A = math.exp %neg3A_187 : vector<4096x64xf32>
    %get3A_188 = arith.constant 0 : index
    %get3A_189 = arith.constant 0 : index
    %get3A_190 = vector.load %arg18[%get3A_188, %get3A_189] : memref<64x128xf32, #tpu.memory_space<vmem>>, vector<64x128xf32>
    %dot_general3A_191 = arith.constant dense<0.000000e+00> : vector<4096x128xf32>
    %dot_general3A_192 = tpu.matmul %exp3A, %get3A_190, %dot_general3A_191 {dimension_numbers = #tpu.dot_dimension_numbers<[1], [0], [0], [1], [0, 0, 1, 1], [], []>, transpose_lhs_hint = false} : vector<4096x64xf32>, vector<64x128xf32>, vector<4096x128xf32> -> vector<4096x128xf32>
    %get3A_193 = arith.constant 0 : index
    %get3A_194 = arith.constant 0 : index
    %get3A_195 = vector.load %arg19[%get3A_193, %get3A_194] : memref<1x128xf32, #tpu.memory_space<vmem>>, vector<1x128xf32>
    %add3A_196 = vector.broadcast %get3A_195 : vector<1x128xf32> to vector<4096x128xf32>
    %add3A_197 = arith.addf %dot_general3A_192, %add3A_196 : vector<4096x128xf32>
    %logistic3A_198 = arith.negf %add3A_164 : vector<4096x128xf32>
    %logistic3A_199 = math.exp %logistic3A_198 : vector<4096x128xf32>
    %logistic3A_200 = arith.constant 1.000000e+00 : f32
    %logistic3A_201 = vector.broadcast %logistic3A_200 : f32 to vector<4096x128xf32>
    %logistic3A_202 = arith.addf %logistic3A_201, %logistic3A_199 : vector<4096x128xf32>
    %logistic3A_203 = arith.divf %logistic3A_201, %logistic3A_202 : vector<4096x128xf32>
    %mul3A_204 = arith.mulf %logistic3A_203, %add3A_197 : vector<4096x128xf32>
    %get3A_205 = arith.constant 0 : index
    %get3A_206 = arith.constant 0 : index
    %get3A_207 = vector.load %arg20[%get3A_205, %get3A_206] : memref<128x4xf32, #tpu.memory_space<vmem>>, vector<128x4xf32>
    %dot_general3A_208 = arith.constant dense<0.000000e+00> : vector<4096x4xf32>
    %dot_general3A_209 = tpu.matmul %mul3A_204, %get3A_207, %dot_general3A_208 {dimension_numbers = #tpu.dot_dimension_numbers<[1], [0], [0], [1], [0, 0, 1, 1], [], []>, transpose_lhs_hint = false} : vector<4096x128xf32>, vector<128x4xf32>, vector<4096x4xf32> -> vector<4096x4xf32>
    %reshape3A_210 = vector.shape_cast %dot_general3A_209 : vector<4096x4xf32> to vector<256x16x4xf32>
    %transpose3A = tpu.transpose %reshape3A_210, [0, 2, 1] : vector<256x16x4xf32> -> vector<256x4x16xf32>
    %reshape3A_211 = vector.shape_cast %transpose3A : vector<256x4x16xf32> to vector<256x64xf32>
    %get3A_212 = arith.constant 0 : index
    %get3A_213 = arith.constant 0 : index
    %get3A_214 = vector.load %arg5[%get3A_212, %get3A_213] : memref<256x256xf32, #tpu.memory_space<vmem>>, vector<256x256xf32>
    %slice3A_215 = vector.extract_strided_slice %add3A_34 {offsets = [0, 0], sizes = [256, 32], strides = [1, 1]} : vector<256x128xf32> to vector<256x32xf32>
    %slice3A_216 = vector.extract_strided_slice %slice3A {offsets = [0, 0], sizes = [256, 32], strides = [1, 1]} : vector<256x128xf32> to vector<256x32xf32>
    %slice3A_217 = vector.extract_strided_slice %slice3A_45 {offsets = [0, 0], sizes = [256, 32], strides = [1, 1]} : vector<256x128xf32> to vector<256x32xf32>
    %dot_general3A_218 = arith.constant dense<0.000000e+00> : vector<256x256xf32>
    %dot_general3A_219 = tpu.matmul %slice3A_215, %slice3A_216, %dot_general3A_218 {dimension_numbers = #tpu.dot_dimension_numbers<[1], [1], [0], [0], [0, 0, 1, 0], [], []>, transpose_lhs_hint = false} : vector<256x32xf32>, vector<256x32xf32>, vector<256x256xf32> -> vector<256x256xf32>
    %slice3A_220 = vector.extract_strided_slice %reshape3A_211 {offsets = [0, 0], sizes = [256, 16], strides = [1, 1]} : vector<256x64xf32> to vector<256x16xf32>
    %tile3A_221 = tpu.concatenate %slice3A_220, %slice3A_220, %slice3A_220, %slice3A_220, %slice3A_220, %slice3A_220, %slice3A_220, %slice3A_220, %slice3A_220, %slice3A_220, %slice3A_220, %slice3A_220, %slice3A_220, %slice3A_220, %slice3A_220, %slice3A_220 in 1 : vector<256x16xf32>, vector<256x16xf32>, vector<256x16xf32>, vector<256x16xf32>, vector<256x16xf32>, vector<256x16xf32>, vector<256x16xf32>, vector<256x16xf32>, vector<256x16xf32>, vector<256x16xf32>, vector<256x16xf32>, vector<256x16xf32>, vector<256x16xf32>, vector<256x16xf32>, vector<256x16xf32>, vector<256x16xf32> -> vector<256x256xf32>
    %add3A_222 = arith.addf %dot_general3A_219, %tile3A_221 : vector<256x256xf32>
    %add3A_223 = arith.addf %add3A_222, %get3A_214 : vector<256x256xf32>
    %jit3A_224 = arith.constant 0xFF800000 : f32
    %broadcast_in_dim3A_225 = vector.broadcast %jit3A_224 : f32 to vector<256x256xf32>
    %select_n3A_226 = arith.select %lt3A_130, %add3A_223, %broadcast_in_dim3A_225 : vector<256x256xi1>, vector<256x256xf32>
    %reduce_max3A = arith.constant dense<0xFF800000> : vector<256xf32>
    %reduce_max3A_227 = vector.multi_reduction <maximumf>, %select_n3A_226, %reduce_max3A [1] : vector<256x256xf32> to vector<256xf32>
    %broadcast_in_dim3A_228 = vector.shape_cast %reduce_max3A_227 : vector<256xf32> to vector<256x1xf32>
    %sub3A_229 = vector.broadcast %broadcast_in_dim3A_228 : vector<256x1xf32> to vector<256x256xf32>
    %sub3A_230 = arith.subf %select_n3A_226, %sub3A_229 : vector<256x256xf32>
    %exp3A_231 = math.exp %sub3A_230 : vector<256x256xf32>
    %reduce_sum3A_232 = arith.constant dense<0.000000e+00> : vector<256xf32>
    %reduce_sum3A_233 = vector.multi_reduction <add>, %exp3A_231, %reduce_sum3A_232 [1] : vector<256x256xf32> to vector<256xf32>
    %broadcast_in_dim3A_234 = vector.shape_cast %reduce_sum3A_233 : vector<256xf32> to vector<256x1xf32>
    %add3A_235 = arith.constant 1.000000e-16 : f32
    %add3A_236 = vector.broadcast %add3A_235 : f32 to vector<256x1xf32>
    %add3A_237 = arith.addf %broadcast_in_dim3A_234, %add3A_236 : vector<256x1xf32>
    %div3A_238 = vector.broadcast %add3A_237 : vector<256x1xf32> to vector<256x256xf32>
    %div3A_239 = arith.divf %exp3A_231, %div3A_238 : vector<256x256xf32>
    %dot_general3A_240 = arith.constant dense<0.000000e+00> : vector<256x32xf32>
    %dot_general3A_241 = tpu.matmul %div3A_239, %slice3A_217, %dot_general3A_240 {dimension_numbers = #tpu.dot_dimension_numbers<[1], [0], [0], [1], [0, 0, 1, 1], [], []>, transpose_lhs_hint = false} : vector<256x256xf32>, vector<256x32xf32>, vector<256x32xf32> -> vector<256x32xf32>
    %slice3A_242 = vector.extract_strided_slice %add3A_34 {offsets = [0, 32], sizes = [256, 32], strides = [1, 1]} : vector<256x128xf32> to vector<256x32xf32>
    %slice3A_243 = vector.extract_strided_slice %slice3A {offsets = [0, 32], sizes = [256, 32], strides = [1, 1]} : vector<256x128xf32> to vector<256x32xf32>
    %slice3A_244 = vector.extract_strided_slice %slice3A_45 {offsets = [0, 32], sizes = [256, 32], strides = [1, 1]} : vector<256x128xf32> to vector<256x32xf32>
    %dot_general3A_245 = arith.constant dense<0.000000e+00> : vector<256x256xf32>
    %dot_general3A_246 = tpu.matmul %slice3A_242, %slice3A_243, %dot_general3A_245 {dimension_numbers = #tpu.dot_dimension_numbers<[1], [1], [0], [0], [0, 0, 1, 0], [], []>, transpose_lhs_hint = false} : vector<256x32xf32>, vector<256x32xf32>, vector<256x256xf32> -> vector<256x256xf32>
    %slice3A_247 = vector.extract_strided_slice %reshape3A_211 {offsets = [0, 16], sizes = [256, 16], strides = [1, 1]} : vector<256x64xf32> to vector<256x16xf32>
    %tile3A_248 = tpu.concatenate %slice3A_247, %slice3A_247, %slice3A_247, %slice3A_247, %slice3A_247, %slice3A_247, %slice3A_247, %slice3A_247, %slice3A_247, %slice3A_247, %slice3A_247, %slice3A_247, %slice3A_247, %slice3A_247, %slice3A_247, %slice3A_247 in 1 : vector<256x16xf32>, vector<256x16xf32>, vector<256x16xf32>, vector<256x16xf32>, vector<256x16xf32>, vector<256x16xf32>, vector<256x16xf32>, vector<256x16xf32>, vector<256x16xf32>, vector<256x16xf32>, vector<256x16xf32>, vector<256x16xf32>, vector<256x16xf32>, vector<256x16xf32>, vector<256x16xf32>, vector<256x16xf32> -> vector<256x256xf32>
    %add3A_249 = arith.addf %dot_general3A_246, %tile3A_248 : vector<256x256xf32>
    %add3A_250 = arith.addf %add3A_249, %get3A_214 : vector<256x256xf32>
    %jit3A_251 = arith.constant 0xFF800000 : f32
    %broadcast_in_dim3A_252 = vector.broadcast %jit3A_251 : f32 to vector<256x256xf32>
    %select_n3A_253 = arith.select %lt3A_130, %add3A_250, %broadcast_in_dim3A_252 : vector<256x256xi1>, vector<256x256xf32>
    %reduce_max3A_254 = arith.constant dense<0xFF800000> : vector<256xf32>
    %reduce_max3A_255 = vector.multi_reduction <maximumf>, %select_n3A_253, %reduce_max3A_254 [1] : vector<256x256xf32> to vector<256xf32>
    %broadcast_in_dim3A_256 = vector.shape_cast %reduce_max3A_255 : vector<256xf32> to vector<256x1xf32>
    %sub3A_257 = vector.broadcast %broadcast_in_dim3A_256 : vector<256x1xf32> to vector<256x256xf32>
    %sub3A_258 = arith.subf %select_n3A_253, %sub3A_257 : vector<256x256xf32>
    %exp3A_259 = math.exp %sub3A_258 : vector<256x256xf32>
    %reduce_sum3A_260 = arith.constant dense<0.000000e+00> : vector<256xf32>
    %reduce_sum3A_261 = vector.multi_reduction <add>, %exp3A_259, %reduce_sum3A_260 [1] : vector<256x256xf32> to vector<256xf32>
    %broadcast_in_dim3A_262 = vector.shape_cast %reduce_sum3A_261 : vector<256xf32> to vector<256x1xf32>
    %add3A_263 = arith.constant 1.000000e-16 : f32
    %add3A_264 = vector.broadcast %add3A_263 : f32 to vector<256x1xf32>
    %add3A_265 = arith.addf %broadcast_in_dim3A_262, %add3A_264 : vector<256x1xf32>
    %div3A_266 = vector.broadcast %add3A_265 : vector<256x1xf32> to vector<256x256xf32>
    %div3A_267 = arith.divf %exp3A_259, %div3A_266 : vector<256x256xf32>
    %dot_general3A_268 = arith.constant dense<0.000000e+00> : vector<256x32xf32>
    %dot_general3A_269 = tpu.matmul %div3A_267, %slice3A_244, %dot_general3A_268 {dimension_numbers = #tpu.dot_dimension_numbers<[1], [0], [0], [1], [0, 0, 1, 1], [], []>, transpose_lhs_hint = false} : vector<256x256xf32>, vector<256x32xf32>, vector<256x32xf32> -> vector<256x32xf32>
    %slice3A_270 = vector.extract_strided_slice %add3A_34 {offsets = [0, 64], sizes = [256, 32], strides = [1, 1]} : vector<256x128xf32> to vector<256x32xf32>
    %slice3A_271 = vector.extract_strided_slice %slice3A {offsets = [0, 64], sizes = [256, 32], strides = [1, 1]} : vector<256x128xf32> to vector<256x32xf32>
    %slice3A_272 = vector.extract_strided_slice %slice3A_45 {offsets = [0, 64], sizes = [256, 32], strides = [1, 1]} : vector<256x128xf32> to vector<256x32xf32>
    %dot_general3A_273 = arith.constant dense<0.000000e+00> : vector<256x256xf32>
    %dot_general3A_274 = tpu.matmul %slice3A_270, %slice3A_271, %dot_general3A_273 {dimension_numbers = #tpu.dot_dimension_numbers<[1], [1], [0], [0], [0, 0, 1, 0], [], []>, transpose_lhs_hint = false} : vector<256x32xf32>, vector<256x32xf32>, vector<256x256xf32> -> vector<256x256xf32>
    %slice3A_275 = vector.extract_strided_slice %reshape3A_211 {offsets = [0, 32], sizes = [256, 16], strides = [1, 1]} : vector<256x64xf32> to vector<256x16xf32>
    %tile3A_276 = tpu.concatenate %slice3A_275, %slice3A_275, %slice3A_275, %slice3A_275, %slice3A_275, %slice3A_275, %slice3A_275, %slice3A_275, %slice3A_275, %slice3A_275, %slice3A_275, %slice3A_275, %slice3A_275, %slice3A_275, %slice3A_275, %slice3A_275 in 1 : vector<256x16xf32>, vector<256x16xf32>, vector<256x16xf32>, vector<256x16xf32>, vector<256x16xf32>, vector<256x16xf32>, vector<256x16xf32>, vector<256x16xf32>, vector<256x16xf32>, vector<256x16xf32>, vector<256x16xf32>, vector<256x16xf32>, vector<256x16xf32>, vector<256x16xf32>, vector<256x16xf32>, vector<256x16xf32> -> vector<256x256xf32>
    %add3A_277 = arith.addf %dot_general3A_274, %tile3A_276 : vector<256x256xf32>
    %add3A_278 = arith.addf %add3A_277, %get3A_214 : vector<256x256xf32>
    %jit3A_279 = arith.constant 0xFF800000 : f32
    %broadcast_in_dim3A_280 = vector.broadcast %jit3A_279 : f32 to vector<256x256xf32>
    %select_n3A_281 = arith.select %lt3A_130, %add3A_278, %broadcast_in_dim3A_280 : vector<256x256xi1>, vector<256x256xf32>
    %reduce_max3A_282 = arith.constant dense<0xFF800000> : vector<256xf32>
    %reduce_max3A_283 = vector.multi_reduction <maximumf>, %select_n3A_281, %reduce_max3A_282 [1] : vector<256x256xf32> to vector<256xf32>
    %broadcast_in_dim3A_284 = vector.shape_cast %reduce_max3A_283 : vector<256xf32> to vector<256x1xf32>
    %sub3A_285 = vector.broadcast %broadcast_in_dim3A_284 : vector<256x1xf32> to vector<256x256xf32>
    %sub3A_286 = arith.subf %select_n3A_281, %sub3A_285 : vector<256x256xf32>
    %exp3A_287 = math.exp %sub3A_286 : vector<256x256xf32>
    %reduce_sum3A_288 = arith.constant dense<0.000000e+00> : vector<256xf32>
    %reduce_sum3A_289 = vector.multi_reduction <add>, %exp3A_287, %reduce_sum3A_288 [1] : vector<256x256xf32> to vector<256xf32>
    %broadcast_in_dim3A_290 = vector.shape_cast %reduce_sum3A_289 : vector<256xf32> to vector<256x1xf32>
    %add3A_291 = arith.constant 1.000000e-16 : f32
    %add3A_292 = vector.broadcast %add3A_291 : f32 to vector<256x1xf32>
    %add3A_293 = arith.addf %broadcast_in_dim3A_290, %add3A_292 : vector<256x1xf32>
    %div3A_294 = vector.broadcast %add3A_293 : vector<256x1xf32> to vector<256x256xf32>
    %div3A_295 = arith.divf %exp3A_287, %div3A_294 : vector<256x256xf32>
    %dot_general3A_296 = arith.constant dense<0.000000e+00> : vector<256x32xf32>
    %dot_general3A_297 = tpu.matmul %div3A_295, %slice3A_272, %dot_general3A_296 {dimension_numbers = #tpu.dot_dimension_numbers<[1], [0], [0], [1], [0, 0, 1, 1], [], []>, transpose_lhs_hint = false} : vector<256x256xf32>, vector<256x32xf32>, vector<256x32xf32> -> vector<256x32xf32>
    %slice3A_298 = vector.extract_strided_slice %add3A_34 {offsets = [0, 96], sizes = [256, 32], strides = [1, 1]} : vector<256x128xf32> to vector<256x32xf32>
    %slice3A_299 = vector.extract_strided_slice %slice3A {offsets = [0, 96], sizes = [256, 32], strides = [1, 1]} : vector<256x128xf32> to vector<256x32xf32>
    %slice3A_300 = vector.extract_strided_slice %slice3A_45 {offsets = [0, 96], sizes = [256, 32], strides = [1, 1]} : vector<256x128xf32> to vector<256x32xf32>
    %dot_general3A_301 = arith.constant dense<0.000000e+00> : vector<256x256xf32>
    %dot_general3A_302 = tpu.matmul %slice3A_298, %slice3A_299, %dot_general3A_301 {dimension_numbers = #tpu.dot_dimension_numbers<[1], [1], [0], [0], [0, 0, 1, 0], [], []>, transpose_lhs_hint = false} : vector<256x32xf32>, vector<256x32xf32>, vector<256x256xf32> -> vector<256x256xf32>
    %slice3A_303 = vector.extract_strided_slice %reshape3A_211 {offsets = [0, 48], sizes = [256, 16], strides = [1, 1]} : vector<256x64xf32> to vector<256x16xf32>
    %tile3A_304 = tpu.concatenate %slice3A_303, %slice3A_303, %slice3A_303, %slice3A_303, %slice3A_303, %slice3A_303, %slice3A_303, %slice3A_303, %slice3A_303, %slice3A_303, %slice3A_303, %slice3A_303, %slice3A_303, %slice3A_303, %slice3A_303, %slice3A_303 in 1 : vector<256x16xf32>, vector<256x16xf32>, vector<256x16xf32>, vector<256x16xf32>, vector<256x16xf32>, vector<256x16xf32>, vector<256x16xf32>, vector<256x16xf32>, vector<256x16xf32>, vector<256x16xf32>, vector<256x16xf32>, vector<256x16xf32>, vector<256x16xf32>, vector<256x16xf32>, vector<256x16xf32>, vector<256x16xf32> -> vector<256x256xf32>
    %add3A_305 = arith.addf %dot_general3A_302, %tile3A_304 : vector<256x256xf32>
    %add3A_306 = arith.addf %add3A_305, %get3A_214 : vector<256x256xf32>
    %jit3A_307 = arith.constant 0xFF800000 : f32
    %broadcast_in_dim3A_308 = vector.broadcast %jit3A_307 : f32 to vector<256x256xf32>
    %select_n3A_309 = arith.select %lt3A_130, %add3A_306, %broadcast_in_dim3A_308 : vector<256x256xi1>, vector<256x256xf32>
    %reduce_max3A_310 = arith.constant dense<0xFF800000> : vector<256xf32>
    %reduce_max3A_311 = vector.multi_reduction <maximumf>, %select_n3A_309, %reduce_max3A_310 [1] : vector<256x256xf32> to vector<256xf32>
    %broadcast_in_dim3A_312 = vector.shape_cast %reduce_max3A_311 : vector<256xf32> to vector<256x1xf32>
    %sub3A_313 = vector.broadcast %broadcast_in_dim3A_312 : vector<256x1xf32> to vector<256x256xf32>
    %sub3A_314 = arith.subf %select_n3A_309, %sub3A_313 : vector<256x256xf32>
    %exp3A_315 = math.exp %sub3A_314 : vector<256x256xf32>
    %reduce_sum3A_316 = arith.constant dense<0.000000e+00> : vector<256xf32>
    %reduce_sum3A_317 = vector.multi_reduction <add>, %exp3A_315, %reduce_sum3A_316 [1] : vector<256x256xf32> to vector<256xf32>
    %broadcast_in_dim3A_318 = vector.shape_cast %reduce_sum3A_317 : vector<256xf32> to vector<256x1xf32>
    %add3A_319 = arith.constant 1.000000e-16 : f32
    %add3A_320 = vector.broadcast %add3A_319 : f32 to vector<256x1xf32>
    %add3A_321 = arith.addf %broadcast_in_dim3A_318, %add3A_320 : vector<256x1xf32>
    %div3A_322 = vector.broadcast %add3A_321 : vector<256x1xf32> to vector<256x256xf32>
    %div3A_323 = arith.divf %exp3A_315, %div3A_322 : vector<256x256xf32>
    %dot_general3A_324 = arith.constant dense<0.000000e+00> : vector<256x32xf32>
    %dot_general3A_325 = tpu.matmul %div3A_323, %slice3A_300, %dot_general3A_324 {dimension_numbers = #tpu.dot_dimension_numbers<[1], [0], [0], [1], [0, 0, 1, 1], [], []>, transpose_lhs_hint = false} : vector<256x256xf32>, vector<256x32xf32>, vector<256x32xf32> -> vector<256x32xf32>
    %concatenate3A = tpu.concatenate %dot_general3A_241, %dot_general3A_269, %dot_general3A_297, %dot_general3A_325 in 1 : vector<256x32xf32>, vector<256x32xf32>, vector<256x32xf32>, vector<256x32xf32> -> vector<256x128xf32>
    %mul3A_326 = arith.mulf %concatenate3A, %logistic3A_60 : vector<256x128xf32>
    %get3A_327 = arith.constant 0 : index
    %get3A_328 = arith.constant 0 : index
    %get3A_329 = vector.load %arg21[%get3A_327, %get3A_328] : memref<128x128xf32, #tpu.memory_space<vmem>>, vector<128x128xf32>
    %dot_general3A_330 = arith.constant dense<0.000000e+00> : vector<256x128xf32>
    %dot_general3A_331 = tpu.matmul %mul3A_326, %get3A_329, %dot_general3A_330 {dimension_numbers = #tpu.dot_dimension_numbers<[1], [0], [0], [1], [0, 0, 1, 1], [], []>, transpose_lhs_hint = false} : vector<256x128xf32>, vector<128x128xf32>, vector<256x128xf32> -> vector<256x128xf32>
    %get3A_332 = arith.constant 0 : index
    %get3A_333 = arith.constant 0 : index
    %get3A_334 = vector.load %arg22[%get3A_332, %get3A_333] : memref<1x128xf32, #tpu.memory_space<vmem>>, vector<1x128xf32>
    %add3A_335 = vector.broadcast %get3A_334 : vector<1x128xf32> to vector<256x128xf32>
    %add3A_336 = arith.addf %dot_general3A_331, %add3A_335 : vector<256x128xf32>
    %swap3A = arith.constant 0 : index
    %swap3A_337 = arith.constant 0 : index
    %swap3A_338 = vector.load %arg23[%swap3A, %swap3A_337] : memref<256x128xf32, #tpu.memory_space<vmem>>, vector<256x128xf32>
    tpu.vector_store %arg23[%swap3A, %swap3A_337], %add3A_336 {strides = array<i32>} : memref<256x128xf32, #tpu.memory_space<vmem>>, vector<256x128xf32>,
    return
  }
  func.func @transform_0(%arg0: i32) -> (i32, i32) {
    %c0_i32 = arith.constant 0 : i32
    %c0_i32_0 = arith.constant 0 : i32
    return %arg0, %c0_i32 : i32, i32
  }
  func.func @transform_1(%arg0: i32) -> (i32, i32) {
    %add3A = arith.constant 320 : i32
    %add3A_0 = arith.addi %arg0, %add3A : i32
    %c0_i32 = arith.constant 0 : i32
    %c0_i32_1 = arith.constant 0 : i32
    return %add3A_0, %c0_i32 : i32, i32
  }
  func.func @transform_2(%arg0: i32) -> (i32, i32) {
    %c0_i32 = arith.constant 0 : i32
    %c0_i32_0 = arith.constant 0 : i32
    %c0_i32_1 = arith.constant 0 : i32
    return %c0_i32, %c0_i32_0 : i32, i32
  }
  func.func @transform_3(%arg0: i32) -> (i32, i32) {
    %c0_i32 = arith.constant 0 : i32
    %c0_i32_0 = arith.constant 0 : i32
    %c0_i32_1 = arith.constant 0 : i32
    return %c0_i32, %c0_i32_0 : i32, i32
  }
  func.func @transform_4(%arg0: i32) -> (i32, i32) {
    %c0_i32 = arith.constant 0 : i32
    %c0_i32_0 = arith.constant 0 : i32
    %c0_i32_1 = arith.constant 0 : i32
    return %c0_i32, %c0_i32_0 : i32, i32
  }
  func.func @transform_5(%arg0: i32) -> (i32, i32) {
    %c0_i32 = arith.constant 0 : i32
    %c0_i32_0 = arith.constant 0 : i32
    %c0_i32_1 = arith.constant 0 : i32
    return %c0_i32, %c0_i32_0 : i32, i32
  }
  func.func @transform_6(%arg0: i32) -> (i32, i32) {
    %c0_i32 = arith.constant 0 : i32
    %c0_i32_0 = arith.constant 0 : i32
    %c0_i32_1 = arith.constant 0 : i32
    return %c0_i32, %c0_i32_0 : i32, i32
  }
  func.func @transform_7(%arg0: i32) -> (i32, i32) {
    %c0_i32 = arith.constant 0 : i32
    %c0_i32_0 = arith.constant 0 : i32
    %c0_i32_1 = arith.constant 0 : i32
    return %c0_i32, %c0_i32_0 : i32, i32
  }
  func.func @transform_8(%arg0: i32) -> (i32, i32) {
    %c0_i32 = arith.constant 0 : i32
    %c0_i32_0 = arith.constant 0 : i32
    %c0_i32_1 = arith.constant 0 : i32
    return %c0_i32, %c0_i32_0 : i32, i32
  }
  func.func @transform_9(%arg0: i32) -> (i32, i32) {
    %c0_i32 = arith.constant 0 : i32
    %c0_i32_0 = arith.constant 0 : i32
    %c0_i32_1 = arith.constant 0 : i32
    return %c0_i32, %c0_i32_0 : i32, i32
  }
  func.func @transform_10(%arg0: i32) -> (i32, i32) {
    %c0_i32 = arith.constant 0 : i32
    %c0_i32_0 = arith.constant 0 : i32
    %c0_i32_1 = arith.constant 0 : i32
    return %c0_i32, %c0_i32_0 : i32, i32
  }
  func.func @transform_11(%arg0: i32) -> (i32, i32) {
    %c0_i32 = arith.constant 0 : i32
    %c0_i32_0 = arith.constant 0 : i32
    %c0_i32_1 = arith.constant 0 : i32
    return %c0_i32, %c0_i32_0 : i32, i32
  }
  func.func @transform_12(%arg0: i32) -> (i32, i32) {
    %c0_i32 = arith.constant 0 : i32
    %c0_i32_0 = arith.constant 0 : i32
    %c0_i32_1 = arith.constant 0 : i32
    return %c0_i32, %c0_i32_0 : i32, i32
  }
  func.func @transform_13(%arg0: i32) -> (i32, i32) {
    %c0_i32 = arith.constant 0 : i32
    %c0_i32_0 = arith.constant 0 : i32
    %c0_i32_1 = arith.constant 0 : i32
    return %c0_i32, %c0_i32_0 : i32, i32
  }
  func.func @transform_14(%arg0: i32) -> (i32, i32) {
    %c0_i32 = arith.constant 0 : i32
    %c0_i32_0 = arith.constant 0 : i32
    %c0_i32_1 = arith.constant 0 : i32
    return %c0_i32, %c0_i32_0 : i32, i32
  }
  func.func @transform_15(%arg0: i32) -> (i32, i32) {
    %c0_i32 = arith.constant 0 : i32
    %c0_i32_0 = arith.constant 0 : i32
    %c0_i32_1 = arith.constant 0 : i32
    return %c0_i32, %c0_i32_0 : i32, i32
  }
  func.func @transform_16(%arg0: i32) -> (i32, i32) {
    %c0_i32 = arith.constant 0 : i32
    %c0_i32_0 = arith.constant 0 : i32
    %c0_i32_1 = arith.constant 0 : i32
    return %c0_i32, %c0_i32_0 : i32, i32
  }
  func.func @transform_17(%arg0: i32) -> (i32, i32) {
    %c0_i32 = arith.constant 0 : i32
    %c0_i32_0 = arith.constant 0 : i32
    %c0_i32_1 = arith.constant 0 : i32
    return %c0_i32, %c0_i32_0 : i32, i32
  }
  func.func @transform_18(%arg0: i32) -> (i32, i32) {
    %c0_i32 = arith.constant 0 : i32
    %c0_i32_0 = arith.constant 0 : i32
    %c0_i32_1 = arith.constant 0 : i32
    return %c0_i32, %c0_i32_0 : i32, i32
  }
  func.func @transform_19(%arg0: i32) -> (i32, i32) {
    %c0_i32 = arith.constant 0 : i32
    %c0_i32_0 = arith.constant 0 : i32
    %c0_i32_1 = arith.constant 0 : i32
    return %c0_i32, %c0_i32_0 : i32, i32
  }
  func.func @transform_20(%arg0: i32) -> (i32, i32) {
    %c0_i32 = arith.constant 0 : i32
    %c0_i32_0 = arith.constant 0 : i32
    %c0_i32_1 = arith.constant 0 : i32
    return %c0_i32, %c0_i32_0 : i32, i32
  }
  func.func @transform_21(%arg0: i32) -> (i32, i32) {
    %c0_i32 = arith.constant 0 : i32
    %c0_i32_0 = arith.constant 0 : i32
    %c0_i32_1 = arith.constant 0 : i32
    return %c0_i32, %c0_i32_0 : i32, i32
  }
  func.func @transform_22(%arg0: i32) -> (i32, i32) {
    %c0_i32 = arith.constant 0 : i32
    %c0_i32_0 = arith.constant 0 : i32
    return %arg0, %c0_i32 : i32, i32
  }
}

module attributes {stable_mosaic.version = 14 : i64} {
  func.func @_main_body(%arg0: i32, %arg1: memref<256x128xf32, #tpu.memory_space<vmem>>, %arg2: memref<256x128xf32, #tpu.memory_space<vmem>>, %arg3: memref<4096x256xf32, #tpu.memory_space<vmem>>, %arg4: memref<4096x256xf32, #tpu.memory_space<vmem>>, %arg5: memref<256x256xf32, #tpu.memory_space<vmem>>, %arg6: memref<24x67xf32, #tpu.memory_space<vmem>>, %arg7: memref<24x67xf32, #tpu.memory_space<vmem>>, %arg8: memref<1x128xf32, #tpu.memory_space<vmem>>, %arg9: memref<1x128xf32, #tpu.memory_space<vmem>>, %arg10: memref<128x128xf32, #tpu.memory_space<vmem>>, %arg11: memref<1x128xf32, #tpu.memory_space<vmem>>, %arg12: memref<128x256xf32, #tpu.memory_space<vmem>>, %arg13: memref<1x256xf32, #tpu.memory_space<vmem>>, %arg14: memref<128x128xf32, #tpu.memory_space<vmem>>, %arg15: memref<1x128xf32, #tpu.memory_space<vmem>>, %arg16: memref<64x128xf32, #tpu.memory_space<vmem>>, %arg17: memref<1x128xf32, #tpu.memory_space<vmem>>, %arg18: memref<64x128xf32, #tpu.memory_space<vmem>>, %arg19: memref<1x128xf32, #tpu.memory_space<vmem>>, %arg20: memref<128x4xf32, #tpu.memory_space<vmem>>, %arg21: memref<128x128xf32, #tpu.memory_space<vmem>>, %arg22: memref<1x128xf32, #tpu.memory_space<vmem>>, %arg23: memref<256x128xf32, #tpu.memory_space<vmem>>) attributes {dimension_semantics = [#tpu.dimension_semantics<arbitrary>], iteration_bounds = array<i64: 160>, scalar_prefetch = 0 : i64, scratch_operands = 0 : i64, tpu.core_type = #tpu.core_type<tc>, window_params = [{transform_indices = @transform_0, window_bounds = array<i64: 256, 128>}, {transform_indices = @transform_1, window_bounds = array<i64: 256, 128>}, {pipeline_mode = #tpu.pipeline_mode<synchronous>, transform_indices = @transform_2, window_bounds = array<i64: 4096, 256>}, {pipeline_mode = #tpu.pipeline_mode<synchronous>, transform_indices = @transform_3, window_bounds = array<i64: 4096, 256>}, {pipeline_mode = #tpu.pipeline_mode<synchronous>, transform_indices = @transform_4, window_bounds = array<i64: 256, 256>}, {pipeline_mode = #tpu.pipeline_mode<synchronous>, transform_indices = @transform_5, window_bounds = array<i64: 24, 67>}, {pipeline_mode = #tpu.pipeline_mode<synchronous>, transform_indices = @transform_6, window_bounds = array<i64: 24, 67>}, {pipeline_mode = #tpu.pipeline_mode<synchronous>, transform_indices = @transform_7, window_bounds = array<i64: 1, 128>}, {pipeline_mode = #tpu.pipeline_mode<synchronous>, transform_indices = @transform_8, window_bounds = array<i64: 1, 128>}, {pipeline_mode = #tpu.pipeline_mode<synchronous>, transform_indices = @transform_9, window_bounds = array<i64: 128, 128>}, {pipeline_mode = #tpu.pipeline_mode<synchronous>, transform_indices = @transform_10, window_bounds = array<i64: 1, 128>}, {pipeline_mode = #tpu.pipeline_mode<synchronous>, transform_indices = @transform_11, window_bounds = array<i64: 128, 256>}, {pipeline_mode = #tpu.pipeline_mode<synchronous>, transform_indices = @transform_12, window_bounds = array<i64: 1, 256>}, {pipeline_mode = #tpu.pipeline_mode<synchronous>, transform_indices = @transform_13, window_bounds = array<i64: 128, 128>}, {pipeline_mode = #tpu.pipeline_mode<synchronous>, transform_indices = @transform_14, window_bounds = array<i64: 1, 128>}, {pipeline_mode = #tpu.pipeline_mode<synchronous>, transform_indices = @transform_15, window_bounds = array<i64: 64, 128>}, {pipeline_mode = #tpu.pipeline_mode<synchronous>, transform_indices = @transform_16, window_bounds = array<i64: 1, 128>}, {pipeline_mode = #tpu.pipeline_mode<synchronous>, transform_indices = @transform_17, window_bounds = array<i64: 64, 128>}, {pipeline_mode = #tpu.pipeline_mode<synchronous>, transform_indices = @transform_18, window_bounds = array<i64: 1, 128>}, {pipeline_mode = #tpu.pipeline_mode<synchronous>, transform_indices = @transform_19, window_bounds = array<i64: 128, 4>}, {pipeline_mode = #tpu.pipeline_mode<synchronous>, transform_indices = @transform_20, window_bounds = array<i64: 128, 128>}, {pipeline_mode = #tpu.pipeline_mode<synchronous>, transform_indices = @transform_21, window_bounds = array<i64: 1, 128>}, {transform_indices = @transform_22, window_bounds = array<i64: 256, 128>}]} {
    %get3A = arith.constant 0 : index
    %get3A_0 = arith.constant 0 : index
    %get3A_1 = vector.load %arg2[%get3A, %get3A_0] : memref<256x128xf32, #tpu.memory_space<vmem>>, vector<256x128xf32>
    %reduce_sum3A = arith.constant dense<0.000000e+00> : vector<256xf32>
    %reduce_sum3A_2 = vector.multi_reduction <add>, %get3A_1, %reduce_sum3A [1] : vector<256x128xf32> to vector<256xf32>
    %broadcast_in_dim3A = vector.shape_cast %reduce_sum3A_2 : vector<256xf32> to vector<256x1xf32>
    %div3A = arith.constant 1.280000e+02 : f32
    %div3A_3 = vector.broadcast %div3A : f32 to vector<256x1xf32>
    %div3A_4 = arith.divf %broadcast_in_dim3A, %div3A_3 : vector<256x1xf32>
    %sub3A = vector.broadcast %div3A_4 : vector<256x1xf32> to vector<256x128xf32>
    %sub3A_5 = arith.subf %get3A_1, %sub3A : vector<256x128xf32>
    %mul3A = arith.mulf %sub3A_5, %sub3A_5 : vector<256x128xf32>
    %reduce_sum3A_6 = arith.constant dense<0.000000e+00> : vector<256xf32>
    %reduce_sum3A_7 = vector.multi_reduction <add>, %mul3A, %reduce_sum3A_6 [1] : vector<256x128xf32> to vector<256xf32>
    %broadcast_in_dim3A_8 = vector.shape_cast %reduce_sum3A_7 : vector<256xf32> to vector<256x1xf32>
    %div3A_9 = arith.constant 1.280000e+02 : f32
    %div3A_10 = vector.broadcast %div3A_9 : f32 to vector<256x1xf32>
    %div3A_11 = arith.divf %broadcast_in_dim3A_8, %div3A_10 : vector<256x1xf32>
    %add3A = arith.constant 9.99999974E-6 : f32
    %add3A_12 = vector.broadcast %add3A : f32 to vector<256x1xf32>
    %add3A_13 = arith.addf %div3A_11, %add3A_12 : vector<256x1xf32>
    %sqrt3A = math.sqrt %add3A_13 : vector<256x1xf32>
    %div3A_14 = vector.broadcast %sqrt3A : vector<256x1xf32> to vector<256x128xf32>
    %div3A_15 = arith.divf %sub3A_5, %div3A_14 : vector<256x128xf32>
    %get3A_16 = arith.constant 0 : index
    %get3A_17 = arith.constant 0 : index
    %get3A_18 = vector.load %arg8[%get3A_16, %get3A_17] : memref<1x128xf32, #tpu.memory_space<vmem>>, vector<1x128xf32>
    %mul3A_19 = vector.broadcast %get3A_18 : vector<1x128xf32> to vector<256x128xf32>
    %mul3A_20 = arith.mulf %div3A_15, %mul3A_19 : vector<256x128xf32>
    %get3A_21 = arith.constant 0 : index
    %get3A_22 = arith.constant 0 : index
    %get3A_23 = vector.load %arg9[%get3A_21, %get3A_22] : memref<1x128xf32, #tpu.memory_space<vmem>>, vector<1x128xf32>
    %add3A_24 = vector.broadcast %get3A_23 : vector<1x128xf32> to vector<256x128xf32>
    %add3A_25 = arith.addf %mul3A_20, %add3A_24 : vector<256x128xf32>
    %get3A_26 = arith.constant 0 : index
    %get3A_27 = arith.constant 0 : index
    %get3A_28 = vector.load %arg10[%get3A_26, %get3A_27] : memref<128x128xf32, #tpu.memory_space<vmem>>, vector<128x128xf32>
    %dot_general3A = arith.constant dense<0.000000e+00> : vector<256x128xf32>
    %dot_general3A_29 = tpu.matmul %add3A_25, %get3A_28, %dot_general3A {dimension_numbers = #tpu.dot_dimension_numbers<[1], [0], [0], [1], [0, 0, 1, 1], [], []>, transpose_lhs_hint = false} : vector<256x128xf32>, vector<128x128xf32>, vector<256x128xf32> -> vector<256x128xf32>
    %get3A_30 = arith.constant 0 : index
    %get3A_31 = arith.constant 0 : index
    %get3A_32 = vector.load %arg11[%get3A_30, %get3A_31] : memref<1x128xf32, #tpu.memory_space<vmem>>, vector<1x128xf32>
    %add3A_33 = vector.broadcast %get3A_32 : vector<1x128xf32> to vector<256x128xf32>
    %add3A_34 = arith.addf %dot_general3A_29, %add3A_33 : vector<256x128xf32>
    %get3A_35 = arith.constant 0 : index
    %get3A_36 = arith.constant 0 : index
    %get3A_37 = vector.load %arg12[%get3A_35, %get3A_36] : memref<128x256xf32, #tpu.memory_space<vmem>>, vector<128x256xf32>
    %dot_general3A_38 = arith.constant dense<0.000000e+00> : vector<256x256xf32>
    %dot_general3A_39 = tpu.matmul %add3A_25, %get3A_37, %dot_general3A_38 {dimension_numbers = #tpu.dot_dimension_numbers<[1], [0], [0], [1], [0, 0, 1, 1], [], []>, transpose_lhs_hint = false} : vector<256x128xf32>, vector<128x256xf32>, vector<256x256xf32> -> vector<256x256xf32>
    %get3A_40 = arith.constant 0 : index
    %get3A_41 = arith.constant 0 : index
    %get3A_42 = vector.load %arg13[%get3A_40, %get3A_41] : memref<1x256xf32, #tpu.memory_space<vmem>>, vector<1x256xf32>
    %add3A_43 = vector.broadcast %get3A_42 : vector<1x256xf32> to vector<256x256xf32>
    %add3A_44 = arith.addf %dot_general3A_39, %add3A_43 : vector<256x256xf32>
    %slice3A = vector.extract_strided_slice %add3A_44 {offsets = [0, 0], sizes = [256, 128], strides = [1, 1]} : vector<256x256xf32> to vector<256x128xf32>
    %slice3A_45 = vector.extract_strided_slice %add3A_44 {offsets = [0, 128], sizes = [256, 128], strides = [1, 1]} : vector<256x256xf32> to vector<256x128xf32>
    %get3A_46 = arith.constant 0 : index
    %get3A_47 = arith.constant 0 : index
    %get3A_48 = vector.load %arg14[%get3A_46, %get3A_47] : memref<128x128xf32, #tpu.memory_space<vmem>>, vector<128x128xf32>
    %dot_general3A_49 = arith.constant dense<0.000000e+00> : vector<256x128xf32>
    %dot_general3A_50 = tpu.matmul %add3A_25, %get3A_48, %dot_general3A_49 {dimension_numbers = #tpu.dot_dimension_numbers<[1], [0], [0], [1], [0, 0, 1, 1], [], []>, transpose_lhs_hint = false} : vector<256x128xf32>, vector<128x128xf32>, vector<256x128xf32> -> vector<256x128xf32>
    %get3A_51 = arith.constant 0 : index
    %get3A_52 = arith.constant 0 : index
    %get3A_53 = vector.load %arg15[%get3A_51, %get3A_52] : memref<1x128xf32, #tpu.memory_space<vmem>>, vector<1x128xf32>
    %add3A_54 = vector.broadcast %get3A_53 : vector<1x128xf32> to vector<256x128xf32>
    %add3A_55 = arith.addf %dot_general3A_50, %add3A_54 : vector<256x128xf32>
    %logistic3A = arith.negf %add3A_55 : vector<256x128xf32>
    %logistic3A_56 = math.exp %logistic3A : vector<256x128xf32>
    %logistic3A_57 = arith.constant 1.000000e+00 : f32
    %logistic3A_58 = vector.broadcast %logistic3A_57 : f32 to vector<256x128xf32>
    %logistic3A_59 = arith.addf %logistic3A_58, %logistic3A_56 : vector<256x128xf32>
    %logistic3A_60 = arith.divf %logistic3A_58, %logistic3A_59 : vector<256x128xf32>
    %get3A_61 = arith.constant 0 : index
    %get3A_62 = arith.constant 0 : index
    %get3A_63 = vector.load %arg1[%get3A_61, %get3A_62] : memref<256x128xf32, #tpu.memory_space<vmem>>, vector<256x128xf32>
    %slice3A_64 = vector.extract_strided_slice %get3A_63 {offsets = [0, 0], sizes = [256, 1], strides = [1, 1]} : vector<256x128xf32> to vector<256x1xf32>
    %slice3A_65 = vector.extract_strided_slice %get3A_63 {offsets = [0, 1], sizes = [256, 1], strides = [1, 1]} : vector<256x128xf32> to vector<256x1xf32>
    %slice3A_66 = vector.extract_strided_slice %get3A_63 {offsets = [0, 2], sizes = [256, 1], strides = [1, 1]} : vector<256x128xf32> to vector<256x1xf32>
    %reshape3A = vector.shape_cast %slice3A_64 : vector<256x1xf32> to vector<16x16xf32>
    %broadcast_in_dim3A_67 = vector.shape_cast %reshape3A : vector<16x16xf32> to vector<16x1x16xf32>
    %broadcast_in_dim3A_68 = vector.shape_cast %broadcast_in_dim3A_67 : vector<16x1x16xf32> to vector<16x1x16xf32>
    %broadcast_in_dim3A_69 = vector.broadcast %broadcast_in_dim3A_68 : vector<16x1x16xf32> to vector<16x16x16xf32>
    %reshape3A_70 = vector.shape_cast %broadcast_in_dim3A_69 : vector<16x16x16xf32> to vector<256x16xf32>
    %sub3A_71 = vector.broadcast %slice3A_64 : vector<256x1xf32> to vector<256x16xf32>
    %sub3A_72 = arith.subf %sub3A_71, %reshape3A_70 : vector<256x16xf32>
    %reshape3A_73 = vector.shape_cast %slice3A_65 : vector<256x1xf32> to vector<16x16xf32>
    %broadcast_in_dim3A_74 = vector.shape_cast %reshape3A_73 : vector<16x16xf32> to vector<16x1x16xf32>
    %broadcast_in_dim3A_75 = vector.shape_cast %broadcast_in_dim3A_74 : vector<16x1x16xf32> to vector<16x1x16xf32>
    %broadcast_in_dim3A_76 = vector.broadcast %broadcast_in_dim3A_75 : vector<16x1x16xf32> to vector<16x16x16xf32>
    %reshape3A_77 = vector.shape_cast %broadcast_in_dim3A_76 : vector<16x16x16xf32> to vector<256x16xf32>
    %sub3A_78 = vector.broadcast %slice3A_65 : vector<256x1xf32> to vector<256x16xf32>
    %sub3A_79 = arith.subf %sub3A_78, %reshape3A_77 : vector<256x16xf32>
    %reshape3A_80 = vector.shape_cast %slice3A_66 : vector<256x1xf32> to vector<16x16xf32>
    %broadcast_in_dim3A_81 = vector.shape_cast %reshape3A_80 : vector<16x16xf32> to vector<16x1x16xf32>
    %broadcast_in_dim3A_82 = vector.shape_cast %broadcast_in_dim3A_81 : vector<16x1x16xf32> to vector<16x1x16xf32>
    %broadcast_in_dim3A_83 = vector.broadcast %broadcast_in_dim3A_82 : vector<16x1x16xf32> to vector<16x16x16xf32>
    %reshape3A_84 = vector.shape_cast %broadcast_in_dim3A_83 : vector<16x16x16xf32> to vector<256x16xf32>
    %sub3A_85 = vector.broadcast %slice3A_66 : vector<256x1xf32> to vector<256x16xf32>
    %sub3A_86 = arith.subf %sub3A_85, %reshape3A_84 : vector<256x16xf32>
    %mul3A_87 = arith.mulf %sub3A_72, %sub3A_72 : vector<256x16xf32>
    %mul3A_88 = arith.mulf %sub3A_79, %sub3A_79 : vector<256x16xf32>
    %add3A_89 = arith.addf %mul3A_87, %mul3A_88 : vector<256x16xf32>
    %mul3A_90 = arith.mulf %sub3A_86, %sub3A_86 : vector<256x16xf32>
    %add3A_91 = arith.addf %add3A_89, %mul3A_90 : vector<256x16xf32>
    %iota3A = tpu.iota {dimensions = array<i32: 0>} : vector<256x16xi32>
    %jit3A = arith.constant 16 : i32
    %eq3A = arith.constant 0 : i32
    %eq3A_92 = arith.cmpi eq, %jit3A, %eq3A : i32
    %jit3A_93 = arith.constant 1 : i32
    %select_n3A = arith.select %eq3A_92, %jit3A_93, %jit3A : i32
    %rem3A = vector.broadcast %select_n3A : i32 to vector<256x16xi32>
    %rem3A_94 = arith.remsi %iota3A, %rem3A : vector<256x16xi32>
    %ne3A = arith.constant 0 : i32
    %ne3A_95 = vector.broadcast %ne3A : i32 to vector<256x16xi32>
    %ne3A_96 = arith.cmpi ne, %rem3A_94, %ne3A_95 : vector<256x16xi32>
    %lt3A = arith.constant 0 : i32
    %lt3A_97 = vector.broadcast %lt3A : i32 to vector<256x16xi32>
    %lt3A_98 = arith.cmpi slt, %rem3A_94, %lt3A_97 : vector<256x16xi32>
    %lt3A_99 = arith.constant 0 : i32
    %lt3A_100 = arith.cmpi slt, %select_n3A, %lt3A_99 : i32
    %ne3A_101 = vector.broadcast %lt3A_100 : i1 to vector<256x16xi1>
    %ne3A_102 = vector.broadcast %ne3A_101 : vector<256x16xi1> to vector<256x16xi1>
    %ne3A_103 = arith.xori %lt3A_98, %ne3A_102 : vector<256x16xi1>
    %and3A = arith.andi %ne3A_103, %ne3A_96 : vector<256x16xi1>
    %add3A_104 = vector.broadcast %select_n3A : i32 to vector<256x16xi32>
    %add3A_105 = arith.addi %rem3A_94, %add3A_104 : vector<256x16xi32>
    %select_n3A_106 = arith.select %and3A, %add3A_105, %rem3A_94 : vector<256x16xi1>, vector<256x16xi32>
    %iota3A_107 = tpu.iota {dimensions = array<i32: 1>} : vector<256x16xi32>
    %eq3A_108 = arith.cmpi eq, %select_n3A_106, %iota3A_107 : vector<256x16xi32>
    %jit3A_109 = arith.constant 0x7F800000 : f32
    %broadcast_in_dim3A_110 = vector.broadcast %jit3A_109 : f32 to vector<256x16xf32>
    %select_n3A_111 = arith.select %eq3A_108, %broadcast_in_dim3A_110, %add3A_91 : vector<256x16xi1>, vector<256x16xf32>
    %broadcast_in_dim3A_112 = vector.shape_cast %select_n3A_111 : vector<256x16xf32> to vector<256x1x16xf32>
    %broadcast_in_dim3A_113 = vector.shape_cast %select_n3A_111 : vector<256x16xf32> to vector<256x16x1xf32>
    %iota3A_114 = tpu.iota {dimensions = array<i32: 1>} : vector<1x16x16xi32>
    %iota3A_115 = tpu.iota {dimensions = array<i32: 2>} : vector<1x16x16xi32>
    %lt3A_116 = vector.broadcast %broadcast_in_dim3A_113 : vector<256x16x1xf32> to vector<256x16x16xf32>
    %lt3A_117 = vector.broadcast %broadcast_in_dim3A_112 : vector<256x1x16xf32> to vector<256x16x16xf32>
    %lt3A_118 = arith.cmpf olt, %lt3A_116, %lt3A_117 : vector<256x16x16xf32>
    %eq3A_119 = vector.broadcast %broadcast_in_dim3A_113 : vector<256x16x1xf32> to vector<256x16x16xf32>
    %eq3A_120 = vector.broadcast %broadcast_in_dim3A_112 : vector<256x1x16xf32> to vector<256x16x16xf32>
    %eq3A_121 = arith.cmpf oeq, %eq3A_119, %eq3A_120 : vector<256x16x16xf32>
    %lt3A_122 = arith.cmpi slt, %iota3A_114, %iota3A_115 : vector<1x16x16xi32>
    %and3A_123 = vector.broadcast %lt3A_122 : vector<1x16x16xi1> to vector<256x16x16xi1>
    %and3A_124 = arith.andi %eq3A_121, %and3A_123 : vector<256x16x16xi1>
    %or3A = arith.ori %lt3A_118, %and3A_124 : vector<256x16x16xi1>
    %convert_element_type3A = arith.extui %or3A : vector<256x16x16xi1> to vector<256x16x16xi32>
    %convert_element_type3A_125 = arith.sitofp %convert_element_type3A : vector<256x16x16xi32> to vector<256x16x16xf32>
    %reduce_sum3A_126 = arith.constant dense<0.000000e+00> : vector<256x16xf32>
    %reduce_sum3A_127 = vector.multi_reduction <add>, %convert_element_type3A_125, %reduce_sum3A_126 [1] : vector<256x16x16xf32> to vector<256x16xf32>
    %tile3A = tpu.concatenate %reduce_sum3A_127, %reduce_sum3A_127, %reduce_sum3A_127, %reduce_sum3A_127, %reduce_sum3A_127, %reduce_sum3A_127, %reduce_sum3A_127, %reduce_sum3A_127, %reduce_sum3A_127, %reduce_sum3A_127, %reduce_sum3A_127, %reduce_sum3A_127, %reduce_sum3A_127, %reduce_sum3A_127, %reduce_sum3A_127, %reduce_sum3A_127 in 1 : vector<256x16xf32>, vector<256x16xf32>, vector<256x16xf32>, vector<256x16xf32>, vector<256x16xf32>, vector<256x16xf32>, vector<256x16xf32>, vector<256x16xf32>, vector<256x16xf32>, vector<256x16xf32>, vector<256x16xf32>, vector<256x16xf32>, vector<256x16xf32>, vector<256x16xf32>, vector<256x16xf32>, vector<256x16xf32> -> vector<256x256xf32>
    %lt3A_128 = arith.constant 8.000000e+00 : f32
    %lt3A_129 = vector.broadcast %lt3A_128 : f32 to vector<256x256xf32>
    %lt3A_130 = arith.cmpf olt, %tile3A, %lt3A_129 : vector<256x256xf32>
    %slice3A_131 = vector.extract_strided_slice %get3A_63 {offsets = [0, 0], sizes = [256, 24], strides = [1, 1]} : vector<256x128xf32> to vector<256x24xf32>
    %get3A_132 = arith.constant 0 : index
    %get3A_133 = arith.constant 0 : index
    %get3A_134 = vector.load %arg6[%get3A_132, %get3A_133] : memref<24x67xf32, #tpu.memory_space<vmem>>, vector<24x67xf32>
    %dot_general3A_135 = arith.constant dense<0.000000e+00> : vector<256x67xf32>
    %dot_general3A_136 = tpu.matmul %slice3A_131, %get3A_134, %dot_general3A_135 {dimension_numbers = #tpu.dot_dimension_numbers<[1], [0], [0], [1], [0, 0, 1, 1], [], []>, transpose_lhs_hint = false} : vector<256x24xf32>, vector<24x67xf32>, vector<256x67xf32> -> vector<256x67xf32>
    %get3A_137 = arith.constant 0 : index
    %get3A_138 = arith.constant 0 : index
    %get3A_139 = vector.load %arg7[%get3A_137, %get3A_138] : memref<24x67xf32, #tpu.memory_space<vmem>>, vector<24x67xf32>
    %dot_general3A_140 = arith.constant dense<0.000000e+00> : vector<256x67xf32>
    %dot_general3A_141 = tpu.matmul %slice3A_131, %get3A_139, %dot_general3A_140 {dimension_numbers = #tpu.dot_dimension_numbers<[1], [0], [0], [1], [0, 0, 1, 1], [], []>, transpose_lhs_hint = false} : vector<256x24xf32>, vector<24x67xf32>, vector<256x67xf32> -> vector<256x67xf32>
    %get3A_142 = arith.constant 0 : index
    %get3A_143 = arith.constant 0 : index
    %get3A_144 = vector.load %arg3[%get3A_142, %get3A_143] : memref<4096x256xf32, #tpu.memory_space<vmem>>, vector<4096x256xf32>
    %dot_general3A_145 = arith.constant dense<0.000000e+00> : vector<4096x67xf32>
    %dot_general3A_146 = tpu.matmul %get3A_144, %dot_general3A_136, %dot_general3A_145 {dimension_numbers = #tpu.dot_dimension_numbers<[1], [0], [0], [1], [0, 0, 1, 1], [], []>, transpose_lhs_hint = false} : vector<4096x256xf32>, vector<256x67xf32>, vector<4096x67xf32> -> vector<4096x67xf32>
    %get3A_147 = arith.constant 0 : index
    %get3A_148 = arith.constant 0 : index
    %get3A_149 = vector.load %arg4[%get3A_147, %get3A_148] : memref<4096x256xf32, #tpu.memory_space<vmem>>, vector<4096x256xf32>
    %dot_general3A_150 = arith.constant dense<0.000000e+00> : vector<4096x67xf32>
    %dot_general3A_151 = tpu.matmul %get3A_149, %dot_general3A_141, %dot_general3A_150 {dimension_numbers = #tpu.dot_dimension_numbers<[1], [0], [0], [1], [0, 0, 1, 1], [], []>, transpose_lhs_hint = false} : vector<4096x256xf32>, vector<256x67xf32>, vector<4096x67xf32> -> vector<4096x67xf32>
    %slice3A_152 = vector.extract_strided_slice %dot_general3A_146 {offsets = [0, 0], sizes = [4096, 64], strides = [1, 1]} : vector<4096x67xf32> to vector<4096x64xf32>
    %slice3A_153 = vector.extract_strided_slice %dot_general3A_151 {offsets = [0, 0], sizes = [4096, 64], strides = [1, 1]} : vector<4096x67xf32> to vector<4096x64xf32>
    %mul3A_154 = arith.mulf %slice3A_152, %slice3A_153 : vector<4096x64xf32>
    %get3A_155 = arith.constant 0 : index
    %get3A_156 = arith.constant 0 : index
    %get3A_157 = vector.load %arg16[%get3A_155, %get3A_156] : memref<64x128xf32, #tpu.memory_space<vmem>>, vector<64x128xf32>
    %dot_general3A_158 = arith.constant dense<0.000000e+00> : vector<4096x128xf32>
    %dot_general3A_159 = tpu.matmul %mul3A_154, %get3A_157, %dot_general3A_158 {dimension_numbers = #tpu.dot_dimension_numbers<[1], [0], [0], [1], [0, 0, 1, 1], [], []>, transpose_lhs_hint = false} : vector<4096x64xf32>, vector<64x128xf32>, vector<4096x128xf32> -> vector<4096x128xf32>
    %get3A_160 = arith.constant 0 : index
    %get3A_161 = arith.constant 0 : index
    %get3A_162 = vector.load %arg17[%get3A_160, %get3A_161] : memref<1x128xf32, #tpu.memory_space<vmem>>, vector<1x128xf32>
    %add3A_163 = vector.broadcast %get3A_162 : vector<1x128xf32> to vector<4096x128xf32>
    %add3A_164 = arith.addf %dot_general3A_159, %add3A_163 : vector<4096x128xf32>
    %slice3A_165 = vector.extract_strided_slice %dot_general3A_146 {offsets = [0, 64], sizes = [4096, 3], strides = [1, 1]} : vector<4096x67xf32> to vector<4096x3xf32>
    %slice3A_166 = vector.extract_strided_slice %dot_general3A_151 {offsets = [0, 64], sizes = [4096, 3], strides = [1, 1]} : vector<4096x67xf32> to vector<4096x3xf32>
    %sub3A_167 = arith.subf %slice3A_165, %slice3A_166 : vector<4096x3xf32>
    %mul3A_168 = arith.mulf %sub3A_167, %sub3A_167 : vector<4096x3xf32>
    %slice3A_169 = vector.extract_strided_slice %mul3A_168 {offsets = [0, 0], sizes = [4096, 1], strides = [1, 1]} : vector<4096x3xf32> to vector<4096x1xf32>
    %slice3A_170 = vector.extract_strided_slice %mul3A_168 {offsets = [0, 1], sizes = [4096, 1], strides = [1, 1]} : vector<4096x3xf32> to vector<4096x1xf32>
    %add3A_171 = arith.addf %slice3A_169, %slice3A_170 : vector<4096x1xf32>
    %slice3A_172 = vector.extract_strided_slice %mul3A_168 {offsets = [0, 2], sizes = [4096, 1], strides = [1, 1]} : vector<4096x3xf32> to vector<4096x1xf32>
    %add3A_173 = arith.addf %add3A_171, %slice3A_172 : vector<4096x1xf32>
    %sqrt3A_174 = math.sqrt %add3A_173 : vector<4096x1xf32>
    %iota3A_175 = tpu.iota {dimensions = array<i32: 1>} : vector<1x64xi32>
    %convert_element_type3A_176 = arith.sitofp %iota3A_175 : vector<1x64xi32> to vector<1x64xf32>
    %mul3A_177 = arith.constant 0.317460328 : f32
    %mul3A_178 = vector.broadcast %mul3A_177 : f32 to vector<1x64xf32>
    %mul3A_179 = arith.mulf %convert_element_type3A_176, %mul3A_178 : vector<1x64xf32>
    %sub3A_180 = vector.broadcast %sqrt3A_174 : vector<4096x1xf32> to vector<4096x64xf32>
    %sub3A_181 = vector.broadcast %mul3A_179 : vector<1x64xf32> to vector<4096x64xf32>
    %sub3A_182 = arith.subf %sub3A_180, %sub3A_181 : vector<4096x64xf32>
    %div3A_183 = arith.constant 3.125000e-01 : f32
    %div3A_184 = vector.broadcast %div3A_183 : f32 to vector<4096x64xf32>
    %div3A_185 = arith.divf %sub3A_182, %div3A_184 : vector<4096x64xf32>
    %integer_pow3A = arith.mulf %div3A_185, %div3A_185 : vector<4096x64xf32>
    %neg3A = arith.constant 0.000000e+00 : f32
    %neg3A_186 = vector.broadcast %neg3A : f32 to vector<4096x64xf32>
    %neg3A_187 = arith.subf %neg3A_186, %integer_pow3A : vector<4096x64xf32>
    %exp3A = math.exp %neg3A_187 : vector<4096x64xf32>
    %get3A_188 = arith.constant 0 : index
    %get3A_189 = arith.constant 0 : index
    %get3A_190 = vector.load %arg18[%get3A_188, %get3A_189] : memref<64x128xf32, #tpu.memory_space<vmem>>, vector<64x128xf32>
    %dot_general3A_191 = arith.constant dense<0.000000e+00> : vector<4096x128xf32>
    %dot_general3A_192 = tpu.matmul %exp3A, %get3A_190, %dot_general3A_191 {dimension_numbers = #tpu.dot_dimension_numbers<[1], [0], [0], [1], [0, 0, 1, 1], [], []>, transpose_lhs_hint = false} : vector<4096x64xf32>, vector<64x128xf32>, vector<4096x128xf32> -> vector<4096x128xf32>
    %get3A_193 = arith.constant 0 : index
    %get3A_194 = arith.constant 0 : index
    %get3A_195 = vector.load %arg19[%get3A_193, %get3A_194] : memref<1x128xf32, #tpu.memory_space<vmem>>, vector<1x128xf32>
    %add3A_196 = vector.broadcast %get3A_195 : vector<1x128xf32> to vector<4096x128xf32>
    %add3A_197 = arith.addf %dot_general3A_192, %add3A_196 : vector<4096x128xf32>
    %logistic3A_198 = arith.negf %add3A_164 : vector<4096x128xf32>
    %logistic3A_199 = math.exp %logistic3A_198 : vector<4096x128xf32>
    %logistic3A_200 = arith.constant 1.000000e+00 : f32
    %logistic3A_201 = vector.broadcast %logistic3A_200 : f32 to vector<4096x128xf32>
    %logistic3A_202 = arith.addf %logistic3A_201, %logistic3A_199 : vector<4096x128xf32>
    %logistic3A_203 = arith.divf %logistic3A_201, %logistic3A_202 : vector<4096x128xf32>
    %mul3A_204 = arith.mulf %logistic3A_203, %add3A_197 : vector<4096x128xf32>
    %get3A_205 = arith.constant 0 : index
    %get3A_206 = arith.constant 0 : index
    %get3A_207 = vector.load %arg20[%get3A_205, %get3A_206] : memref<128x4xf32, #tpu.memory_space<vmem>>, vector<128x4xf32>
    %dot_general3A_208 = arith.constant dense<0.000000e+00> : vector<4096x4xf32>
    %dot_general3A_209 = tpu.matmul %mul3A_204, %get3A_207, %dot_general3A_208 {dimension_numbers = #tpu.dot_dimension_numbers<[1], [0], [0], [1], [0, 0, 1, 1], [], []>, transpose_lhs_hint = false} : vector<4096x128xf32>, vector<128x4xf32>, vector<4096x4xf32> -> vector<4096x4xf32>
    %reshape3A_210 = vector.shape_cast %dot_general3A_209 : vector<4096x4xf32> to vector<256x16x4xf32>
    %transpose3A = tpu.transpose %reshape3A_210, [0, 2, 1] : vector<256x16x4xf32> -> vector<256x4x16xf32>
    %reshape3A_211 = vector.shape_cast %transpose3A : vector<256x4x16xf32> to vector<256x64xf32>
    %get3A_212 = arith.constant 0 : index
    %get3A_213 = arith.constant 0 : index
    %get3A_214 = vector.load %arg5[%get3A_212, %get3A_213] : memref<256x256xf32, #tpu.memory_space<vmem>>, vector<256x256xf32>
    %slice3A_215 = vector.extract_strided_slice %add3A_34 {offsets = [0, 0], sizes = [256, 32], strides = [1, 1]} : vector<256x128xf32> to vector<256x32xf32>
    %slice3A_216 = vector.extract_strided_slice %slice3A {offsets = [0, 0], sizes = [256, 32], strides = [1, 1]} : vector<256x128xf32> to vector<256x32xf32>
    %slice3A_217 = vector.extract_strided_slice %slice3A_45 {offsets = [0, 0], sizes = [256, 32], strides = [1, 1]} : vector<256x128xf32> to vector<256x32xf32>
    %dot_general3A_218 = arith.constant dense<0.000000e+00> : vector<256x256xf32>
    %dot_general3A_219 = tpu.matmul %slice3A_215, %slice3A_216, %dot_general3A_218 {dimension_numbers = #tpu.dot_dimension_numbers<[1], [1], [0], [0], [0, 0, 1, 0], [], []>, transpose_lhs_hint = false} : vector<256x32xf32>, vector<256x32xf32>, vector<256x256xf32> -> vector<256x256xf32>
    %slice3A_220 = vector.extract_strided_slice %reshape3A_211 {offsets = [0, 0], sizes = [256, 16], strides = [1, 1]} : vector<256x64xf32> to vector<256x16xf32>
    %tile3A_221 = tpu.concatenate %slice3A_220, %slice3A_220, %slice3A_220, %slice3A_220, %slice3A_220, %slice3A_220, %slice3A_220, %slice3A_220, %slice3A_220, %slice3A_220, %slice3A_220, %slice3A_220, %slice3A_220, %slice3A_220, %slice3A_220, %slice3A_220 in 1 : vector<256x16xf32>, vector<256x16xf32>, vector<256x16xf32>, vector<256x16xf32>, vector<256x16xf32>, vector<256x16xf32>, vector<256x16xf32>, vector<256x16xf32>, vector<256x16xf32>, vector<256x16xf32>, vector<256x16xf32>, vector<256x16xf32>, vector<256x16xf32>, vector<256x16xf32>, vector<256x16xf32>, vector<256x16xf32> -> vector<256x256xf32>
    %add3A_222 = arith.addf %dot_general3A_219, %tile3A_221 : vector<256x256xf32>
    %add3A_223 = arith.addf %add3A_222, %get3A_214 : vector<256x256xf32>
    %jit3A_224 = arith.constant 0xFF800000 : f32
    %broadcast_in_dim3A_225 = vector.broadcast %jit3A_224 : f32 to vector<256x256xf32>
    %select_n3A_226 = arith.select %lt3A_130, %add3A_223, %broadcast_in_dim3A_225 : vector<256x256xi1>, vector<256x256xf32>
    %reduce_max3A = arith.constant dense<0xFF800000> : vector<256xf32>
    %reduce_max3A_227 = vector.multi_reduction <maximumf>, %select_n3A_226, %reduce_max3A [1] : vector<256x256xf32> to vector<256xf32>
    %broadcast_in_dim3A_228 = vector.shape_cast %reduce_max3A_227 : vector<256xf32> to vector<256x1xf32>
    %sub3A_229 = vector.broadcast %broadcast_in_dim3A_228 : vector<256x1xf32> to vector<256x256xf32>
    %sub3A_230 = arith.subf %select_n3A_226, %sub3A_229 : vector<256x256xf32>
    %exp3A_231 = math.exp %sub3A_230 : vector<256x256xf32>
    %reduce_sum3A_232 = arith.constant dense<0.000000e+00> : vector<256xf32>
    %reduce_sum3A_233 = vector.multi_reduction <add>, %exp3A_231, %reduce_sum3A_232 [1] : vector<256x256xf32> to vector<256xf32>
    %broadcast_in_dim3A_234 = vector.shape_cast %reduce_sum3A_233 : vector<256xf32> to vector<256x1xf32>
    %add3A_235 = arith.constant 1.000000e-16 : f32
    %add3A_236 = vector.broadcast %add3A_235 : f32 to vector<256x1xf32>
    %add3A_237 = arith.addf %broadcast_in_dim3A_234, %add3A_236 : vector<256x1xf32>
    %div3A_238 = vector.broadcast %add3A_237 : vector<256x1xf32> to vector<256x256xf32>
    %div3A_239 = arith.divf %exp3A_231, %div3A_238 : vector<256x256xf32>
    %dot_general3A_240 = arith.constant dense<0.000000e+00> : vector<256x32xf32>
    %dot_general3A_241 = tpu.matmul %div3A_239, %slice3A_217, %dot_general3A_240 {dimension_numbers = #tpu.dot_dimension_numbers<[1], [0], [0], [1], [0, 0, 1, 1], [], []>, transpose_lhs_hint = false} : vector<256x256xf32>, vector<256x32xf32>, vector<256x32xf32> -> vector<256x32xf32>
    %slice3A_242 = vector.extract_strided_slice %add3A_34 {offsets = [0, 32], sizes = [256, 32], strides = [1, 1]} : vector<256x128xf32> to vector<256x32xf32>
    %slice3A_243 = vector.extract_strided_slice %slice3A {offsets = [0, 32], sizes = [256, 32], strides = [1, 1]} : vector<256x128xf32> to vector<256x32xf32>
    %slice3A_244 = vector.extract_strided_slice %slice3A_45 {offsets = [0, 32], sizes = [256, 32], strides = [1, 1]} : vector<256x128xf32> to vector<256x32xf32>
    %dot_general3A_245 = arith.constant dense<0.000000e+00> : vector<256x256xf32>
    %dot_general3A_246 = tpu.matmul %slice3A_242, %slice3A_243, %dot_general3A_245 {dimension_numbers = #tpu.dot_dimension_numbers<[1], [1], [0], [0], [0, 0, 1, 0], [], []>, transpose_lhs_hint = false} : vector<256x32xf32>, vector<256x32xf32>, vector<256x256xf32> -> vector<256x256xf32>
    %slice3A_247 = vector.extract_strided_slice %reshape3A_211 {offsets = [0, 16], sizes = [256, 16], strides = [1, 1]} : vector<256x64xf32> to vector<256x16xf32>
    %tile3A_248 = tpu.concatenate %slice3A_247, %slice3A_247, %slice3A_247, %slice3A_247, %slice3A_247, %slice3A_247, %slice3A_247, %slice3A_247, %slice3A_247, %slice3A_247, %slice3A_247, %slice3A_247, %slice3A_247, %slice3A_247, %slice3A_247, %slice3A_247 in 1 : vector<256x16xf32>, vector<256x16xf32>, vector<256x16xf32>, vector<256x16xf32>, vector<256x16xf32>, vector<256x16xf32>, vector<256x16xf32>, vector<256x16xf32>, vector<256x16xf32>, vector<256x16xf32>, vector<256x16xf32>, vector<256x16xf32>, vector<256x16xf32>, vector<256x16xf32>, vector<256x16xf32>, vector<256x16xf32> -> vector<256x256xf32>
    %add3A_249 = arith.addf %dot_general3A_246, %tile3A_248 : vector<256x256xf32>
    %add3A_250 = arith.addf %add3A_249, %get3A_214 : vector<256x256xf32>
    %jit3A_251 = arith.constant 0xFF800000 : f32
    %broadcast_in_dim3A_252 = vector.broadcast %jit3A_251 : f32 to vector<256x256xf32>
    %select_n3A_253 = arith.select %lt3A_130, %add3A_250, %broadcast_in_dim3A_252 : vector<256x256xi1>, vector<256x256xf32>
    %reduce_max3A_254 = arith.constant dense<0xFF800000> : vector<256xf32>
    %reduce_max3A_255 = vector.multi_reduction <maximumf>, %select_n3A_253, %reduce_max3A_254 [1] : vector<256x256xf32> to vector<256xf32>
    %broadcast_in_dim3A_256 = vector.shape_cast %reduce_max3A_255 : vector<256xf32> to vector<256x1xf32>
    %sub3A_257 = vector.broadcast %broadcast_in_dim3A_256 : vector<256x1xf32> to vector<256x256xf32>
    %sub3A_258 = arith.subf %select_n3A_253, %sub3A_257 : vector<256x256xf32>
    %exp3A_259 = math.exp %sub3A_258 : vector<256x256xf32>
    %reduce_sum3A_260 = arith.constant dense<0.000000e+00> : vector<256xf32>
    %reduce_sum3A_261 = vector.multi_reduction <add>, %exp3A_259, %reduce_sum3A_260 [1] : vector<256x256xf32> to vector<256xf32>
    %broadcast_in_dim3A_262 = vector.shape_cast %reduce_sum3A_261 : vector<256xf32> to vector<256x1xf32>
    %add3A_263 = arith.constant 1.000000e-16 : f32
    %add3A_264 = vector.broadcast %add3A_263 : f32 to vector<256x1xf32>
    %add3A_265 = arith.addf %broadcast_in_dim3A_262, %add3A_264 : vector<256x1xf32>
    %div3A_266 = vector.broadcast %add3A_265 : vector<256x1xf32> to vector<256x256xf32>
    %div3A_267 = arith.divf %exp3A_259, %div3A_266 : vector<256x256xf32>
    %dot_general3A_268 = arith.constant dense<0.000000e+00> : vector<256x32xf32>
    %dot_general3A_269 = tpu.matmul %div3A_267, %slice3A_244, %dot_general3A_268 {dimension_numbers = #tpu.dot_dimension_numbers<[1], [0], [0], [1], [0, 0, 1, 1], [], []>, transpose_lhs_hint = false} : vector<256x256xf32>, vector<256x32xf32>, vector<256x32xf32> -> vector<256x32xf32>
    %slice3A_270 = vector.extract_strided_slice %add3A_34 {offsets = [0, 64], sizes = [256, 32], strides = [1, 1]} : vector<256x128xf32> to vector<256x32xf32>
    %slice3A_271 = vector.extract_strided_slice %slice3A {offsets = [0, 64], sizes = [256, 32], strides = [1, 1]} : vector<256x128xf32> to vector<256x32xf32>
    %slice3A_272 = vector.extract_strided_slice %slice3A_45 {offsets = [0, 64], sizes = [256, 32], strides = [1, 1]} : vector<256x128xf32> to vector<256x32xf32>
    %dot_general3A_273 = arith.constant dense<0.000000e+00> : vector<256x256xf32>
    %dot_general3A_274 = tpu.matmul %slice3A_270, %slice3A_271, %dot_general3A_273 {dimension_numbers = #tpu.dot_dimension_numbers<[1], [1], [0], [0], [0, 0, 1, 0], [], []>, transpose_lhs_hint = false} : vector<256x32xf32>, vector<256x32xf32>, vector<256x256xf32> -> vector<256x256xf32>
    %slice3A_275 = vector.extract_strided_slice %reshape3A_211 {offsets = [0, 32], sizes = [256, 16], strides = [1, 1]} : vector<256x64xf32> to vector<256x16xf32>
    %tile3A_276 = tpu.concatenate %slice3A_275, %slice3A_275, %slice3A_275, %slice3A_275, %slice3A_275, %slice3A_275, %slice3A_275, %slice3A_275, %slice3A_275, %slice3A_275, %slice3A_275, %slice3A_275, %slice3A_275, %slice3A_275, %slice3A_275, %slice3A_275 in 1 : vector<256x16xf32>, vector<256x16xf32>, vector<256x16xf32>, vector<256x16xf32>, vector<256x16xf32>, vector<256x16xf32>, vector<256x16xf32>, vector<256x16xf32>, vector<256x16xf32>, vector<256x16xf32>, vector<256x16xf32>, vector<256x16xf32>, vector<256x16xf32>, vector<256x16xf32>, vector<256x16xf32>, vector<256x16xf32> -> vector<256x256xf32>
    %add3A_277 = arith.addf %dot_general3A_274, %tile3A_276 : vector<256x256xf32>
    %add3A_278 = arith.addf %add3A_277, %get3A_214 : vector<256x256xf32>
    %jit3A_279 = arith.constant 0xFF800000 : f32
    %broadcast_in_dim3A_280 = vector.broadcast %jit3A_279 : f32 to vector<256x256xf32>
    %select_n3A_281 = arith.select %lt3A_130, %add3A_278, %broadcast_in_dim3A_280 : vector<256x256xi1>, vector<256x256xf32>
    %reduce_max3A_282 = arith.constant dense<0xFF800000> : vector<256xf32>
    %reduce_max3A_283 = vector.multi_reduction <maximumf>, %select_n3A_281, %reduce_max3A_282 [1] : vector<256x256xf32> to vector<256xf32>
    %broadcast_in_dim3A_284 = vector.shape_cast %reduce_max3A_283 : vector<256xf32> to vector<256x1xf32>
    %sub3A_285 = vector.broadcast %broadcast_in_dim3A_284 : vector<256x1xf32> to vector<256x256xf32>
    %sub3A_286 = arith.subf %select_n3A_281, %sub3A_285 : vector<256x256xf32>
    %exp3A_287 = math.exp %sub3A_286 : vector<256x256xf32>
    %reduce_sum3A_288 = arith.constant dense<0.000000e+00> : vector<256xf32>
    %reduce_sum3A_289 = vector.multi_reduction <add>, %exp3A_287, %reduce_sum3A_288 [1] : vector<256x256xf32> to vector<256xf32>
    %broadcast_in_dim3A_290 = vector.shape_cast %reduce_sum3A_289 : vector<256xf32> to vector<256x1xf32>
    %add3A_291 = arith.constant 1.000000e-16 : f32
    %add3A_292 = vector.broadcast %add3A_291 : f32 to vector<256x1xf32>
    %add3A_293 = arith.addf %broadcast_in_dim3A_290, %add3A_292 : vector<256x1xf32>
    %div3A_294 = vector.broadcast %add3A_293 : vector<256x1xf32> to vector<256x256xf32>
    %div3A_295 = arith.divf %exp3A_287, %div3A_294 : vector<256x256xf32>
    %dot_general3A_296 = arith.constant dense<0.000000e+00> : vector<256x32xf32>
    %dot_general3A_297 = tpu.matmul %div3A_295, %slice3A_272, %dot_general3A_296 {dimension_numbers = #tpu.dot_dimension_numbers<[1], [0], [0], [1], [0, 0, 1, 1], [], []>, transpose_lhs_hint = false} : vector<256x256xf32>, vector<256x32xf32>, vector<256x32xf32> -> vector<256x32xf32>
    %slice3A_298 = vector.extract_strided_slice %add3A_34 {offsets = [0, 96], sizes = [256, 32], strides = [1, 1]} : vector<256x128xf32> to vector<256x32xf32>
    %slice3A_299 = vector.extract_strided_slice %slice3A {offsets = [0, 96], sizes = [256, 32], strides = [1, 1]} : vector<256x128xf32> to vector<256x32xf32>
    %slice3A_300 = vector.extract_strided_slice %slice3A_45 {offsets = [0, 96], sizes = [256, 32], strides = [1, 1]} : vector<256x128xf32> to vector<256x32xf32>
    %dot_general3A_301 = arith.constant dense<0.000000e+00> : vector<256x256xf32>
    %dot_general3A_302 = tpu.matmul %slice3A_298, %slice3A_299, %dot_general3A_301 {dimension_numbers = #tpu.dot_dimension_numbers<[1], [1], [0], [0], [0, 0, 1, 0], [], []>, transpose_lhs_hint = false} : vector<256x32xf32>, vector<256x32xf32>, vector<256x256xf32> -> vector<256x256xf32>
    %slice3A_303 = vector.extract_strided_slice %reshape3A_211 {offsets = [0, 48], sizes = [256, 16], strides = [1, 1]} : vector<256x64xf32> to vector<256x16xf32>
    %tile3A_304 = tpu.concatenate %slice3A_303, %slice3A_303, %slice3A_303, %slice3A_303, %slice3A_303, %slice3A_303, %slice3A_303, %slice3A_303, %slice3A_303, %slice3A_303, %slice3A_303, %slice3A_303, %slice3A_303, %slice3A_303, %slice3A_303, %slice3A_303 in 1 : vector<256x16xf32>, vector<256x16xf32>, vector<256x16xf32>, vector<256x16xf32>, vector<256x16xf32>, vector<256x16xf32>, vector<256x16xf32>, vector<256x16xf32>, vector<256x16xf32>, vector<256x16xf32>, vector<256x16xf32>, vector<256x16xf32>, vector<256x16xf32>, vector<256x16xf32>, vector<256x16xf32>, vector<256x16xf32> -> vector<256x256xf32>
    %add3A_305 = arith.addf %dot_general3A_302, %tile3A_304 : vector<256x256xf32>
    %add3A_306 = arith.addf %add3A_305, %get3A_214 : vector<256x256xf32>
    %jit3A_307 = arith.constant 0xFF800000 : f32
    %broadcast_in_dim3A_308 = vector.broadcast %jit3A_307 : f32 to vector<256x256xf32>
    %select_n3A_309 = arith.select %lt3A_130, %add3A_306, %broadcast_in_dim3A_308 : vector<256x256xi1>, vector<256x256xf32>
    %reduce_max3A_310 = arith.constant dense<0xFF800000> : vector<256xf32>
    %reduce_max3A_311 = vector.multi_reduction <maximumf>, %select_n3A_309, %reduce_max3A_310 [1] : vector<256x256xf32> to vector<256xf32>
    %broadcast_in_dim3A_312 = vector.shape_cast %reduce_max3A_311 : vector<256xf32> to vector<256x1xf32>
    %sub3A_313 = vector.broadcast %broadcast_in_dim3A_312 : vector<256x1xf32> to vector<256x256xf32>
    %sub3A_314 = arith.subf %select_n3A_309, %sub3A_313 : vector<256x256xf32>
    %exp3A_315 = math.exp %sub3A_314 : vector<256x256xf32>
    %reduce_sum3A_316 = arith.constant dense<0.000000e+00> : vector<256xf32>
    %reduce_sum3A_317 = vector.multi_reduction <add>, %exp3A_315, %reduce_sum3A_316 [1] : vector<256x256xf32> to vector<256xf32>
    %broadcast_in_dim3A_318 = vector.shape_cast %reduce_sum3A_317 : vector<256xf32> to vector<256x1xf32>
    %add3A_319 = arith.constant 1.000000e-16 : f32
    %add3A_320 = vector.broadcast %add3A_319 : f32 to vector<256x1xf32>
    %add3A_321 = arith.addf %broadcast_in_dim3A_318, %add3A_320 : vector<256x1xf32>
    %div3A_322 = vector.broadcast %add3A_321 : vector<256x1xf32> to vector<256x256xf32>
    %div3A_323 = arith.divf %exp3A_315, %div3A_322 : vector<256x256xf32>
    %dot_general3A_324 = arith.constant dense<0.000000e+00> : vector<256x32xf32>
    %dot_general3A_325 = tpu.matmul %div3A_323, %slice3A_300, %dot_general3A_324 {dimension_numbers = #tpu.dot_dimension_numbers<[1], [0], [0], [1], [0, 0, 1, 1], [], []>, transpose_lhs_hint = false} : vector<256x256xf32>, vector<256x32xf32>, vector<256x32xf32> -> vector<256x32xf32>
    %concatenate3A = tpu.concatenate %dot_general3A_241, %dot_general3A_269, %dot_general3A_297, %dot_general3A_325 in 1 : vector<256x32xf32>, vector<256x32xf32>, vector<256x32xf32>, vector<256x32xf32> -> vector<256x128xf32>
    %mul3A_326 = arith.mulf %concatenate3A, %logistic3A_60 : vector<256x128xf32>
    %get3A_327 = arith.constant 0 : index
    %get3A_328 = arith.constant 0 : index
    %get3A_329 = vector.load %arg21[%get3A_327, %get3A_328] : memref<128x128xf32, #tpu.memory_space<vmem>>, vector<128x128xf32>
    %dot_general3A_330 = arith.constant dense<0.000000e+00> : vector<256x128xf32>
    %dot_general3A_331 = tpu.matmul %mul3A_326, %get3A_329, %dot_general3A_330 {dimension_numbers = #tpu.dot_dimension_numbers<[1], [0], [0], [1], [0, 0, 1, 1], [], []>, transpose_lhs_hint = false} : vector<256x128xf32>, vector<128x128xf32>, vector<256x128xf32> -> vector<256x128xf32>
    %get3A_332 = arith.constant 0 : index
    %get3A_333 = arith.constant 0 : index
    %get3A_334 = vector.load %arg22[%get3A_332, %get3A_333] : memref<1x128xf32, #tpu.memory_space<vmem>>, vector<1x128xf32>
    %add3A_335 = vector.broadcast %get3A_334 : vector<1x128xf32> to vector<256x128xf32>
    %add3A_336 = arith.addf %dot_general3A_331, %add3A_335 : vector<256x128xf32>
    %swap3A = arith.constant 0 : index
    %swap3A_337 = arith.constant 0 : index
    %swap3A_338 = vector.load %arg23[%swap3A, %swap3A_337] : memref<256x128xf32, #tpu.memory_space<vmem>>, vector<256x128xf32>
    tpu.vector_store %arg23[%swap3A, %swap3A_337], %add3A_336 {strides = array<i32>} : memref<256x128xf32, #tpu.memory_space<vmem>>, vector<256x128xf32>,
    return
  }
  func.func @transform_0(%arg0: i32) -> (i32, i32) {
    %c0_i32 = arith.constant 0 : i32
    %c0_i32_0 = arith.constant 0 : i32
    return %arg0, %c0_i32 : i32, i32
  }
  func.func @transform_1(%arg0: i32) -> (i32, i32) {
    %add3A = arith.constant 160 : i32
    %add3A_0 = arith.addi %arg0, %add3A : i32
    %c0_i32 = arith.constant 0 : i32
    %c0_i32_1 = arith.constant 0 : i32
    return %add3A_0, %c0_i32 : i32, i32
  }
  func.func @transform_2(%arg0: i32) -> (i32, i32) {
    %c0_i32 = arith.constant 0 : i32
    %c0_i32_0 = arith.constant 0 : i32
    %c0_i32_1 = arith.constant 0 : i32
    return %c0_i32, %c0_i32_0 : i32, i32
  }
  func.func @transform_3(%arg0: i32) -> (i32, i32) {
    %c0_i32 = arith.constant 0 : i32
    %c0_i32_0 = arith.constant 0 : i32
    %c0_i32_1 = arith.constant 0 : i32
    return %c0_i32, %c0_i32_0 : i32, i32
  }
  func.func @transform_4(%arg0: i32) -> (i32, i32) {
    %c0_i32 = arith.constant 0 : i32
    %c0_i32_0 = arith.constant 0 : i32
    %c0_i32_1 = arith.constant 0 : i32
    return %c0_i32, %c0_i32_0 : i32, i32
  }
  func.func @transform_5(%arg0: i32) -> (i32, i32) {
    %c0_i32 = arith.constant 0 : i32
    %c0_i32_0 = arith.constant 0 : i32
    %c0_i32_1 = arith.constant 0 : i32
    return %c0_i32, %c0_i32_0 : i32, i32
  }
  func.func @transform_6(%arg0: i32) -> (i32, i32) {
    %c0_i32 = arith.constant 0 : i32
    %c0_i32_0 = arith.constant 0 : i32
    %c0_i32_1 = arith.constant 0 : i32
    return %c0_i32, %c0_i32_0 : i32, i32
  }
  func.func @transform_7(%arg0: i32) -> (i32, i32) {
    %c0_i32 = arith.constant 0 : i32
    %c0_i32_0 = arith.constant 0 : i32
    %c0_i32_1 = arith.constant 0 : i32
    return %c0_i32, %c0_i32_0 : i32, i32
  }
  func.func @transform_8(%arg0: i32) -> (i32, i32) {
    %c0_i32 = arith.constant 0 : i32
    %c0_i32_0 = arith.constant 0 : i32
    %c0_i32_1 = arith.constant 0 : i32
    return %c0_i32, %c0_i32_0 : i32, i32
  }
  func.func @transform_9(%arg0: i32) -> (i32, i32) {
    %c0_i32 = arith.constant 0 : i32
    %c0_i32_0 = arith.constant 0 : i32
    %c0_i32_1 = arith.constant 0 : i32
    return %c0_i32, %c0_i32_0 : i32, i32
  }
  func.func @transform_10(%arg0: i32) -> (i32, i32) {
    %c0_i32 = arith.constant 0 : i32
    %c0_i32_0 = arith.constant 0 : i32
    %c0_i32_1 = arith.constant 0 : i32
    return %c0_i32, %c0_i32_0 : i32, i32
  }
  func.func @transform_11(%arg0: i32) -> (i32, i32) {
    %c0_i32 = arith.constant 0 : i32
    %c0_i32_0 = arith.constant 0 : i32
    %c0_i32_1 = arith.constant 0 : i32
    return %c0_i32, %c0_i32_0 : i32, i32
  }
  func.func @transform_12(%arg0: i32) -> (i32, i32) {
    %c0_i32 = arith.constant 0 : i32
    %c0_i32_0 = arith.constant 0 : i32
    %c0_i32_1 = arith.constant 0 : i32
    return %c0_i32, %c0_i32_0 : i32, i32
  }
  func.func @transform_13(%arg0: i32) -> (i32, i32) {
    %c0_i32 = arith.constant 0 : i32
    %c0_i32_0 = arith.constant 0 : i32
    %c0_i32_1 = arith.constant 0 : i32
    return %c0_i32, %c0_i32_0 : i32, i32
  }
  func.func @transform_14(%arg0: i32) -> (i32, i32) {
    %c0_i32 = arith.constant 0 : i32
    %c0_i32_0 = arith.constant 0 : i32
    %c0_i32_1 = arith.constant 0 : i32
    return %c0_i32, %c0_i32_0 : i32, i32
  }
  func.func @transform_15(%arg0: i32) -> (i32, i32) {
    %c0_i32 = arith.constant 0 : i32
    %c0_i32_0 = arith.constant 0 : i32
    %c0_i32_1 = arith.constant 0 : i32
    return %c0_i32, %c0_i32_0 : i32, i32
  }
  func.func @transform_16(%arg0: i32) -> (i32, i32) {
    %c0_i32 = arith.constant 0 : i32
    %c0_i32_0 = arith.constant 0 : i32
    %c0_i32_1 = arith.constant 0 : i32
    return %c0_i32, %c0_i32_0 : i32, i32
  }
  func.func @transform_17(%arg0: i32) -> (i32, i32) {
    %c0_i32 = arith.constant 0 : i32
    %c0_i32_0 = arith.constant 0 : i32
    %c0_i32_1 = arith.constant 0 : i32
    return %c0_i32, %c0_i32_0 : i32, i32
  }
  func.func @transform_18(%arg0: i32) -> (i32, i32) {
    %c0_i32 = arith.constant 0 : i32
    %c0_i32_0 = arith.constant 0 : i32
    %c0_i32_1 = arith.constant 0 : i32
    return %c0_i32, %c0_i32_0 : i32, i32
  }
  func.func @transform_19(%arg0: i32) -> (i32, i32) {
    %c0_i32 = arith.constant 0 : i32
    %c0_i32_0 = arith.constant 0 : i32
    %c0_i32_1 = arith.constant 0 : i32
    return %c0_i32, %c0_i32_0 : i32, i32
  }
  func.func @transform_20(%arg0: i32) -> (i32, i32) {
    %c0_i32 = arith.constant 0 : i32
    %c0_i32_0 = arith.constant 0 : i32
    %c0_i32_1 = arith.constant 0 : i32
    return %c0_i32, %c0_i32_0 : i32, i32
  }
  func.func @transform_21(%arg0: i32) -> (i32, i32) {
    %c0_i32 = arith.constant 0 : i32
    %c0_i32_0 = arith.constant 0 : i32
    %c0_i32_1 = arith.constant 0 : i32
    return %c0_i32, %c0_i32_0 : i32, i32
  }
  func.func @transform_22(%arg0: i32) -> (i32, i32) {
    %c0_i32 = arith.constant 0 : i32
    %c0_i32_0 = arith.constant 0 : i32
    return %arg0, %c0_i32 : i32, i32
  }
}

module attributes {stable_mosaic.version = 14 : i64} {
  func.func @_main_body(%arg0: i32, %arg1: memref<256x128xf32, #tpu.memory_space<vmem>>, %arg2: memref<256x128xf32, #tpu.memory_space<vmem>>, %arg3: memref<4096x256xf32, #tpu.memory_space<vmem>>, %arg4: memref<4096x256xf32, #tpu.memory_space<vmem>>, %arg5: memref<256x256xf32, #tpu.memory_space<vmem>>, %arg6: memref<24x67xf32, #tpu.memory_space<vmem>>, %arg7: memref<24x67xf32, #tpu.memory_space<vmem>>, %arg8: memref<1x128xf32, #tpu.memory_space<vmem>>, %arg9: memref<1x128xf32, #tpu.memory_space<vmem>>, %arg10: memref<128x128xf32, #tpu.memory_space<vmem>>, %arg11: memref<1x128xf32, #tpu.memory_space<vmem>>, %arg12: memref<128x256xf32, #tpu.memory_space<vmem>>, %arg13: memref<1x256xf32, #tpu.memory_space<vmem>>, %arg14: memref<128x128xf32, #tpu.memory_space<vmem>>, %arg15: memref<1x128xf32, #tpu.memory_space<vmem>>, %arg16: memref<64x128xf32, #tpu.memory_space<vmem>>, %arg17: memref<1x128xf32, #tpu.memory_space<vmem>>, %arg18: memref<64x128xf32, #tpu.memory_space<vmem>>, %arg19: memref<1x128xf32, #tpu.memory_space<vmem>>, %arg20: memref<128x4xf32, #tpu.memory_space<vmem>>, %arg21: memref<128x128xf32, #tpu.memory_space<vmem>>, %arg22: memref<1x128xf32, #tpu.memory_space<vmem>>, %arg23: memref<256x128xf32, #tpu.memory_space<vmem>>) attributes {dimension_semantics = [#tpu.dimension_semantics<arbitrary>], iteration_bounds = array<i64: 160>, scalar_prefetch = 0 : i64, scratch_operands = 0 : i64, tpu.core_type = #tpu.core_type<tc>, window_params = [{transform_indices = @transform_0, window_bounds = array<i64: 256, 128>}, {transform_indices = @transform_1, window_bounds = array<i64: 256, 128>}, {pipeline_mode = #tpu.pipeline_mode<synchronous>, transform_indices = @transform_2, window_bounds = array<i64: 4096, 256>}, {pipeline_mode = #tpu.pipeline_mode<synchronous>, transform_indices = @transform_3, window_bounds = array<i64: 4096, 256>}, {pipeline_mode = #tpu.pipeline_mode<synchronous>, transform_indices = @transform_4, window_bounds = array<i64: 256, 256>}, {pipeline_mode = #tpu.pipeline_mode<synchronous>, transform_indices = @transform_5, window_bounds = array<i64: 24, 67>}, {pipeline_mode = #tpu.pipeline_mode<synchronous>, transform_indices = @transform_6, window_bounds = array<i64: 24, 67>}, {pipeline_mode = #tpu.pipeline_mode<synchronous>, transform_indices = @transform_7, window_bounds = array<i64: 1, 128>}, {pipeline_mode = #tpu.pipeline_mode<synchronous>, transform_indices = @transform_8, window_bounds = array<i64: 1, 128>}, {pipeline_mode = #tpu.pipeline_mode<synchronous>, transform_indices = @transform_9, window_bounds = array<i64: 128, 128>}, {pipeline_mode = #tpu.pipeline_mode<synchronous>, transform_indices = @transform_10, window_bounds = array<i64: 1, 128>}, {pipeline_mode = #tpu.pipeline_mode<synchronous>, transform_indices = @transform_11, window_bounds = array<i64: 128, 256>}, {pipeline_mode = #tpu.pipeline_mode<synchronous>, transform_indices = @transform_12, window_bounds = array<i64: 1, 256>}, {pipeline_mode = #tpu.pipeline_mode<synchronous>, transform_indices = @transform_13, window_bounds = array<i64: 128, 128>}, {pipeline_mode = #tpu.pipeline_mode<synchronous>, transform_indices = @transform_14, window_bounds = array<i64: 1, 128>}, {pipeline_mode = #tpu.pipeline_mode<synchronous>, transform_indices = @transform_15, window_bounds = array<i64: 64, 128>}, {pipeline_mode = #tpu.pipeline_mode<synchronous>, transform_indices = @transform_16, window_bounds = array<i64: 1, 128>}, {pipeline_mode = #tpu.pipeline_mode<synchronous>, transform_indices = @transform_17, window_bounds = array<i64: 64, 128>}, {pipeline_mode = #tpu.pipeline_mode<synchronous>, transform_indices = @transform_18, window_bounds = array<i64: 1, 128>}, {pipeline_mode = #tpu.pipeline_mode<synchronous>, transform_indices = @transform_19, window_bounds = array<i64: 128, 4>}, {pipeline_mode = #tpu.pipeline_mode<synchronous>, transform_indices = @transform_20, window_bounds = array<i64: 128, 128>}, {pipeline_mode = #tpu.pipeline_mode<synchronous>, transform_indices = @transform_21, window_bounds = array<i64: 1, 128>}, {transform_indices = @transform_22, window_bounds = array<i64: 256, 128>}]} {
    %get3A = arith.constant 0 : index
    %get3A_0 = arith.constant 0 : index
    %get3A_1 = vector.load %arg2[%get3A, %get3A_0] : memref<256x128xf32, #tpu.memory_space<vmem>>, vector<256x128xf32>
    %reduce_sum3A = arith.constant dense<0.000000e+00> : vector<256xf32>
    %reduce_sum3A_2 = vector.multi_reduction <add>, %get3A_1, %reduce_sum3A [1] : vector<256x128xf32> to vector<256xf32>
    %broadcast_in_dim3A = vector.shape_cast %reduce_sum3A_2 : vector<256xf32> to vector<256x1xf32>
    %div3A = arith.constant 1.280000e+02 : f32
    %div3A_3 = vector.broadcast %div3A : f32 to vector<256x1xf32>
    %div3A_4 = arith.divf %broadcast_in_dim3A, %div3A_3 : vector<256x1xf32>
    %sub3A = vector.broadcast %div3A_4 : vector<256x1xf32> to vector<256x128xf32>
    %sub3A_5 = arith.subf %get3A_1, %sub3A : vector<256x128xf32>
    %mul3A = arith.mulf %sub3A_5, %sub3A_5 : vector<256x128xf32>
    %reduce_sum3A_6 = arith.constant dense<0.000000e+00> : vector<256xf32>
    %reduce_sum3A_7 = vector.multi_reduction <add>, %mul3A, %reduce_sum3A_6 [1] : vector<256x128xf32> to vector<256xf32>
    %broadcast_in_dim3A_8 = vector.shape_cast %reduce_sum3A_7 : vector<256xf32> to vector<256x1xf32>
    %div3A_9 = arith.constant 1.280000e+02 : f32
    %div3A_10 = vector.broadcast %div3A_9 : f32 to vector<256x1xf32>
    %div3A_11 = arith.divf %broadcast_in_dim3A_8, %div3A_10 : vector<256x1xf32>
    %add3A = arith.constant 9.99999974E-6 : f32
    %add3A_12 = vector.broadcast %add3A : f32 to vector<256x1xf32>
    %add3A_13 = arith.addf %div3A_11, %add3A_12 : vector<256x1xf32>
    %sqrt3A = math.sqrt %add3A_13 : vector<256x1xf32>
    %div3A_14 = vector.broadcast %sqrt3A : vector<256x1xf32> to vector<256x128xf32>
    %div3A_15 = arith.divf %sub3A_5, %div3A_14 : vector<256x128xf32>
    %get3A_16 = arith.constant 0 : index
    %get3A_17 = arith.constant 0 : index
    %get3A_18 = vector.load %arg8[%get3A_16, %get3A_17] : memref<1x128xf32, #tpu.memory_space<vmem>>, vector<1x128xf32>
    %mul3A_19 = vector.broadcast %get3A_18 : vector<1x128xf32> to vector<256x128xf32>
    %mul3A_20 = arith.mulf %div3A_15, %mul3A_19 : vector<256x128xf32>
    %get3A_21 = arith.constant 0 : index
    %get3A_22 = arith.constant 0 : index
    %get3A_23 = vector.load %arg9[%get3A_21, %get3A_22] : memref<1x128xf32, #tpu.memory_space<vmem>>, vector<1x128xf32>
    %add3A_24 = vector.broadcast %get3A_23 : vector<1x128xf32> to vector<256x128xf32>
    %add3A_25 = arith.addf %mul3A_20, %add3A_24 : vector<256x128xf32>
    %get3A_26 = arith.constant 0 : index
    %get3A_27 = arith.constant 0 : index
    %get3A_28 = vector.load %arg10[%get3A_26, %get3A_27] : memref<128x128xf32, #tpu.memory_space<vmem>>, vector<128x128xf32>
    %dot_general3A = arith.constant dense<0.000000e+00> : vector<256x128xf32>
    %dot_general3A_29 = tpu.matmul %add3A_25, %get3A_28, %dot_general3A {dimension_numbers = #tpu.dot_dimension_numbers<[1], [0], [0], [1], [0, 0, 1, 1], [], []>, transpose_lhs_hint = false} : vector<256x128xf32>, vector<128x128xf32>, vector<256x128xf32> -> vector<256x128xf32>
    %get3A_30 = arith.constant 0 : index
    %get3A_31 = arith.constant 0 : index
    %get3A_32 = vector.load %arg11[%get3A_30, %get3A_31] : memref<1x128xf32, #tpu.memory_space<vmem>>, vector<1x128xf32>
    %add3A_33 = vector.broadcast %get3A_32 : vector<1x128xf32> to vector<256x128xf32>
    %add3A_34 = arith.addf %dot_general3A_29, %add3A_33 : vector<256x128xf32>
    %get3A_35 = arith.constant 0 : index
    %get3A_36 = arith.constant 0 : index
    %get3A_37 = vector.load %arg12[%get3A_35, %get3A_36] : memref<128x256xf32, #tpu.memory_space<vmem>>, vector<128x256xf32>
    %dot_general3A_38 = arith.constant dense<0.000000e+00> : vector<256x256xf32>
    %dot_general3A_39 = tpu.matmul %add3A_25, %get3A_37, %dot_general3A_38 {dimension_numbers = #tpu.dot_dimension_numbers<[1], [0], [0], [1], [0, 0, 1, 1], [], []>, transpose_lhs_hint = false} : vector<256x128xf32>, vector<128x256xf32>, vector<256x256xf32> -> vector<256x256xf32>
    %get3A_40 = arith.constant 0 : index
    %get3A_41 = arith.constant 0 : index
    %get3A_42 = vector.load %arg13[%get3A_40, %get3A_41] : memref<1x256xf32, #tpu.memory_space<vmem>>, vector<1x256xf32>
    %add3A_43 = vector.broadcast %get3A_42 : vector<1x256xf32> to vector<256x256xf32>
    %add3A_44 = arith.addf %dot_general3A_39, %add3A_43 : vector<256x256xf32>
    %slice3A = vector.extract_strided_slice %add3A_44 {offsets = [0, 0], sizes = [256, 128], strides = [1, 1]} : vector<256x256xf32> to vector<256x128xf32>
    %slice3A_45 = vector.extract_strided_slice %add3A_44 {offsets = [0, 128], sizes = [256, 128], strides = [1, 1]} : vector<256x256xf32> to vector<256x128xf32>
    %get3A_46 = arith.constant 0 : index
    %get3A_47 = arith.constant 0 : index
    %get3A_48 = vector.load %arg14[%get3A_46, %get3A_47] : memref<128x128xf32, #tpu.memory_space<vmem>>, vector<128x128xf32>
    %dot_general3A_49 = arith.constant dense<0.000000e+00> : vector<256x128xf32>
    %dot_general3A_50 = tpu.matmul %add3A_25, %get3A_48, %dot_general3A_49 {dimension_numbers = #tpu.dot_dimension_numbers<[1], [0], [0], [1], [0, 0, 1, 1], [], []>, transpose_lhs_hint = false} : vector<256x128xf32>, vector<128x128xf32>, vector<256x128xf32> -> vector<256x128xf32>
    %get3A_51 = arith.constant 0 : index
    %get3A_52 = arith.constant 0 : index
    %get3A_53 = vector.load %arg15[%get3A_51, %get3A_52] : memref<1x128xf32, #tpu.memory_space<vmem>>, vector<1x128xf32>
    %add3A_54 = vector.broadcast %get3A_53 : vector<1x128xf32> to vector<256x128xf32>
    %add3A_55 = arith.addf %dot_general3A_50, %add3A_54 : vector<256x128xf32>
    %logistic3A = arith.negf %add3A_55 : vector<256x128xf32>
    %logistic3A_56 = math.exp %logistic3A : vector<256x128xf32>
    %logistic3A_57 = arith.constant 1.000000e+00 : f32
    %logistic3A_58 = vector.broadcast %logistic3A_57 : f32 to vector<256x128xf32>
    %logistic3A_59 = arith.addf %logistic3A_58, %logistic3A_56 : vector<256x128xf32>
    %logistic3A_60 = arith.divf %logistic3A_58, %logistic3A_59 : vector<256x128xf32>
    %get3A_61 = arith.constant 0 : index
    %get3A_62 = arith.constant 0 : index
    %get3A_63 = vector.load %arg1[%get3A_61, %get3A_62] : memref<256x128xf32, #tpu.memory_space<vmem>>, vector<256x128xf32>
    %slice3A_64 = vector.extract_strided_slice %get3A_63 {offsets = [0, 0], sizes = [256, 1], strides = [1, 1]} : vector<256x128xf32> to vector<256x1xf32>
    %slice3A_65 = vector.extract_strided_slice %get3A_63 {offsets = [0, 1], sizes = [256, 1], strides = [1, 1]} : vector<256x128xf32> to vector<256x1xf32>
    %slice3A_66 = vector.extract_strided_slice %get3A_63 {offsets = [0, 2], sizes = [256, 1], strides = [1, 1]} : vector<256x128xf32> to vector<256x1xf32>
    %reshape3A = vector.shape_cast %slice3A_64 : vector<256x1xf32> to vector<16x16xf32>
    %broadcast_in_dim3A_67 = vector.shape_cast %reshape3A : vector<16x16xf32> to vector<16x1x16xf32>
    %broadcast_in_dim3A_68 = vector.shape_cast %broadcast_in_dim3A_67 : vector<16x1x16xf32> to vector<16x1x16xf32>
    %broadcast_in_dim3A_69 = vector.broadcast %broadcast_in_dim3A_68 : vector<16x1x16xf32> to vector<16x16x16xf32>
    %reshape3A_70 = vector.shape_cast %broadcast_in_dim3A_69 : vector<16x16x16xf32> to vector<256x16xf32>
    %sub3A_71 = vector.broadcast %slice3A_64 : vector<256x1xf32> to vector<256x16xf32>
    %sub3A_72 = arith.subf %sub3A_71, %reshape3A_70 : vector<256x16xf32>
    %reshape3A_73 = vector.shape_cast %slice3A_65 : vector<256x1xf32> to vector<16x16xf32>
    %broadcast_in_dim3A_74 = vector.shape_cast %reshape3A_73 : vector<16x16xf32> to vector<16x1x16xf32>
    %broadcast_in_dim3A_75 = vector.shape_cast %broadcast_in_dim3A_74 : vector<16x1x16xf32> to vector<16x1x16xf32>
    %broadcast_in_dim3A_76 = vector.broadcast %broadcast_in_dim3A_75 : vector<16x1x16xf32> to vector<16x16x16xf32>
    %reshape3A_77 = vector.shape_cast %broadcast_in_dim3A_76 : vector<16x16x16xf32> to vector<256x16xf32>
    %sub3A_78 = vector.broadcast %slice3A_65 : vector<256x1xf32> to vector<256x16xf32>
    %sub3A_79 = arith.subf %sub3A_78, %reshape3A_77 : vector<256x16xf32>
    %reshape3A_80 = vector.shape_cast %slice3A_66 : vector<256x1xf32> to vector<16x16xf32>
    %broadcast_in_dim3A_81 = vector.shape_cast %reshape3A_80 : vector<16x16xf32> to vector<16x1x16xf32>
    %broadcast_in_dim3A_82 = vector.shape_cast %broadcast_in_dim3A_81 : vector<16x1x16xf32> to vector<16x1x16xf32>
    %broadcast_in_dim3A_83 = vector.broadcast %broadcast_in_dim3A_82 : vector<16x1x16xf32> to vector<16x16x16xf32>
    %reshape3A_84 = vector.shape_cast %broadcast_in_dim3A_83 : vector<16x16x16xf32> to vector<256x16xf32>
    %sub3A_85 = vector.broadcast %slice3A_66 : vector<256x1xf32> to vector<256x16xf32>
    %sub3A_86 = arith.subf %sub3A_85, %reshape3A_84 : vector<256x16xf32>
    %mul3A_87 = arith.mulf %sub3A_72, %sub3A_72 : vector<256x16xf32>
    %mul3A_88 = arith.mulf %sub3A_79, %sub3A_79 : vector<256x16xf32>
    %add3A_89 = arith.addf %mul3A_87, %mul3A_88 : vector<256x16xf32>
    %mul3A_90 = arith.mulf %sub3A_86, %sub3A_86 : vector<256x16xf32>
    %add3A_91 = arith.addf %add3A_89, %mul3A_90 : vector<256x16xf32>
    %iota3A = tpu.iota {dimensions = array<i32: 0>} : vector<256x16xi32>
    %jit3A = arith.constant 16 : i32
    %eq3A = arith.constant 0 : i32
    %eq3A_92 = arith.cmpi eq, %jit3A, %eq3A : i32
    %jit3A_93 = arith.constant 1 : i32
    %select_n3A = arith.select %eq3A_92, %jit3A_93, %jit3A : i32
    %rem3A = vector.broadcast %select_n3A : i32 to vector<256x16xi32>
    %rem3A_94 = arith.remsi %iota3A, %rem3A : vector<256x16xi32>
    %ne3A = arith.constant 0 : i32
    %ne3A_95 = vector.broadcast %ne3A : i32 to vector<256x16xi32>
    %ne3A_96 = arith.cmpi ne, %rem3A_94, %ne3A_95 : vector<256x16xi32>
    %lt3A = arith.constant 0 : i32
    %lt3A_97 = vector.broadcast %lt3A : i32 to vector<256x16xi32>
    %lt3A_98 = arith.cmpi slt, %rem3A_94, %lt3A_97 : vector<256x16xi32>
    %lt3A_99 = arith.constant 0 : i32
    %lt3A_100 = arith.cmpi slt, %select_n3A, %lt3A_99 : i32
    %ne3A_101 = vector.broadcast %lt3A_100 : i1 to vector<256x16xi1>
    %ne3A_102 = vector.broadcast %ne3A_101 : vector<256x16xi1> to vector<256x16xi1>
    %ne3A_103 = arith.xori %lt3A_98, %ne3A_102 : vector<256x16xi1>
    %and3A = arith.andi %ne3A_103, %ne3A_96 : vector<256x16xi1>
    %add3A_104 = vector.broadcast %select_n3A : i32 to vector<256x16xi32>
    %add3A_105 = arith.addi %rem3A_94, %add3A_104 : vector<256x16xi32>
    %select_n3A_106 = arith.select %and3A, %add3A_105, %rem3A_94 : vector<256x16xi1>, vector<256x16xi32>
    %iota3A_107 = tpu.iota {dimensions = array<i32: 1>} : vector<256x16xi32>
    %eq3A_108 = arith.cmpi eq, %select_n3A_106, %iota3A_107 : vector<256x16xi32>
    %jit3A_109 = arith.constant 0x7F800000 : f32
    %broadcast_in_dim3A_110 = vector.broadcast %jit3A_109 : f32 to vector<256x16xf32>
    %select_n3A_111 = arith.select %eq3A_108, %broadcast_in_dim3A_110, %add3A_91 : vector<256x16xi1>, vector<256x16xf32>
    %broadcast_in_dim3A_112 = vector.shape_cast %select_n3A_111 : vector<256x16xf32> to vector<256x1x16xf32>
    %broadcast_in_dim3A_113 = vector.shape_cast %select_n3A_111 : vector<256x16xf32> to vector<256x16x1xf32>
    %iota3A_114 = tpu.iota {dimensions = array<i32: 1>} : vector<1x16x16xi32>
    %iota3A_115 = tpu.iota {dimensions = array<i32: 2>} : vector<1x16x16xi32>
    %lt3A_116 = vector.broadcast %broadcast_in_dim3A_113 : vector<256x16x1xf32> to vector<256x16x16xf32>
    %lt3A_117 = vector.broadcast %broadcast_in_dim3A_112 : vector<256x1x16xf32> to vector<256x16x16xf32>
    %lt3A_118 = arith.cmpf olt, %lt3A_116, %lt3A_117 : vector<256x16x16xf32>
    %eq3A_119 = vector.broadcast %broadcast_in_dim3A_113 : vector<256x16x1xf32> to vector<256x16x16xf32>
    %eq3A_120 = vector.broadcast %broadcast_in_dim3A_112 : vector<256x1x16xf32> to vector<256x16x16xf32>
    %eq3A_121 = arith.cmpf oeq, %eq3A_119, %eq3A_120 : vector<256x16x16xf32>
    %lt3A_122 = arith.cmpi slt, %iota3A_114, %iota3A_115 : vector<1x16x16xi32>
    %and3A_123 = vector.broadcast %lt3A_122 : vector<1x16x16xi1> to vector<256x16x16xi1>
    %and3A_124 = arith.andi %eq3A_121, %and3A_123 : vector<256x16x16xi1>
    %or3A = arith.ori %lt3A_118, %and3A_124 : vector<256x16x16xi1>
    %convert_element_type3A = arith.extui %or3A : vector<256x16x16xi1> to vector<256x16x16xi32>
    %convert_element_type3A_125 = arith.sitofp %convert_element_type3A : vector<256x16x16xi32> to vector<256x16x16xf32>
    %reduce_sum3A_126 = arith.constant dense<0.000000e+00> : vector<256x16xf32>
    %reduce_sum3A_127 = vector.multi_reduction <add>, %convert_element_type3A_125, %reduce_sum3A_126 [1] : vector<256x16x16xf32> to vector<256x16xf32>
    %tile3A = tpu.concatenate %reduce_sum3A_127, %reduce_sum3A_127, %reduce_sum3A_127, %reduce_sum3A_127, %reduce_sum3A_127, %reduce_sum3A_127, %reduce_sum3A_127, %reduce_sum3A_127, %reduce_sum3A_127, %reduce_sum3A_127, %reduce_sum3A_127, %reduce_sum3A_127, %reduce_sum3A_127, %reduce_sum3A_127, %reduce_sum3A_127, %reduce_sum3A_127 in 1 : vector<256x16xf32>, vector<256x16xf32>, vector<256x16xf32>, vector<256x16xf32>, vector<256x16xf32>, vector<256x16xf32>, vector<256x16xf32>, vector<256x16xf32>, vector<256x16xf32>, vector<256x16xf32>, vector<256x16xf32>, vector<256x16xf32>, vector<256x16xf32>, vector<256x16xf32>, vector<256x16xf32>, vector<256x16xf32> -> vector<256x256xf32>
    %lt3A_128 = arith.constant 8.000000e+00 : f32
    %lt3A_129 = vector.broadcast %lt3A_128 : f32 to vector<256x256xf32>
    %lt3A_130 = arith.cmpf olt, %tile3A, %lt3A_129 : vector<256x256xf32>
    %slice3A_131 = vector.extract_strided_slice %get3A_63 {offsets = [0, 0], sizes = [256, 24], strides = [1, 1]} : vector<256x128xf32> to vector<256x24xf32>
    %get3A_132 = arith.constant 0 : index
    %get3A_133 = arith.constant 0 : index
    %get3A_134 = vector.load %arg6[%get3A_132, %get3A_133] : memref<24x67xf32, #tpu.memory_space<vmem>>, vector<24x67xf32>
    %dot_general3A_135 = arith.constant dense<0.000000e+00> : vector<256x67xf32>
    %dot_general3A_136 = tpu.matmul %slice3A_131, %get3A_134, %dot_general3A_135 {dimension_numbers = #tpu.dot_dimension_numbers<[1], [0], [0], [1], [0, 0, 1, 1], [], []>, transpose_lhs_hint = false} : vector<256x24xf32>, vector<24x67xf32>, vector<256x67xf32> -> vector<256x67xf32>
    %get3A_137 = arith.constant 0 : index
    %get3A_138 = arith.constant 0 : index
    %get3A_139 = vector.load %arg7[%get3A_137, %get3A_138] : memref<24x67xf32, #tpu.memory_space<vmem>>, vector<24x67xf32>
    %dot_general3A_140 = arith.constant dense<0.000000e+00> : vector<256x67xf32>
    %dot_general3A_141 = tpu.matmul %slice3A_131, %get3A_139, %dot_general3A_140 {dimension_numbers = #tpu.dot_dimension_numbers<[1], [0], [0], [1], [0, 0, 1, 1], [], []>, transpose_lhs_hint = false} : vector<256x24xf32>, vector<24x67xf32>, vector<256x67xf32> -> vector<256x67xf32>
    %get3A_142 = arith.constant 0 : index
    %get3A_143 = arith.constant 0 : index
    %get3A_144 = vector.load %arg3[%get3A_142, %get3A_143] : memref<4096x256xf32, #tpu.memory_space<vmem>>, vector<4096x256xf32>
    %dot_general3A_145 = arith.constant dense<0.000000e+00> : vector<4096x67xf32>
    %dot_general3A_146 = tpu.matmul %get3A_144, %dot_general3A_136, %dot_general3A_145 {dimension_numbers = #tpu.dot_dimension_numbers<[1], [0], [0], [1], [0, 0, 1, 1], [], []>, transpose_lhs_hint = false} : vector<4096x256xf32>, vector<256x67xf32>, vector<4096x67xf32> -> vector<4096x67xf32>
    %get3A_147 = arith.constant 0 : index
    %get3A_148 = arith.constant 0 : index
    %get3A_149 = vector.load %arg4[%get3A_147, %get3A_148] : memref<4096x256xf32, #tpu.memory_space<vmem>>, vector<4096x256xf32>
    %dot_general3A_150 = arith.constant dense<0.000000e+00> : vector<4096x67xf32>
    %dot_general3A_151 = tpu.matmul %get3A_149, %dot_general3A_141, %dot_general3A_150 {dimension_numbers = #tpu.dot_dimension_numbers<[1], [0], [0], [1], [0, 0, 1, 1], [], []>, transpose_lhs_hint = false} : vector<4096x256xf32>, vector<256x67xf32>, vector<4096x67xf32> -> vector<4096x67xf32>
    %slice3A_152 = vector.extract_strided_slice %dot_general3A_146 {offsets = [0, 0], sizes = [4096, 64], strides = [1, 1]} : vector<4096x67xf32> to vector<4096x64xf32>
    %slice3A_153 = vector.extract_strided_slice %dot_general3A_151 {offsets = [0, 0], sizes = [4096, 64], strides = [1, 1]} : vector<4096x67xf32> to vector<4096x64xf32>
    %mul3A_154 = arith.mulf %slice3A_152, %slice3A_153 : vector<4096x64xf32>
    %get3A_155 = arith.constant 0 : index
    %get3A_156 = arith.constant 0 : index
    %get3A_157 = vector.load %arg16[%get3A_155, %get3A_156] : memref<64x128xf32, #tpu.memory_space<vmem>>, vector<64x128xf32>
    %dot_general3A_158 = arith.constant dense<0.000000e+00> : vector<4096x128xf32>
    %dot_general3A_159 = tpu.matmul %mul3A_154, %get3A_157, %dot_general3A_158 {dimension_numbers = #tpu.dot_dimension_numbers<[1], [0], [0], [1], [0, 0, 1, 1], [], []>, transpose_lhs_hint = false} : vector<4096x64xf32>, vector<64x128xf32>, vector<4096x128xf32> -> vector<4096x128xf32>
    %get3A_160 = arith.constant 0 : index
    %get3A_161 = arith.constant 0 : index
    %get3A_162 = vector.load %arg17[%get3A_160, %get3A_161] : memref<1x128xf32, #tpu.memory_space<vmem>>, vector<1x128xf32>
    %add3A_163 = vector.broadcast %get3A_162 : vector<1x128xf32> to vector<4096x128xf32>
    %add3A_164 = arith.addf %dot_general3A_159, %add3A_163 : vector<4096x128xf32>
    %slice3A_165 = vector.extract_strided_slice %dot_general3A_146 {offsets = [0, 64], sizes = [4096, 3], strides = [1, 1]} : vector<4096x67xf32> to vector<4096x3xf32>
    %slice3A_166 = vector.extract_strided_slice %dot_general3A_151 {offsets = [0, 64], sizes = [4096, 3], strides = [1, 1]} : vector<4096x67xf32> to vector<4096x3xf32>
    %sub3A_167 = arith.subf %slice3A_165, %slice3A_166 : vector<4096x3xf32>
    %mul3A_168 = arith.mulf %sub3A_167, %sub3A_167 : vector<4096x3xf32>
    %slice3A_169 = vector.extract_strided_slice %mul3A_168 {offsets = [0, 0], sizes = [4096, 1], strides = [1, 1]} : vector<4096x3xf32> to vector<4096x1xf32>
    %slice3A_170 = vector.extract_strided_slice %mul3A_168 {offsets = [0, 1], sizes = [4096, 1], strides = [1, 1]} : vector<4096x3xf32> to vector<4096x1xf32>
    %add3A_171 = arith.addf %slice3A_169, %slice3A_170 : vector<4096x1xf32>
    %slice3A_172 = vector.extract_strided_slice %mul3A_168 {offsets = [0, 2], sizes = [4096, 1], strides = [1, 1]} : vector<4096x3xf32> to vector<4096x1xf32>
    %add3A_173 = arith.addf %add3A_171, %slice3A_172 : vector<4096x1xf32>
    %sqrt3A_174 = math.sqrt %add3A_173 : vector<4096x1xf32>
    %iota3A_175 = tpu.iota {dimensions = array<i32: 1>} : vector<1x64xi32>
    %convert_element_type3A_176 = arith.sitofp %iota3A_175 : vector<1x64xi32> to vector<1x64xf32>
    %mul3A_177 = arith.constant 0.317460328 : f32
    %mul3A_178 = vector.broadcast %mul3A_177 : f32 to vector<1x64xf32>
    %mul3A_179 = arith.mulf %convert_element_type3A_176, %mul3A_178 : vector<1x64xf32>
    %sub3A_180 = vector.broadcast %sqrt3A_174 : vector<4096x1xf32> to vector<4096x64xf32>
    %sub3A_181 = vector.broadcast %mul3A_179 : vector<1x64xf32> to vector<4096x64xf32>
    %sub3A_182 = arith.subf %sub3A_180, %sub3A_181 : vector<4096x64xf32>
    %div3A_183 = arith.constant 3.125000e-01 : f32
    %div3A_184 = vector.broadcast %div3A_183 : f32 to vector<4096x64xf32>
    %div3A_185 = arith.divf %sub3A_182, %div3A_184 : vector<4096x64xf32>
    %integer_pow3A = arith.mulf %div3A_185, %div3A_185 : vector<4096x64xf32>
    %neg3A = arith.constant 0.000000e+00 : f32
    %neg3A_186 = vector.broadcast %neg3A : f32 to vector<4096x64xf32>
    %neg3A_187 = arith.subf %neg3A_186, %integer_pow3A : vector<4096x64xf32>
    %exp3A = math.exp %neg3A_187 : vector<4096x64xf32>
    %get3A_188 = arith.constant 0 : index
    %get3A_189 = arith.constant 0 : index
    %get3A_190 = vector.load %arg18[%get3A_188, %get3A_189] : memref<64x128xf32, #tpu.memory_space<vmem>>, vector<64x128xf32>
    %dot_general3A_191 = arith.constant dense<0.000000e+00> : vector<4096x128xf32>
    %dot_general3A_192 = tpu.matmul %exp3A, %get3A_190, %dot_general3A_191 {dimension_numbers = #tpu.dot_dimension_numbers<[1], [0], [0], [1], [0, 0, 1, 1], [], []>, transpose_lhs_hint = false} : vector<4096x64xf32>, vector<64x128xf32>, vector<4096x128xf32> -> vector<4096x128xf32>
    %get3A_193 = arith.constant 0 : index
    %get3A_194 = arith.constant 0 : index
    %get3A_195 = vector.load %arg19[%get3A_193, %get3A_194] : memref<1x128xf32, #tpu.memory_space<vmem>>, vector<1x128xf32>
    %add3A_196 = vector.broadcast %get3A_195 : vector<1x128xf32> to vector<4096x128xf32>
    %add3A_197 = arith.addf %dot_general3A_192, %add3A_196 : vector<4096x128xf32>
    %logistic3A_198 = arith.negf %add3A_164 : vector<4096x128xf32>
    %logistic3A_199 = math.exp %logistic3A_198 : vector<4096x128xf32>
    %logistic3A_200 = arith.constant 1.000000e+00 : f32
    %logistic3A_201 = vector.broadcast %logistic3A_200 : f32 to vector<4096x128xf32>
    %logistic3A_202 = arith.addf %logistic3A_201, %logistic3A_199 : vector<4096x128xf32>
    %logistic3A_203 = arith.divf %logistic3A_201, %logistic3A_202 : vector<4096x128xf32>
    %mul3A_204 = arith.mulf %logistic3A_203, %add3A_197 : vector<4096x128xf32>
    %get3A_205 = arith.constant 0 : index
    %get3A_206 = arith.constant 0 : index
    %get3A_207 = vector.load %arg20[%get3A_205, %get3A_206] : memref<128x4xf32, #tpu.memory_space<vmem>>, vector<128x4xf32>
    %dot_general3A_208 = arith.constant dense<0.000000e+00> : vector<4096x4xf32>
    %dot_general3A_209 = tpu.matmul %mul3A_204, %get3A_207, %dot_general3A_208 {dimension_numbers = #tpu.dot_dimension_numbers<[1], [0], [0], [1], [0, 0, 1, 1], [], []>, transpose_lhs_hint = false} : vector<4096x128xf32>, vector<128x4xf32>, vector<4096x4xf32> -> vector<4096x4xf32>
    %reshape3A_210 = vector.shape_cast %dot_general3A_209 : vector<4096x4xf32> to vector<256x16x4xf32>
    %transpose3A = tpu.transpose %reshape3A_210, [0, 2, 1] : vector<256x16x4xf32> -> vector<256x4x16xf32>
    %reshape3A_211 = vector.shape_cast %transpose3A : vector<256x4x16xf32> to vector<256x64xf32>
    %get3A_212 = arith.constant 0 : index
    %get3A_213 = arith.constant 0 : index
    %get3A_214 = vector.load %arg5[%get3A_212, %get3A_213] : memref<256x256xf32, #tpu.memory_space<vmem>>, vector<256x256xf32>
    %slice3A_215 = vector.extract_strided_slice %add3A_34 {offsets = [0, 0], sizes = [256, 32], strides = [1, 1]} : vector<256x128xf32> to vector<256x32xf32>
    %slice3A_216 = vector.extract_strided_slice %slice3A {offsets = [0, 0], sizes = [256, 32], strides = [1, 1]} : vector<256x128xf32> to vector<256x32xf32>
    %slice3A_217 = vector.extract_strided_slice %slice3A_45 {offsets = [0, 0], sizes = [256, 32], strides = [1, 1]} : vector<256x128xf32> to vector<256x32xf32>
    %dot_general3A_218 = arith.constant dense<0.000000e+00> : vector<256x256xf32>
    %dot_general3A_219 = tpu.matmul %slice3A_215, %slice3A_216, %dot_general3A_218 {dimension_numbers = #tpu.dot_dimension_numbers<[1], [1], [0], [0], [0, 0, 1, 0], [], []>, transpose_lhs_hint = false} : vector<256x32xf32>, vector<256x32xf32>, vector<256x256xf32> -> vector<256x256xf32>
    %slice3A_220 = vector.extract_strided_slice %reshape3A_211 {offsets = [0, 0], sizes = [256, 16], strides = [1, 1]} : vector<256x64xf32> to vector<256x16xf32>
    %tile3A_221 = tpu.concatenate %slice3A_220, %slice3A_220, %slice3A_220, %slice3A_220, %slice3A_220, %slice3A_220, %slice3A_220, %slice3A_220, %slice3A_220, %slice3A_220, %slice3A_220, %slice3A_220, %slice3A_220, %slice3A_220, %slice3A_220, %slice3A_220 in 1 : vector<256x16xf32>, vector<256x16xf32>, vector<256x16xf32>, vector<256x16xf32>, vector<256x16xf32>, vector<256x16xf32>, vector<256x16xf32>, vector<256x16xf32>, vector<256x16xf32>, vector<256x16xf32>, vector<256x16xf32>, vector<256x16xf32>, vector<256x16xf32>, vector<256x16xf32>, vector<256x16xf32>, vector<256x16xf32> -> vector<256x256xf32>
    %add3A_222 = arith.addf %dot_general3A_219, %tile3A_221 : vector<256x256xf32>
    %add3A_223 = arith.addf %add3A_222, %get3A_214 : vector<256x256xf32>
    %jit3A_224 = arith.constant 0xFF800000 : f32
    %broadcast_in_dim3A_225 = vector.broadcast %jit3A_224 : f32 to vector<256x256xf32>
    %select_n3A_226 = arith.select %lt3A_130, %add3A_223, %broadcast_in_dim3A_225 : vector<256x256xi1>, vector<256x256xf32>
    %reduce_max3A = arith.constant dense<0xFF800000> : vector<256xf32>
    %reduce_max3A_227 = vector.multi_reduction <maximumf>, %select_n3A_226, %reduce_max3A [1] : vector<256x256xf32> to vector<256xf32>
    %broadcast_in_dim3A_228 = vector.shape_cast %reduce_max3A_227 : vector<256xf32> to vector<256x1xf32>
    %sub3A_229 = vector.broadcast %broadcast_in_dim3A_228 : vector<256x1xf32> to vector<256x256xf32>
    %sub3A_230 = arith.subf %select_n3A_226, %sub3A_229 : vector<256x256xf32>
    %exp3A_231 = math.exp %sub3A_230 : vector<256x256xf32>
    %reduce_sum3A_232 = arith.constant dense<0.000000e+00> : vector<256xf32>
    %reduce_sum3A_233 = vector.multi_reduction <add>, %exp3A_231, %reduce_sum3A_232 [1] : vector<256x256xf32> to vector<256xf32>
    %broadcast_in_dim3A_234 = vector.shape_cast %reduce_sum3A_233 : vector<256xf32> to vector<256x1xf32>
    %add3A_235 = arith.constant 1.000000e-16 : f32
    %add3A_236 = vector.broadcast %add3A_235 : f32 to vector<256x1xf32>
    %add3A_237 = arith.addf %broadcast_in_dim3A_234, %add3A_236 : vector<256x1xf32>
    %div3A_238 = vector.broadcast %add3A_237 : vector<256x1xf32> to vector<256x256xf32>
    %div3A_239 = arith.divf %exp3A_231, %div3A_238 : vector<256x256xf32>
    %dot_general3A_240 = arith.constant dense<0.000000e+00> : vector<256x32xf32>
    %dot_general3A_241 = tpu.matmul %div3A_239, %slice3A_217, %dot_general3A_240 {dimension_numbers = #tpu.dot_dimension_numbers<[1], [0], [0], [1], [0, 0, 1, 1], [], []>, transpose_lhs_hint = false} : vector<256x256xf32>, vector<256x32xf32>, vector<256x32xf32> -> vector<256x32xf32>
    %slice3A_242 = vector.extract_strided_slice %add3A_34 {offsets = [0, 32], sizes = [256, 32], strides = [1, 1]} : vector<256x128xf32> to vector<256x32xf32>
    %slice3A_243 = vector.extract_strided_slice %slice3A {offsets = [0, 32], sizes = [256, 32], strides = [1, 1]} : vector<256x128xf32> to vector<256x32xf32>
    %slice3A_244 = vector.extract_strided_slice %slice3A_45 {offsets = [0, 32], sizes = [256, 32], strides = [1, 1]} : vector<256x128xf32> to vector<256x32xf32>
    %dot_general3A_245 = arith.constant dense<0.000000e+00> : vector<256x256xf32>
    %dot_general3A_246 = tpu.matmul %slice3A_242, %slice3A_243, %dot_general3A_245 {dimension_numbers = #tpu.dot_dimension_numbers<[1], [1], [0], [0], [0, 0, 1, 0], [], []>, transpose_lhs_hint = false} : vector<256x32xf32>, vector<256x32xf32>, vector<256x256xf32> -> vector<256x256xf32>
    %slice3A_247 = vector.extract_strided_slice %reshape3A_211 {offsets = [0, 16], sizes = [256, 16], strides = [1, 1]} : vector<256x64xf32> to vector<256x16xf32>
    %tile3A_248 = tpu.concatenate %slice3A_247, %slice3A_247, %slice3A_247, %slice3A_247, %slice3A_247, %slice3A_247, %slice3A_247, %slice3A_247, %slice3A_247, %slice3A_247, %slice3A_247, %slice3A_247, %slice3A_247, %slice3A_247, %slice3A_247, %slice3A_247 in 1 : vector<256x16xf32>, vector<256x16xf32>, vector<256x16xf32>, vector<256x16xf32>, vector<256x16xf32>, vector<256x16xf32>, vector<256x16xf32>, vector<256x16xf32>, vector<256x16xf32>, vector<256x16xf32>, vector<256x16xf32>, vector<256x16xf32>, vector<256x16xf32>, vector<256x16xf32>, vector<256x16xf32>, vector<256x16xf32> -> vector<256x256xf32>
    %add3A_249 = arith.addf %dot_general3A_246, %tile3A_248 : vector<256x256xf32>
    %add3A_250 = arith.addf %add3A_249, %get3A_214 : vector<256x256xf32>
    %jit3A_251 = arith.constant 0xFF800000 : f32
    %broadcast_in_dim3A_252 = vector.broadcast %jit3A_251 : f32 to vector<256x256xf32>
    %select_n3A_253 = arith.select %lt3A_130, %add3A_250, %broadcast_in_dim3A_252 : vector<256x256xi1>, vector<256x256xf32>
    %reduce_max3A_254 = arith.constant dense<0xFF800000> : vector<256xf32>
    %reduce_max3A_255 = vector.multi_reduction <maximumf>, %select_n3A_253, %reduce_max3A_254 [1] : vector<256x256xf32> to vector<256xf32>
    %broadcast_in_dim3A_256 = vector.shape_cast %reduce_max3A_255 : vector<256xf32> to vector<256x1xf32>
    %sub3A_257 = vector.broadcast %broadcast_in_dim3A_256 : vector<256x1xf32> to vector<256x256xf32>
    %sub3A_258 = arith.subf %select_n3A_253, %sub3A_257 : vector<256x256xf32>
    %exp3A_259 = math.exp %sub3A_258 : vector<256x256xf32>
    %reduce_sum3A_260 = arith.constant dense<0.000000e+00> : vector<256xf32>
    %reduce_sum3A_261 = vector.multi_reduction <add>, %exp3A_259, %reduce_sum3A_260 [1] : vector<256x256xf32> to vector<256xf32>
    %broadcast_in_dim3A_262 = vector.shape_cast %reduce_sum3A_261 : vector<256xf32> to vector<256x1xf32>
    %add3A_263 = arith.constant 1.000000e-16 : f32
    %add3A_264 = vector.broadcast %add3A_263 : f32 to vector<256x1xf32>
    %add3A_265 = arith.addf %broadcast_in_dim3A_262, %add3A_264 : vector<256x1xf32>
    %div3A_266 = vector.broadcast %add3A_265 : vector<256x1xf32> to vector<256x256xf32>
    %div3A_267 = arith.divf %exp3A_259, %div3A_266 : vector<256x256xf32>
    %dot_general3A_268 = arith.constant dense<0.000000e+00> : vector<256x32xf32>
    %dot_general3A_269 = tpu.matmul %div3A_267, %slice3A_244, %dot_general3A_268 {dimension_numbers = #tpu.dot_dimension_numbers<[1], [0], [0], [1], [0, 0, 1, 1], [], []>, transpose_lhs_hint = false} : vector<256x256xf32>, vector<256x32xf32>, vector<256x32xf32> -> vector<256x32xf32>
    %slice3A_270 = vector.extract_strided_slice %add3A_34 {offsets = [0, 64], sizes = [256, 32], strides = [1, 1]} : vector<256x128xf32> to vector<256x32xf32>
    %slice3A_271 = vector.extract_strided_slice %slice3A {offsets = [0, 64], sizes = [256, 32], strides = [1, 1]} : vector<256x128xf32> to vector<256x32xf32>
    %slice3A_272 = vector.extract_strided_slice %slice3A_45 {offsets = [0, 64], sizes = [256, 32], strides = [1, 1]} : vector<256x128xf32> to vector<256x32xf32>
    %dot_general3A_273 = arith.constant dense<0.000000e+00> : vector<256x256xf32>
    %dot_general3A_274 = tpu.matmul %slice3A_270, %slice3A_271, %dot_general3A_273 {dimension_numbers = #tpu.dot_dimension_numbers<[1], [1], [0], [0], [0, 0, 1, 0], [], []>, transpose_lhs_hint = false} : vector<256x32xf32>, vector<256x32xf32>, vector<256x256xf32> -> vector<256x256xf32>
    %slice3A_275 = vector.extract_strided_slice %reshape3A_211 {offsets = [0, 32], sizes = [256, 16], strides = [1, 1]} : vector<256x64xf32> to vector<256x16xf32>
    %tile3A_276 = tpu.concatenate %slice3A_275, %slice3A_275, %slice3A_275, %slice3A_275, %slice3A_275, %slice3A_275, %slice3A_275, %slice3A_275, %slice3A_275, %slice3A_275, %slice3A_275, %slice3A_275, %slice3A_275, %slice3A_275, %slice3A_275, %slice3A_275 in 1 : vector<256x16xf32>, vector<256x16xf32>, vector<256x16xf32>, vector<256x16xf32>, vector<256x16xf32>, vector<256x16xf32>, vector<256x16xf32>, vector<256x16xf32>, vector<256x16xf32>, vector<256x16xf32>, vector<256x16xf32>, vector<256x16xf32>, vector<256x16xf32>, vector<256x16xf32>, vector<256x16xf32>, vector<256x16xf32> -> vector<256x256xf32>
    %add3A_277 = arith.addf %dot_general3A_274, %tile3A_276 : vector<256x256xf32>
    %add3A_278 = arith.addf %add3A_277, %get3A_214 : vector<256x256xf32>
    %jit3A_279 = arith.constant 0xFF800000 : f32
    %broadcast_in_dim3A_280 = vector.broadcast %jit3A_279 : f32 to vector<256x256xf32>
    %select_n3A_281 = arith.select %lt3A_130, %add3A_278, %broadcast_in_dim3A_280 : vector<256x256xi1>, vector<256x256xf32>
    %reduce_max3A_282 = arith.constant dense<0xFF800000> : vector<256xf32>
    %reduce_max3A_283 = vector.multi_reduction <maximumf>, %select_n3A_281, %reduce_max3A_282 [1] : vector<256x256xf32> to vector<256xf32>
    %broadcast_in_dim3A_284 = vector.shape_cast %reduce_max3A_283 : vector<256xf32> to vector<256x1xf32>
    %sub3A_285 = vector.broadcast %broadcast_in_dim3A_284 : vector<256x1xf32> to vector<256x256xf32>
    %sub3A_286 = arith.subf %select_n3A_281, %sub3A_285 : vector<256x256xf32>
    %exp3A_287 = math.exp %sub3A_286 : vector<256x256xf32>
    %reduce_sum3A_288 = arith.constant dense<0.000000e+00> : vector<256xf32>
    %reduce_sum3A_289 = vector.multi_reduction <add>, %exp3A_287, %reduce_sum3A_288 [1] : vector<256x256xf32> to vector<256xf32>
    %broadcast_in_dim3A_290 = vector.shape_cast %reduce_sum3A_289 : vector<256xf32> to vector<256x1xf32>
    %add3A_291 = arith.constant 1.000000e-16 : f32
    %add3A_292 = vector.broadcast %add3A_291 : f32 to vector<256x1xf32>
    %add3A_293 = arith.addf %broadcast_in_dim3A_290, %add3A_292 : vector<256x1xf32>
    %div3A_294 = vector.broadcast %add3A_293 : vector<256x1xf32> to vector<256x256xf32>
    %div3A_295 = arith.divf %exp3A_287, %div3A_294 : vector<256x256xf32>
    %dot_general3A_296 = arith.constant dense<0.000000e+00> : vector<256x32xf32>
    %dot_general3A_297 = tpu.matmul %div3A_295, %slice3A_272, %dot_general3A_296 {dimension_numbers = #tpu.dot_dimension_numbers<[1], [0], [0], [1], [0, 0, 1, 1], [], []>, transpose_lhs_hint = false} : vector<256x256xf32>, vector<256x32xf32>, vector<256x32xf32> -> vector<256x32xf32>
    %slice3A_298 = vector.extract_strided_slice %add3A_34 {offsets = [0, 96], sizes = [256, 32], strides = [1, 1]} : vector<256x128xf32> to vector<256x32xf32>
    %slice3A_299 = vector.extract_strided_slice %slice3A {offsets = [0, 96], sizes = [256, 32], strides = [1, 1]} : vector<256x128xf32> to vector<256x32xf32>
    %slice3A_300 = vector.extract_strided_slice %slice3A_45 {offsets = [0, 96], sizes = [256, 32], strides = [1, 1]} : vector<256x128xf32> to vector<256x32xf32>
    %dot_general3A_301 = arith.constant dense<0.000000e+00> : vector<256x256xf32>
    %dot_general3A_302 = tpu.matmul %slice3A_298, %slice3A_299, %dot_general3A_301 {dimension_numbers = #tpu.dot_dimension_numbers<[1], [1], [0], [0], [0, 0, 1, 0], [], []>, transpose_lhs_hint = false} : vector<256x32xf32>, vector<256x32xf32>, vector<256x256xf32> -> vector<256x256xf32>
    %slice3A_303 = vector.extract_strided_slice %reshape3A_211 {offsets = [0, 48], sizes = [256, 16], strides = [1, 1]} : vector<256x64xf32> to vector<256x16xf32>
    %tile3A_304 = tpu.concatenate %slice3A_303, %slice3A_303, %slice3A_303, %slice3A_303, %slice3A_303, %slice3A_303, %slice3A_303, %slice3A_303, %slice3A_303, %slice3A_303, %slice3A_303, %slice3A_303, %slice3A_303, %slice3A_303, %slice3A_303, %slice3A_303 in 1 : vector<256x16xf32>, vector<256x16xf32>, vector<256x16xf32>, vector<256x16xf32>, vector<256x16xf32>, vector<256x16xf32>, vector<256x16xf32>, vector<256x16xf32>, vector<256x16xf32>, vector<256x16xf32>, vector<256x16xf32>, vector<256x16xf32>, vector<256x16xf32>, vector<256x16xf32>, vector<256x16xf32>, vector<256x16xf32> -> vector<256x256xf32>
    %add3A_305 = arith.addf %dot_general3A_302, %tile3A_304 : vector<256x256xf32>
    %add3A_306 = arith.addf %add3A_305, %get3A_214 : vector<256x256xf32>
    %jit3A_307 = arith.constant 0xFF800000 : f32
    %broadcast_in_dim3A_308 = vector.broadcast %jit3A_307 : f32 to vector<256x256xf32>
    %select_n3A_309 = arith.select %lt3A_130, %add3A_306, %broadcast_in_dim3A_308 : vector<256x256xi1>, vector<256x256xf32>
    %reduce_max3A_310 = arith.constant dense<0xFF800000> : vector<256xf32>
    %reduce_max3A_311 = vector.multi_reduction <maximumf>, %select_n3A_309, %reduce_max3A_310 [1] : vector<256x256xf32> to vector<256xf32>
    %broadcast_in_dim3A_312 = vector.shape_cast %reduce_max3A_311 : vector<256xf32> to vector<256x1xf32>
    %sub3A_313 = vector.broadcast %broadcast_in_dim3A_312 : vector<256x1xf32> to vector<256x256xf32>
    %sub3A_314 = arith.subf %select_n3A_309, %sub3A_313 : vector<256x256xf32>
    %exp3A_315 = math.exp %sub3A_314 : vector<256x256xf32>
    %reduce_sum3A_316 = arith.constant dense<0.000000e+00> : vector<256xf32>
    %reduce_sum3A_317 = vector.multi_reduction <add>, %exp3A_315, %reduce_sum3A_316 [1] : vector<256x256xf32> to vector<256xf32>
    %broadcast_in_dim3A_318 = vector.shape_cast %reduce_sum3A_317 : vector<256xf32> to vector<256x1xf32>
    %add3A_319 = arith.constant 1.000000e-16 : f32
    %add3A_320 = vector.broadcast %add3A_319 : f32 to vector<256x1xf32>
    %add3A_321 = arith.addf %broadcast_in_dim3A_318, %add3A_320 : vector<256x1xf32>
    %div3A_322 = vector.broadcast %add3A_321 : vector<256x1xf32> to vector<256x256xf32>
    %div3A_323 = arith.divf %exp3A_315, %div3A_322 : vector<256x256xf32>
    %dot_general3A_324 = arith.constant dense<0.000000e+00> : vector<256x32xf32>
    %dot_general3A_325 = tpu.matmul %div3A_323, %slice3A_300, %dot_general3A_324 {dimension_numbers = #tpu.dot_dimension_numbers<[1], [0], [0], [1], [0, 0, 1, 1], [], []>, transpose_lhs_hint = false} : vector<256x256xf32>, vector<256x32xf32>, vector<256x32xf32> -> vector<256x32xf32>
    %concatenate3A = tpu.concatenate %dot_general3A_241, %dot_general3A_269, %dot_general3A_297, %dot_general3A_325 in 1 : vector<256x32xf32>, vector<256x32xf32>, vector<256x32xf32>, vector<256x32xf32> -> vector<256x128xf32>
    %mul3A_326 = arith.mulf %concatenate3A, %logistic3A_60 : vector<256x128xf32>
    %get3A_327 = arith.constant 0 : index
    %get3A_328 = arith.constant 0 : index
    %get3A_329 = vector.load %arg21[%get3A_327, %get3A_328] : memref<128x128xf32, #tpu.memory_space<vmem>>, vector<128x128xf32>
    %dot_general3A_330 = arith.constant dense<0.000000e+00> : vector<256x128xf32>
    %dot_general3A_331 = tpu.matmul %mul3A_326, %get3A_329, %dot_general3A_330 {dimension_numbers = #tpu.dot_dimension_numbers<[1], [0], [0], [1], [0, 0, 1, 1], [], []>, transpose_lhs_hint = false} : vector<256x128xf32>, vector<128x128xf32>, vector<256x128xf32> -> vector<256x128xf32>
    %get3A_332 = arith.constant 0 : index
    %get3A_333 = arith.constant 0 : index
    %get3A_334 = vector.load %arg22[%get3A_332, %get3A_333] : memref<1x128xf32, #tpu.memory_space<vmem>>, vector<1x128xf32>
    %add3A_335 = vector.broadcast %get3A_334 : vector<1x128xf32> to vector<256x128xf32>
    %add3A_336 = arith.addf %dot_general3A_331, %add3A_335 : vector<256x128xf32>
    %swap3A = arith.constant 0 : index
    %swap3A_337 = arith.constant 0 : index
    %swap3A_338 = vector.load %arg23[%swap3A, %swap3A_337] : memref<256x128xf32, #tpu.memory_space<vmem>>, vector<256x128xf32>
    tpu.vector_store %arg23[%swap3A, %swap3A_337], %add3A_336 {strides = array<i32>} : memref<256x128xf32, #tpu.memory_space<vmem>>, vector<256x128xf32>,
    return
  }
  func.func @transform_0(%arg0: i32) -> (i32, i32) {
    %c0_i32 = arith.constant 0 : i32
    %c0_i32_0 = arith.constant 0 : i32
    return %arg0, %c0_i32 : i32, i32
  }
  func.func @transform_1(%arg0: i32) -> (i32, i32) {
    %add3A = arith.constant 0 : i32
    %add3A_0 = arith.addi %arg0, %add3A : i32
    %c0_i32 = arith.constant 0 : i32
    %c0_i32_1 = arith.constant 0 : i32
    return %add3A_0, %c0_i32 : i32, i32
  }
  func.func @transform_2(%arg0: i32) -> (i32, i32) {
    %c0_i32 = arith.constant 0 : i32
    %c0_i32_0 = arith.constant 0 : i32
    %c0_i32_1 = arith.constant 0 : i32
    return %c0_i32, %c0_i32_0 : i32, i32
  }
  func.func @transform_3(%arg0: i32) -> (i32, i32) {
    %c0_i32 = arith.constant 0 : i32
    %c0_i32_0 = arith.constant 0 : i32
    %c0_i32_1 = arith.constant 0 : i32
    return %c0_i32, %c0_i32_0 : i32, i32
  }
  func.func @transform_4(%arg0: i32) -> (i32, i32) {
    %c0_i32 = arith.constant 0 : i32
    %c0_i32_0 = arith.constant 0 : i32
    %c0_i32_1 = arith.constant 0 : i32
    return %c0_i32, %c0_i32_0 : i32, i32
  }
  func.func @transform_5(%arg0: i32) -> (i32, i32) {
    %c0_i32 = arith.constant 0 : i32
    %c0_i32_0 = arith.constant 0 : i32
    %c0_i32_1 = arith.constant 0 : i32
    return %c0_i32, %c0_i32_0 : i32, i32
  }
  func.func @transform_6(%arg0: i32) -> (i32, i32) {
    %c0_i32 = arith.constant 0 : i32
    %c0_i32_0 = arith.constant 0 : i32
    %c0_i32_1 = arith.constant 0 : i32
    return %c0_i32, %c0_i32_0 : i32, i32
  }
  func.func @transform_7(%arg0: i32) -> (i32, i32) {
    %c0_i32 = arith.constant 0 : i32
    %c0_i32_0 = arith.constant 0 : i32
    %c0_i32_1 = arith.constant 0 : i32
    return %c0_i32, %c0_i32_0 : i32, i32
  }
  func.func @transform_8(%arg0: i32) -> (i32, i32) {
    %c0_i32 = arith.constant 0 : i32
    %c0_i32_0 = arith.constant 0 : i32
    %c0_i32_1 = arith.constant 0 : i32
    return %c0_i32, %c0_i32_0 : i32, i32
  }
  func.func @transform_9(%arg0: i32) -> (i32, i32) {
    %c0_i32 = arith.constant 0 : i32
    %c0_i32_0 = arith.constant 0 : i32
    %c0_i32_1 = arith.constant 0 : i32
    return %c0_i32, %c0_i32_0 : i32, i32
  }
  func.func @transform_10(%arg0: i32) -> (i32, i32) {
    %c0_i32 = arith.constant 0 : i32
    %c0_i32_0 = arith.constant 0 : i32
    %c0_i32_1 = arith.constant 0 : i32
    return %c0_i32, %c0_i32_0 : i32, i32
  }
  func.func @transform_11(%arg0: i32) -> (i32, i32) {
    %c0_i32 = arith.constant 0 : i32
    %c0_i32_0 = arith.constant 0 : i32
    %c0_i32_1 = arith.constant 0 : i32
    return %c0_i32, %c0_i32_0 : i32, i32
  }
  func.func @transform_12(%arg0: i32) -> (i32, i32) {
    %c0_i32 = arith.constant 0 : i32
    %c0_i32_0 = arith.constant 0 : i32
    %c0_i32_1 = arith.constant 0 : i32
    return %c0_i32, %c0_i32_0 : i32, i32
  }
  func.func @transform_13(%arg0: i32) -> (i32, i32) {
    %c0_i32 = arith.constant 0 : i32
    %c0_i32_0 = arith.constant 0 : i32
    %c0_i32_1 = arith.constant 0 : i32
    return %c0_i32, %c0_i32_0 : i32, i32
  }
  func.func @transform_14(%arg0: i32) -> (i32, i32) {
    %c0_i32 = arith.constant 0 : i32
    %c0_i32_0 = arith.constant 0 : i32
    %c0_i32_1 = arith.constant 0 : i32
    return %c0_i32, %c0_i32_0 : i32, i32
  }
  func.func @transform_15(%arg0: i32) -> (i32, i32) {
    %c0_i32 = arith.constant 0 : i32
    %c0_i32_0 = arith.constant 0 : i32
    %c0_i32_1 = arith.constant 0 : i32
    return %c0_i32, %c0_i32_0 : i32, i32
  }
  func.func @transform_16(%arg0: i32) -> (i32, i32) {
    %c0_i32 = arith.constant 0 : i32
    %c0_i32_0 = arith.constant 0 : i32
    %c0_i32_1 = arith.constant 0 : i32
    return %c0_i32, %c0_i32_0 : i32, i32
  }
  func.func @transform_17(%arg0: i32) -> (i32, i32) {
    %c0_i32 = arith.constant 0 : i32
    %c0_i32_0 = arith.constant 0 : i32
    %c0_i32_1 = arith.constant 0 : i32
    return %c0_i32, %c0_i32_0 : i32, i32
  }
  func.func @transform_18(%arg0: i32) -> (i32, i32) {
    %c0_i32 = arith.constant 0 : i32
    %c0_i32_0 = arith.constant 0 : i32
    %c0_i32_1 = arith.constant 0 : i32
    return %c0_i32, %c0_i32_0 : i32, i32
  }
  func.func @transform_19(%arg0: i32) -> (i32, i32) {
    %c0_i32 = arith.constant 0 : i32
    %c0_i32_0 = arith.constant 0 : i32
    %c0_i32_1 = arith.constant 0 : i32
    return %c0_i32, %c0_i32_0 : i32, i32
  }
  func.func @transform_20(%arg0: i32) -> (i32, i32) {
    %c0_i32 = arith.constant 0 : i32
    %c0_i32_0 = arith.constant 0 : i32
    %c0_i32_1 = arith.constant 0 : i32
    return %c0_i32, %c0_i32_0 : i32, i32
  }
  func.func @transform_21(%arg0: i32) -> (i32, i32) {
    %c0_i32 = arith.constant 0 : i32
    %c0_i32_0 = arith.constant 0 : i32
    %c0_i32_1 = arith.constant 0 : i32
    return %c0_i32, %c0_i32_0 : i32, i32
  }
  func.func @transform_22(%arg0: i32) -> (i32, i32) {
    %c0_i32 = arith.constant 0 : i32
    %c0_i32_0 = arith.constant 0 : i32
    return %arg0, %c0_i32 : i32, i32
  }
}

</mosaic_0001>

<sc_bundles>
// kernel: kernel.11.cloned.1.call-start
scs
__scs_entry_jumppad:
0x0: {  	(pc) =	sbr.rel $0x88, $3  }
0x1: {  	(tag) =	ssettag $0x0;
	lr =	simm.s32 $0x1  }
0x2: {  	[smem:$0x3F8A] =	sst lr;
	_ =	strace $0xD0000000  }
0x3: {  	_ = 	snop  }
0x4: {  	_ = 	snop  }
0x5: {  	_ = 	snop  }
0x6: {  	_ = 	snop  }
0x7: {  	_ = 	snop  }
__scs_overlays_trampoline_lowered:
0x8: {  	[smem:$0x3F99] =	sst s0  }
0x9: {  	[smem:$0x3F9A] =	sst s1  }
0xa: {  	[smem:$0x3F9B] =	sst s2  }
0xb: {  	[smem:$0x3F9C] =	sst s3  }
0xc: {  	[smem:$0x3F9D] =	sst s4  }
0xd: {  	[smem:$0x3F9E] =	sst s5  }
0xe: {  	[smem:$0x3F9F] =	sst s6  }
0xf: {  	[smem:$0x3FA0] =	sst s7  }
0x10: {  	[smem:$0x3FA1] =	sst s8  }
0x11: {  	[smem:$0x3FA2] =	sst s9;
	s0 =	simm.s32 @!p0 $0x0  }
0x12: {  	s1 =	sld [smem:$0x3F88];
	s0 =	simm.s32 @p0 $0x1  }
0x13: {  	[smem:$0x3FA3] =	sst s0;
	s0 =	simm.s32 @!p1 $0x0  }
0x14: {  	s2 =	sld [smem:$0x3F87];
	s0 =	simm.s32 @p1 $0x1  }
0x15: {  	[smem:$0x3FA4] =	sst s0;
	s0 =	simm.s32 @!p2 $0x0  }
0x16: {  	s3 =	sld [smem:$0x3FDB];
	s0 =	simm.s32 @p2 $0x1  }
0x17: {  	s4 =	simm.s32 $0x1BF5;
	[smem:$0x3FA6] =	sst s0  }
0x18: {  	s0 =	sld [smem:$0x3F89];
	_ =	swait.ge [sflag:s4], $0x0  }
0x19: {  	s7 =	sld [smem:$0x3F8A]  }
0x1a: {  	s8 =	sadd.s32 $0xFFFFE003, lr  }
0x1b: {  	s9 =	sadd.s32 $0xFFFFFEF7, lr;
	s5 =	simm.s32 $0xFFFFFFFF;
	p2 =	slt.u32 s8, $0xFFFFF086  }
0x1c: {  	p1 =	slt.u32 s9, $0xF7A;
	s5 =	simm.s32 @!p2 $0x0  }
0x1d: {  	s5 =	simm.s32 @p1 $0x1;
	p0 =	seq.s32 s7, s2  }
0x1e: {  	s7 =	smul.u32 @!p0 $0xF7A, s2;
	p2 =	seq.s32 @!p0 s5, $0x0  }
0x1f: {  	s9 =	smul.u32 $0xF7A, s1;
	s8 =	simm.s32 @!p0 $0x1BF5;
	p2 =	por !p2, p0  }
0x20: {  	[sflag:s8] =	ssyncset.s32 @!p0 $0xFFFFF086;
	s6 =	sadd.s32 @!p0 s3, s7;
	s7 =	simm.s32 @!p0 $0x108  }
0x21: {  	s3 =	sadd.s32 s3, s9;
	s6 =	sadd.s32 @!p0 $0x88, s6;
	s7 =	simm.s32 @p2 $0x1082  }
0x22: {  	[simem:s7], [sflag:s8] =	dma.local @!p0 [hbm:s6], $0xF7A  }
0x23: {  	s9 =	sor.u32 $0xD0000000, s2;
	s6 =	simm.s32 $0x108;
	_ =	swait.ge @!p0 [sflag:s8], $0x0  }
0x24: {  	s3 =	sadd.s32 $0x88, s3;
	s6 =	simm.s32 @!p1 $0x1082;
	[sflag:s4] =	ssyncset.s32 $0xFFFFF086  }
0x25: {  	[simem:s6], [sflag:s4] =	dma.local [hbm:s3], $0xF7A  }
0x26: {  	[smem:$0x3F8A] =	sst s1;
	(tag) =	ssettag s2;
	_ =	strace s9  }
0x27: {  	s1 =	sld [smem:$0x3F9A]  }
0x28: {  	s2 =	sld [smem:$0x3F9B]  }
0x29: {  	s4 =	sld [smem:$0x3F9D]  }
0x2a: {  	p0 =	seq.s32 s5, $0x0;
	s5 =	sld [smem:$0x3F9E]  }
0x2b: {  	s6 =	sld [smem:$0x3F9F]  }
0x2c: {  	s7 =	sld [smem:$0x3FA0]  }
0x2d: {  	s3 =	simm.s32 $0x108;
	s8 =	sld [smem:$0x3FA1]  }
0x2e: {  	s3 =	simm.s32 @!p0 $0x1082;
	s9 =	sld [smem:$0x3FA2]  }
0x2f: {  	lr =	sadd.s32 s0, s3;
	s0 =	sld [smem:$0x3F99]  }
0x30: {  	s3 =	sld [smem:$0x3F9C]  }
0x31: {  	[smem:$0x3FA5] =	sst s10  }
0x32: {  	s10 =	sld [smem:$0x3FA3];
	_ =	sdelay $0x3  }
0x33: {  	p0 =	seq.s32 s10, $0x1;
	s10 =	sld [smem:$0x3FA5];
	_ =	sdelay $0x3  }
0x34: {  	[smem:$0x3FA5] =	sst s10  }
0x35: {  	s10 =	sld [smem:$0x3FA4];
	_ =	sdelay $0x3  }
0x36: {  	p1 =	seq.s32 s10, $0x1;
	s10 =	sld [smem:$0x3FA5];
	_ =	sdelay $0x3  }
0x37: {  	[smem:$0x3FA5] =	sst s10  }
0x38: {  	s10 =	sld [smem:$0x3FA6]  }
0x39: {  	_ = 	snop;
	(pc) =	sbr.ind lr, $3  }
0x3a: {  	_ = 	snop  }
0x3b: {  	_ = 	snop  }
0x3c: {  	p2 =	seq.s32 s10, $0x1;
	s10 =	sld [smem:$0x3FA5]  }
0x3d: {  	_ =	shalt  }
0x3e: {  	_ =	shalt  }
0x3f: {  	_ =	shalt  }
0x40: {  	_ =	shalt  }
0x41: {  	_ =	shalt  }
0x42: {  	_ =	shalt  }
0x43: {  	_ =	shalt  }
0x44: {  	_ =	shalt  }
0x45: {  	_ =	shalt  }
0x46: {  	_ =	shalt  }
0x47: {  	_ =	shalt  }
0x48: {  	_ =	shalt  }
0x49: {  	_ =	shalt  }
0x4a: {  	_ =	shalt  }
0x4b: {  	_ =	shalt  }
0x4c: {  	_ =	shalt  }
0x4d: {  	_ =	shalt  }
0x4e: {  	_ =	shalt  }
0x4f: {  	_ =	shalt  }
0x50: {  	_ =	shalt  }
0x51: {  	_ =	shalt  }
0x52: {  	_ =	shalt  }
0x53: {  	_ =	shalt  }
0x54: {  	_ =	shalt  }
0x55: {  	_ =	shalt  }
0x56: {  	_ =	shalt  }
0x57: {  	_ =	shalt  }
0x58: {  	_ =	shalt  }
0x59: {  	_ =	shalt  }
0x5a: {  	_ =	shalt  }
0x5b: {  	_ =	shalt  }
0x5c: {  	_ =	shalt  }
0x5d: {  	_ =	shalt  }
0x5e: {  	_ =	shalt  }
0x5f: {  	_ =	shalt  }
0x60: {  	_ =	shalt  }
0x61: {  	_ =	shalt  }
0x62: {  	_ =	shalt  }
0x63: {  	_ =	shalt  }
0x64: {  	_ =	shalt  }
0x65: {  	_ =	shalt  }
0x66: {  	_ =	shalt  }
0x67: {  	_ =	shalt  }
0x68: {  	_ =	shalt  }
0x69: {  	_ =	shalt  }
0x6a: {  	_ =	shalt  }
0x6b: {  	_ =	shalt  }
0x6c: {  	_ =	shalt  }
0x6d: {  	_ =	shalt  }
0x6e: {  	_ =	shalt  }
0x6f: {  	_ =	shalt  }
0x70: {  	_ =	shalt  }
0x71: {  	_ =	shalt  }
0x72: {  	_ =	shalt  }
0x73: {  	_ =	shalt  }
0x74: {  	_ =	shalt  }
0x75: {  	_ =	shalt  }
0x76: {  	_ =	shalt  }
0x77: {  	_ =	shalt  }
0x78: {  	_ =	shalt  }
0x79: {  	_ =	shalt  }
0x7a: {  	_ =	shalt  }
0x7b: {  	_ =	shalt  }
0x7c: {  	_ =	shalt  }
0x7d: {  	_ =	shalt  }
0x7e: {  	_ =	shalt  }
0x7f: {  	_ =	shalt  }
0x80: {  	_ =	shalt  }
0x81: {  	_ =	shalt  }
0x82: {  	_ =	shalt  }
0x83: {  	_ =	shalt  }
0x84: {  	_ =	shalt  }
0x85: {  	_ =	shalt  }
0x86: {  	_ =	shalt  }
0x87: {  	_ =	shalt  }
.Lfunc_end0:
.L_simem_size_0:
called_computation_lowered:
.L_overlay_start_0:
0x88: {  	s2 =	sld [smem:$0x3FD9]  }
0x89: {  	s3 =	sld [smem:$0x3FFE];
	_ =	sdelay $0x1  }
0x8a: {  	s1 =	srdreg.scid  }
0x8b: {  	s0 =	sand.u32 $0x1, s1  }
0x8c: {  	s17 =	sshll.u32 s0, $0xA;
	s2 =	sadd.s32 s3, s2  }
0x8d: {  	s2 =	sadd.s32 s2, s17  }
0x8e: {  	[smem:$0x3FB1] =	sst s2  }
0x8f: {  	_ = 	snop  }
0x90: {  	(tm) =	ssettm $0x1  }
0x91: {  	s18 =	sld [smem:$0x3FFB];
	_ =	sdelay $0x3  }
0x92: {  	_ =	strace s18  }
0x93: {  	s2 =	sld [smem:$0x3FFC];
	_ =	sdelay $0x3  }
0x94: {  	_ =	strace s2  }
0x95: {  	s2 =	sld [smem:$0x3FFD];
	_ =	sdelay $0x3  }
0x96: {  	_ =	strace s2  }
0x97: {  	_ =	strace $0x8FFFFFFF  }
0x98: {  	s19 =	sld [smem:$0x3FDB];
	_ =	sdelay $0x1  }
0x99: {  	s20 =	simm.s32 $_scs_section_size  }
0x9a: {  	s4 =	simm.s32 $_size__tile_overlayer_lowered;
	s5 =	simm.s32 $_tile_overlayer_lowered  }
0x9b: {  	s6 =	simm.s32 $0x1BFF;
	s21 =	sshll.u32 s5, $0x1;
	s3 =	sadd.s32 s20, s19  }
0x9c: {  	s22 =	simm.s32 $0x0;
	s4 =	sshll.u32 s4, $0x1;
	s5 =	sadd.s32 s21, s3  }
0x9d: {  	[timem:s22], [sflag:s6] =	dma.local [hbm:s5], s4  }
0x9e: {  	_ =	swait.ge [sflag:s6], s4  }
0x9f: {  	s4 =	ssub.s32 $0x0, s4;
	[sflag:s6] =	ssyncset.done $0x0  }
0xa0: {  	[sflag:s6] =	ssyncadd.s32 s4;
	_ =	sdelay $0x1  }
0xa1: {  	s23 =	simm.s32 $0x1B8B  }
0xa2: {  	_ =	swait.ge [sflag:s23], $0x1  }
0xa3: {  	[sflag:s23] =	ssyncset.done $0x0  }
0xa4: {  	[sflag:s23] =	ssyncadd.s32 $0xFFFFFFFF  }
0xa5: {  	s4 =	sld [smem:$0x0]  }
0xa6: {  	s5 =	sand.u32 $0xFFFFFFFE, s1  }
0xa7: {  	p0 =	sne.s32 s1, s5  }
0xa8: {  	s5 =	sshll.u32 @p0 s5, $0xE  }
0xa9: {  	s5 =	sadd.s32 @p0 $0x11B8D, s5;
	s6 =	sshll.u32 @p0 s4, $0x11  }
0xaa: {  	s5 =	sor.u32 @p0 s6, s5  }
0xab: {  	[sflag:s5] =	ssyncadd.remote.s32 @p0 $0x1;
	_ =	sdelay $0x1  }
0xac: {  	s5 =	simm.s32 @p0 $0x1B8D  }
0xad: {  	_ =	swait.eq @p0 [sflag:s5], $0x1  }
0xae: {  	[sflag:s5] =	ssyncadd.s32 @p0 $0xFFFFFFFF  }
0xaf: {  	s6 =	sshll.u32 @!p0 s1, $0xE  }
0xb0: {  	s6 =	sor.u32 @!p0 $0x4000, s6;
	s5 =	simm.s32 @!p0 $0x1B8D  }
0xb1: {  	s4 =	sshll.u32 @!p0 s4, $0x11;
	s6 =	sadd.s32 @!p0 $0x11B8D, s6;
	_ =	swait.eq @!p0 [sflag:s5], $0x1  }
0xb2: {  	s4 =	sor.u32 @!p0 s4, s6;
	[sflag:s5] =	ssyncadd.s32 @!p0 $0xFFFFFFFF  }
0xb3: {  	s25 =	simm.s32 $0x1B8E;
	s24 =	sld [smem:$0x3FFE];
	[sflag:s4] =	ssyncadd.remote.s32 @!p0 $0x1  }
0xb4: {  	s26 =	simm.s32 $execute0_lowered;
	[smem:$0x3FD2] =	sst s25  }
0xb5: {  	s5 =	sshll.u32 s26, $0x1;
	_ =	strace $0x8000004F;
	[dreg:$0x1] =	wrdreg $0xFFFFFFFF  }
0xb6: {  	s28 =	simm.s32 $_size_execute0_lowered;
	s3 =	sadd.s32 s3, s5;
	[dreg:$0x0] =	wrdreg $0x0  }
0xb7: {  	s5 =	sshll.u32 s28, $0x1;
	[dreg:$0x2] =	wrdreg s3  }
0xb8: {  	[dreg:$0x3] =	wrdreg s5  }
0xb9: {  	[dreg:$0x4] =	wrdreg $0xC0  }
0xba: {  	_ =	task [dreg:s22], $0x5FFFF  }
0xbb: {  	[dreg:$0x1] =	wrdreg $0xFFFFFFFF  }
0xbc: {  	[dreg:$0x0] =	wrdreg $0x60  }
0xbd: {  	[dreg:$0x2] =	wrdreg s24  }
0xbe: {  	[dreg:$0x3] =	wrdreg $0x9  }
0xbf: {  	_ =	task.clear_ibuf [dreg:s22], $0x4FFFF;
	_ =	strace $0x9000004F  }
0xc0: {  	s29 =	simm.s32 $0x9;
	_ =	strace $0x80000051  }
0xc1: {  	_ =	swait.ge [sflag:s29], $0x1  }
0xc2: {  	[sflag:s29] =	ssyncadd.s32 $0xFFFFFFFF  }
0xc3: {  	_ =	strace $0x90000051  }
0xc4: {  	_ =	sfence  }
0xc5: {  	s30 =	sld [smem:$0x0];
	_ =	sdelay $0x2  }
0xc6: {  	s31 =	sshll.u32 s1, $0xD;
	s1 =	sshrl.u32 s1, $0x2  }
0xc7: {  	s4 =	sand.u32 $0x4000, s31;
	s1 =	sadd.s32 s1, s30  }
0xc8: {  	s0 =	sor.u32 s4, s0;
	s1 =	sshll.u32 s1, $0x11  }
0xc9: {  	s0 =	sor.u32 s1, s0  }
0xca: {  	s0 =	sadd.s32 $0x8F2B, s0  }
0xcb: {  	[sflag:s0] =	ssyncadd.remote.s32 $0x1  }
0xcc: {  	_ =	sfence.sel $0xFFFF  }
0xcd: {  	[dreg:$0x0] =	wrdreg $0xFFFFFFFF;
	(pc) =	sbr.abs _section_cstart, $3  }
0xce: {  	[dreg:$0x1] =	wrdreg $0xFFFFFFFF  }
0xcf: {  	_ =	task.clear_ibuf [dreg:s22], $0x2FFFF;
	_ =	strace $0x9FFFFFFF  }
0xd0: {  	(tm) =	ssettm $0x7FFFFFFF  }
0xd1: {  	_ =	shalt  }
tec
execute0_lowered:
.L_overlay_start_1:
0x0: {  	(tag) =	ssettag $0x1  }
0x1: {  	s4 =	rddreg [dreg:$0x0]  }
0x2: {  	s0 =	rddreg [dreg:$0x1];
	s2 =	simm.s32 $0x0;
	s1 =	stileid.u32  }
0x3: {  	s3 =	srdreg.scid;
	s10 =	simm.s32 $0x0;
	s6 =	smul.u32 $0xA00, s1  }
0x4: {  	[smem:$0x7FF] =	sst s2;
	s5 =	sand.u32 $0x1, s3;
	s8 =	smul.u32 $0xA000, s1  }
0x5: {  	s3 =	sadd.s32 $0x8A00, s4;
	s7 =	smul.u32 $0x500, s5;
	s9 =	ssub.s32 $0x2, s5  }
0x6: {  	_ =	strace $0x80000050;
	s5 =	smul.u32 $0x5000, s5;
	s31 =	sshrl.u32 s9, $0x1  }
0x7: {  	s8 =	sadd.s32 s8, s4;
	s6 =	sadd.s32 s7, s6;
	s7 =	ssub.s32 s9, s31  }
0x8: {  	s5 =	sadd.s32 s5, s8;
	s8 =	simm.s32 $0x80;
	s6 =	sshrl.u32 s6, $0x3  }
0x9: {  	s9 =	simm.s32 $0x1;
	s5 =	sadd.s32 $0x171000, s5;
	s6 =	sadd.s32 s6, s4  }
0xa: {  	s4 =	smax.u32 s7, $0x1;
	s7 =	simm.s32 $0x2;
	s6 =	sadd.s32 $0x16FC00, s6  }
.LBB2_1:
0xb: {  	s11 =	sadd.s32 $0x0, s6  }
0xc: {  	[tilespmem:s2], [sflag:$0x2] =	stream.linear.gather [hbm4b:s11+s2], $0x80, $0x38;
	[tilespmem:$0x4080] =	vst v63  }
0xd: {  	_ =	swait.ge [sflag:s7], $0x80  }
0xe: {  	[sflag:s7] =	ssyncset.done $0x0  }
0xf: {  	[sflag:s7] =	ssyncadd.s32 $0xFFFFFF80  }
0x10: {  	[tilespmem:s8], [sflag:$0x1] =	stream.indirect.gather [hbm4b:s3+s8], $0x80, s2, s8, $0xb8;
	[tilespmem:$0x4080] =	vst v63  }
0x11: {  	_ =	swait.ge [sflag:s9], $0x4000  }
0x12: {  	[sflag:s9] =	ssyncset.done $0x0  }
0x13: {  	[sflag:s9] =	ssyncadd.s32 $0xFFFFC000  }
0x14: {  	[hbm4b:s5+s2] =	stream.linear.scatter [tilespmem:s8], [sflag:$0x2], $0x4000, $0x38;
	[tilespmem:$0x4080] =	vst v63  }
0x15: {  	s12 =	simm.s32 $0x10;
	_ =	swait.ge [sflag:s7], $0x4000  }
0x16: {  	s13 =	simm.s32 $0x20;
	s11 =	sadd.s32 $0x800, s5;
	[sflag:s7] =	ssyncset.done $0x0  }
.LBB2_2:
0x17: {  	s14 =	sadd.s32 s12, s6  }
0x18: {  	[sflag:s7] =	ssyncadd.s32 $0xFFFFC000;
	s12 =	smov.u32 s13;
	s15 =	sadd.s32 $0x10, s13  }
0x19: {  	[tilespmem:s2], [sflag:$0x2] =	stream.linear.gather [hbm4b:s14+s2], $0x80, $0x38;
	[tilespmem:$0x4080] =	vst v63  }
0x1a: {  	p0 =	sne.s32 s13, $0x90;
	_ =	swait.ge [sflag:s7], $0x80  }
0x1b: {  	[sflag:s7] =	ssyncset.done $0x0  }
0x1c: {  	[sflag:s7] =	ssyncadd.s32 $0xFFFFFF80  }
0x1d: {  	[tilespmem:s8], [sflag:$0x1] =	stream.indirect.gather [hbm4b:s3+s8], $0x80, s2, s8, $0xb8;
	[tilespmem:$0x4080] =	vst v63  }
0x1e: {  	_ =	swait.ge [sflag:s9], $0x4000  }
.Ltmp0:
0x1f: {  	[sflag:s9] =	ssyncset.done $0x0;
	(pc) =	sbr.rel @p0 .LBB2_2-.Ltmp0, $4  }
0x20: {  	[sflag:s9] =	ssyncadd.s32 $0xFFFFC000  }
0x21: {  	[hbm4b:s11+s2] =	stream.linear.scatter [tilespmem:s8], [sflag:$0x2], $0x4000, $0x38;
	[tilespmem:$0x4080] =	vst v63  }
0x22: {  	_ =	swait.ge [sflag:s7], $0x4000  }
0x23: {  	s13 =	smov.u32 s15;
	s11 =	sadd.s32 $0x800, s11;
	[sflag:s7] =	ssyncset.done $0x0  }
0x24: {  	s12 =	sadd.s32 s12, s6;
	[sflag:s7] =	ssyncadd.s32 $0xFFFFC000  }
0x25: {  	[tilespmem:s2], [sflag:$0x2] =	stream.linear.gather [hbm4b:s12+s2], $0x80, $0x38;
	[tilespmem:$0x4080] =	vst v63  }
0x26: {  	_ =	swait.ge [sflag:s7], $0x80  }
0x27: {  	[sflag:s7] =	ssyncset.done $0x0  }
0x28: {  	[sflag:s7] =	ssyncadd.s32 $0xFFFFFF80  }
0x29: {  	[tilespmem:s8], [sflag:$0x1] =	stream.indirect.gather [hbm4b:s3+s8], $0x80, s2, s8, $0xb8;
	[tilespmem:$0x4080] =	vst v63  }
0x2a: {  	s10 =	sadd.s32 $0x1, s10;
	_ =	swait.ge [sflag:s9], $0x4000  }
0x2b: {  	p0 =	sne.s32 s10, s4;
	[sflag:s9] =	ssyncset.done $0x0  }
.Ltmp1:
0x2c: {  	[sflag:s9] =	ssyncadd.s32 $0xFFFFC000;
	(pc) =	sbr.rel @p0 .LBB2_1-.Ltmp1, $4  }
0x2d: {  	[hbm4b:s11+s2] =	stream.linear.scatter [tilespmem:s8], [sflag:$0x2], $0x4000, $0x38;
	[tilespmem:$0x4080] =	vst v63  }
0x2e: {  	_ =	swait.ge [sflag:s7], $0x4000  }
0x2f: {  	[sflag:s7] =	ssyncset.done $0x0  }
0x30: {  	[sflag:s7] =	ssyncadd.s32 $0xFFFFC000  }
0x31: {  	_ =	sfence.sel $0x180000  }
0x32: {  	[bflag:$0x0] =	sbarrier.arrive $0xFFFF  }
0x33: {  	p0 =	sne.s32 s1, $0x0;
	_ =	strace $0x90000050  }
0x34: {  	s0 =	sadd.s32 @!p0 $0x100000, s0;
	[bflag:$0x2] =	sbarrier.arrive $0xFFFF  }
0x35: {  	[sflag:s0] =	ssyncadd.tile.s32 @!p0 $0x1;
	_ =	shalt  }
.Lfunc_end2:
_tile_overlayer_lowered:
.L_overlay_start_2:
0x36: {  	(tag) =	ssettag $0x2  }
0x37: {  	s0 =	rddreg [dreg:$0x0];
	s2 =	stileid.u32  }
0x38: {  	s1 =	rddreg [dreg:$0x1];
	p0 =	sne.s32 s2, $0x0  }
0x39: {  	s3 =	rddreg [dreg:$0x2];
	[bflag:$0x3] =	sbarrier.arrive $0xFFFF;
	s2 =	simm.s32 @!p0 $0x1C02  }
0x3a: {  	[timem:s3], [sflag:s2] =	dma.local @!p0 [hbm:s0], s1  }
0x3b: {  	s0 =	simm.s32 @!p0 $0x2  }
0x3c: {  	_ =	swait.ge @!p0 [sflag:s0], s1  }
0x3d: {  	s1 =	ssub.s32 @!p0 $0x0, s1;
	[sflag:s0] =	ssyncset.done @!p0 $0x0  }
0x3e: {  	[sflag:s0] =	ssyncadd.s32 @!p0 s1  }
0x3f: {  	[bflag:$0x3] =	sbarrier.arrive $0xFFFF  }
0x40: {  	_ =	shalt  }

// kernel: kernel.14.cloned.1.call-start
scs
__scs_entry_jumppad:
0x0: {  	(pc) =	sbr.rel $0x88, $3  }
0x1: {  	(tag) =	ssettag $0x0;
	lr =	simm.s32 $0x1  }
0x2: {  	[smem:$0x3F8A] =	sst lr;
	_ =	strace $0xD0000000  }
0x3: {  	_ = 	snop  }
0x4: {  	_ = 	snop  }
0x5: {  	_ = 	snop  }
0x6: {  	_ = 	snop  }
0x7: {  	_ = 	snop  }
__scs_overlays_trampoline_lowered:
0x8: {  	[smem:$0x3F99] =	sst s0  }
0x9: {  	[smem:$0x3F9A] =	sst s1  }
0xa: {  	[smem:$0x3F9B] =	sst s2  }
0xb: {  	[smem:$0x3F9C] =	sst s3  }
0xc: {  	[smem:$0x3F9D] =	sst s4  }
0xd: {  	[smem:$0x3F9E] =	sst s5  }
0xe: {  	[smem:$0x3F9F] =	sst s6  }
0xf: {  	[smem:$0x3FA0] =	sst s7  }
0x10: {  	[smem:$0x3FA1] =	sst s8  }
0x11: {  	[smem:$0x3FA2] =	sst s9;
	s0 =	simm.s32 @!p0 $0x0  }
0x12: {  	s1 =	sld [smem:$0x3F88];
	s0 =	simm.s32 @p0 $0x1  }
0x13: {  	[smem:$0x3FA3] =	sst s0;
	s0 =	simm.s32 @!p1 $0x0  }
0x14: {  	s2 =	sld [smem:$0x3F87];
	s0 =	simm.s32 @p1 $0x1  }
0x15: {  	[smem:$0x3FA4] =	sst s0;
	s0 =	simm.s32 @!p2 $0x0  }
0x16: {  	s3 =	sld [smem:$0x3FDB];
	s0 =	simm.s32 @p2 $0x1  }
0x17: {  	s4 =	simm.s32 $0x1BF5;
	[smem:$0x3FA6] =	sst s0  }
0x18: {  	s0 =	sld [smem:$0x3F89];
	_ =	swait.ge [sflag:s4], $0x0  }
0x19: {  	s7 =	sld [smem:$0x3F8A]  }
0x1a: {  	s8 =	sadd.s32 $0xFFFFE003, lr  }
0x1b: {  	s9 =	sadd.s32 $0xFFFFFEF7, lr;
	s5 =	simm.s32 $0xFFFFFFFF;
	p2 =	slt.u32 s8, $0xFFFFF086  }
0x1c: {  	p1 =	slt.u32 s9, $0xF7A;
	s5 =	simm.s32 @!p2 $0x0  }
0x1d: {  	s5 =	simm.s32 @p1 $0x1;
	p0 =	seq.s32 s7, s2  }
0x1e: {  	s7 =	smul.u32 @!p0 $0xF7A, s2;
	p2 =	seq.s32 @!p0 s5, $0x0  }
0x1f: {  	s9 =	smul.u32 $0xF7A, s1;
	s8 =	simm.s32 @!p0 $0x1BF5;
	p2 =	por !p2, p0  }
0x20: {  	[sflag:s8] =	ssyncset.s32 @!p0 $0xFFFFF086;
	s6 =	sadd.s32 @!p0 s3, s7;
	s7 =	simm.s32 @!p0 $0x108  }
0x21: {  	s3 =	sadd.s32 s3, s9;
	s6 =	sadd.s32 @!p0 $0x88, s6;
	s7 =	simm.s32 @p2 $0x1082  }
0x22: {  	[simem:s7], [sflag:s8] =	dma.local @!p0 [hbm:s6], $0xF7A  }
0x23: {  	s9 =	sor.u32 $0xD0000000, s2;
	s6 =	simm.s32 $0x108;
	_ =	swait.ge @!p0 [sflag:s8], $0x0  }
0x24: {  	s3 =	sadd.s32 $0x88, s3;
	s6 =	simm.s32 @!p1 $0x1082;
	[sflag:s4] =	ssyncset.s32 $0xFFFFF086  }
0x25: {  	[simem:s6], [sflag:s4] =	dma.local [hbm:s3], $0xF7A  }
0x26: {  	[smem:$0x3F8A] =	sst s1;
	(tag) =	ssettag s2;
	_ =	strace s9  }
0x27: {  	s1 =	sld [smem:$0x3F9A]  }
0x28: {  	s2 =	sld [smem:$0x3F9B]  }
0x29: {  	s4 =	sld [smem:$0x3F9D]  }
0x2a: {  	p0 =	seq.s32 s5, $0x0;
	s5 =	sld [smem:$0x3F9E]  }
0x2b: {  	s6 =	sld [smem:$0x3F9F]  }
0x2c: {  	s7 =	sld [smem:$0x3FA0]  }
0x2d: {  	s3 =	simm.s32 $0x108;
	s8 =	sld [smem:$0x3FA1]  }
0x2e: {  	s3 =	simm.s32 @!p0 $0x1082;
	s9 =	sld [smem:$0x3FA2]  }
0x2f: {  	lr =	sadd.s32 s0, s3;
	s0 =	sld [smem:$0x3F99]  }
0x30: {  	s3 =	sld [smem:$0x3F9C]  }
0x31: {  	[smem:$0x3FA5] =	sst s10  }
0x32: {  	s10 =	sld [smem:$0x3FA3];
	_ =	sdelay $0x3  }
0x33: {  	p0 =	seq.s32 s10, $0x1;
	s10 =	sld [smem:$0x3FA5];
	_ =	sdelay $0x3  }
0x34: {  	[smem:$0x3FA5] =	sst s10  }
0x35: {  	s10 =	sld [smem:$0x3FA4];
	_ =	sdelay $0x3  }
0x36: {  	p1 =	seq.s32 s10, $0x1;
	s10 =	sld [smem:$0x3FA5];
	_ =	sdelay $0x3  }
0x37: {  	[smem:$0x3FA5] =	sst s10  }
0x38: {  	s10 =	sld [smem:$0x3FA6]  }
0x39: {  	_ = 	snop;
	(pc) =	sbr.ind lr, $3  }
0x3a: {  	_ = 	snop  }
0x3b: {  	_ = 	snop  }
0x3c: {  	p2 =	seq.s32 s10, $0x1;
	s10 =	sld [smem:$0x3FA5]  }
0x3d: {  	_ =	shalt  }
0x3e: {  	_ =	shalt  }
0x3f: {  	_ =	shalt  }
0x40: {  	_ =	shalt  }
0x41: {  	_ =	shalt  }
0x42: {  	_ =	shalt  }
0x43: {  	_ =	shalt  }
0x44: {  	_ =	shalt  }
0x45: {  	_ =	shalt  }
0x46: {  	_ =	shalt  }
0x47: {  	_ =	shalt  }
0x48: {  	_ =	shalt  }
0x49: {  	_ =	shalt  }
0x4a: {  	_ =	shalt  }
0x4b: {  	_ =	shalt  }
0x4c: {  	_ =	shalt  }
0x4d: {  	_ =	shalt  }
0x4e: {  	_ =	shalt  }
0x4f: {  	_ =	shalt  }
0x50: {  	_ =	shalt  }
0x51: {  	_ =	shalt  }
0x52: {  	_ =	shalt  }
0x53: {  	_ =	shalt  }
0x54: {  	_ =	shalt  }
0x55: {  	_ =	shalt  }
0x56: {  	_ =	shalt  }
0x57: {  	_ =	shalt  }
0x58: {  	_ =	shalt  }
0x59: {  	_ =	shalt  }
0x5a: {  	_ =	shalt  }
0x5b: {  	_ =	shalt  }
0x5c: {  	_ =	shalt  }
0x5d: {  	_ =	shalt  }
0x5e: {  	_ =	shalt  }
0x5f: {  	_ =	shalt  }
0x60: {  	_ =	shalt  }
0x61: {  	_ =	shalt  }
0x62: {  	_ =	shalt  }
0x63: {  	_ =	shalt  }
0x64: {  	_ =	shalt  }
0x65: {  	_ =	shalt  }
0x66: {  	_ =	shalt  }
0x67: {  	_ =	shalt  }
0x68: {  	_ =	shalt  }
0x69: {  	_ =	shalt  }
0x6a: {  	_ =	shalt  }
0x6b: {  	_ =	shalt  }
0x6c: {  	_ =	shalt  }
0x6d: {  	_ =	shalt  }
0x6e: {  	_ =	shalt  }
0x6f: {  	_ =	shalt  }
0x70: {  	_ =	shalt  }
0x71: {  	_ =	shalt  }
0x72: {  	_ =	shalt  }
0x73: {  	_ =	shalt  }
0x74: {  	_ =	shalt  }
0x75: {  	_ =	shalt  }
0x76: {  	_ =	shalt  }
0x77: {  	_ =	shalt  }
0x78: {  	_ =	shalt  }
0x79: {  	_ =	shalt  }
0x7a: {  	_ =	shalt  }
0x7b: {  	_ =	shalt  }
0x7c: {  	_ =	shalt  }
0x7d: {  	_ =	shalt  }
0x7e: {  	_ =	shalt  }
0x7f: {  	_ =	shalt  }
0x80: {  	_ =	shalt  }
0x81: {  	_ =	shalt  }
0x82: {  	_ =	shalt  }
0x83: {  	_ =	shalt  }
0x84: {  	_ =	shalt  }
0x85: {  	_ =	shalt  }
0x86: {  	_ =	shalt  }
0x87: {  	_ =	shalt  }
.Lfunc_end0:
.L_simem_size_0:
called_computation.1_lowered:
.L_overlay_start_0:
0x88: {  	s2 =	sld [smem:$0x3FD9]  }
0x89: {  	s3 =	sld [smem:$0x3FFE];
	_ =	sdelay $0x1  }
0x8a: {  	s1 =	srdreg.scid  }
0x8b: {  	s0 =	sand.u32 $0x1, s1  }
0x8c: {  	s17 =	sshll.u32 s0, $0xA;
	s2 =	sadd.s32 s3, s2  }
0x8d: {  	s2 =	sadd.s32 s2, s17  }
0x8e: {  	[smem:$0x3FB1] =	sst s2  }
0x8f: {  	_ = 	snop  }
0x90: {  	(tm) =	ssettm $0x1  }
0x91: {  	s18 =	sld [smem:$0x3FFB];
	_ =	sdelay $0x3  }
0x92: {  	_ =	strace s18  }
0x93: {  	s2 =	sld [smem:$0x3FFC];
	_ =	sdelay $0x3  }
0x94: {  	_ =	strace s2  }
0x95: {  	s2 =	sld [smem:$0x3FFD];
	_ =	sdelay $0x3  }
0x96: {  	_ =	strace s2  }
0x97: {  	_ =	strace $0x8FFFFFFF  }
0x98: {  	s19 =	sld [smem:$0x3FDB];
	_ =	sdelay $0x1  }
0x99: {  	s20 =	simm.s32 $_scs_section_size  }
0x9a: {  	s4 =	simm.s32 $_size__tile_overlayer_lowered;
	s5 =	simm.s32 $_tile_overlayer_lowered  }
0x9b: {  	s6 =	simm.s32 $0x1BFF;
	s21 =	sshll.u32 s5, $0x1;
	s3 =	sadd.s32 s20, s19  }
0x9c: {  	s22 =	simm.s32 $0x0;
	s4 =	sshll.u32 s4, $0x1;
	s5 =	sadd.s32 s21, s3  }
0x9d: {  	[timem:s22], [sflag:s6] =	dma.local [hbm:s5], s4  }
0x9e: {  	_ =	swait.ge [sflag:s6], s4  }
0x9f: {  	s4 =	ssub.s32 $0x0, s4;
	[sflag:s6] =	ssyncset.done $0x0  }
0xa0: {  	[sflag:s6] =	ssyncadd.s32 s4;
	_ =	sdelay $0x1  }
0xa1: {  	s23 =	simm.s32 $0x1B8B  }
0xa2: {  	_ =	swait.ge [sflag:s23], $0x1  }
0xa3: {  	[sflag:s23] =	ssyncset.done $0x0  }
0xa4: {  	[sflag:s23] =	ssyncadd.s32 $0xFFFFFFFF  }
0xa5: {  	s4 =	sld [smem:$0x0]  }
0xa6: {  	s5 =	sand.u32 $0xFFFFFFFE, s1  }
0xa7: {  	p0 =	sne.s32 s1, s5  }
0xa8: {  	s5 =	sshll.u32 @p0 s5, $0xE  }
0xa9: {  	s5 =	sadd.s32 @p0 $0x11B8D, s5;
	s6 =	sshll.u32 @p0 s4, $0x11  }
0xaa: {  	s5 =	sor.u32 @p0 s6, s5  }
0xab: {  	[sflag:s5] =	ssyncadd.remote.s32 @p0 $0x1;
	_ =	sdelay $0x1  }
0xac: {  	s5 =	simm.s32 @p0 $0x1B8D  }
0xad: {  	_ =	swait.eq @p0 [sflag:s5], $0x1  }
0xae: {  	[sflag:s5] =	ssyncadd.s32 @p0 $0xFFFFFFFF  }
0xaf: {  	s6 =	sshll.u32 @!p0 s1, $0xE  }
0xb0: {  	s6 =	sor.u32 @!p0 $0x4000, s6;
	s5 =	simm.s32 @!p0 $0x1B8D  }
0xb1: {  	s4 =	sshll.u32 @!p0 s4, $0x11;
	s6 =	sadd.s32 @!p0 $0x11B8D, s6;
	_ =	swait.eq @!p0 [sflag:s5], $0x1  }
0xb2: {  	s4 =	sor.u32 @!p0 s4, s6;
	[sflag:s5] =	ssyncadd.s32 @!p0 $0xFFFFFFFF  }
0xb3: {  	s25 =	simm.s32 $0x1B8E;
	s24 =	sld [smem:$0x3FFE];
	[sflag:s4] =	ssyncadd.remote.s32 @!p0 $0x1  }
0xb4: {  	s26 =	simm.s32 $execute0_lowered;
	[smem:$0x3FD2] =	sst s25  }
0xb5: {  	s5 =	sshll.u32 s26, $0x1;
	_ =	strace $0x8000004C;
	[dreg:$0x1] =	wrdreg $0xFFFFFFFF  }
0xb6: {  	s28 =	simm.s32 $_size_execute0_lowered;
	s3 =	sadd.s32 s3, s5;
	[dreg:$0x0] =	wrdreg $0x0  }
0xb7: {  	s5 =	sshll.u32 s28, $0x1;
	[dreg:$0x2] =	wrdreg s3  }
0xb8: {  	[dreg:$0x3] =	wrdreg s5  }
0xb9: {  	[dreg:$0x4] =	wrdreg $0xC0  }
0xba: {  	_ =	task [dreg:s22], $0x5FFFF  }
0xbb: {  	[dreg:$0x1] =	wrdreg $0xFFFFFFFF  }
0xbc: {  	[dreg:$0x0] =	wrdreg $0x60  }
0xbd: {  	[dreg:$0x2] =	wrdreg s24  }
0xbe: {  	[dreg:$0x3] =	wrdreg $0xA  }
0xbf: {  	_ =	task.clear_ibuf [dreg:s22], $0x4FFFF;
	_ =	strace $0x9000004C  }
0xc0: {  	s29 =	simm.s32 $0xA;
	_ =	strace $0x8000004E  }
0xc1: {  	_ =	swait.ge [sflag:s29], $0x1  }
0xc2: {  	[sflag:s29] =	ssyncadd.s32 $0xFFFFFFFF  }
0xc3: {  	_ =	strace $0x9000004E  }
0xc4: {  	_ =	sfence  }
0xc5: {  	s30 =	sld [smem:$0x0];
	_ =	sdelay $0x2  }
0xc6: {  	s31 =	sshll.u32 s1, $0xD;
	s1 =	sshrl.u32 s1, $0x2  }
0xc7: {  	s4 =	sand.u32 $0x4000, s31;
	s1 =	sadd.s32 s1, s30  }
0xc8: {  	s0 =	sor.u32 s4, s0;
	s1 =	sshll.u32 s1, $0x11  }
0xc9: {  	s0 =	sor.u32 s1, s0  }
0xca: {  	s0 =	sadd.s32 $0x8F2B, s0  }
0xcb: {  	[sflag:s0] =	ssyncadd.remote.s32 $0x1  }
0xcc: {  	_ =	sfence.sel $0xFFFF  }
0xcd: {  	[dreg:$0x0] =	wrdreg $0xFFFFFFFF;
	(pc) =	sbr.abs _section_cstart, $3  }
0xce: {  	[dreg:$0x1] =	wrdreg $0xFFFFFFFF  }
0xcf: {  	_ =	task.clear_ibuf [dreg:s22], $0x2FFFF;
	_ =	strace $0x9FFFFFFF  }
0xd0: {  	(tm) =	ssettm $0x7FFFFFFF  }
0xd1: {  	_ =	shalt  }
tec
execute0_lowered:
.L_overlay_start_1:
0x0: {  	(tag) =	ssettag $0x1  }
0x1: {  	s4 =	rddreg [dreg:$0x0]  }
0x2: {  	s0 =	rddreg [dreg:$0x1];
	s2 =	simm.s32 $0x0;
	s1 =	stileid.u32  }
0x3: {  	s3 =	srdreg.scid;
	s10 =	simm.s32 $0x0;
	s6 =	smul.u32 $0xA00, s1  }
0x4: {  	[smem:$0x7FF] =	sst s2;
	s5 =	sand.u32 $0x1, s3;
	s8 =	smul.u32 $0xA000, s1  }
0x5: {  	s3 =	sadd.s32 $0x8A00, s4;
	s7 =	smul.u32 $0x500, s5;
	s9 =	ssub.s32 $0x2, s5  }
0x6: {  	_ =	strace $0x8000004D;
	s5 =	smul.u32 $0x5000, s5;
	s31 =	sshrl.u32 s9, $0x1  }
0x7: {  	s8 =	sadd.s32 s8, s4;
	s6 =	sadd.s32 s7, s6;
	s7 =	ssub.s32 s9, s31  }
0x8: {  	s5 =	sadd.s32 s5, s8;
	s8 =	simm.s32 $0x80;
	s6 =	sshrl.u32 s6, $0x3  }
0x9: {  	s9 =	simm.s32 $0x1;
	s5 =	sadd.s32 $0xCFC00, s5;
	s6 =	sadd.s32 s6, s4  }
0xa: {  	s4 =	smax.u32 s7, $0x1;
	s7 =	simm.s32 $0x2;
	s6 =	sadd.s32 $0x7600, s6  }
.LBB2_1:
0xb: {  	s11 =	sadd.s32 $0x0, s6  }
0xc: {  	[tilespmem:s2], [sflag:$0x2] =	stream.linear.gather [hbm4b:s11+s2], $0x80, $0x38;
	[tilespmem:$0x4080] =	vst v63  }
0xd: {  	_ =	swait.ge [sflag:s7], $0x80  }
0xe: {  	[sflag:s7] =	ssyncset.done $0x0  }
0xf: {  	[sflag:s7] =	ssyncadd.s32 $0xFFFFFF80  }
0x10: {  	[tilespmem:s8], [sflag:$0x1] =	stream.indirect.gather [hbm4b:s3+s8], $0x80, s2, s8, $0xb8;
	[tilespmem:$0x4080] =	vst v63  }
0x11: {  	_ =	swait.ge [sflag:s9], $0x4000  }
0x12: {  	[sflag:s9] =	ssyncset.done $0x0  }
0x13: {  	[sflag:s9] =	ssyncadd.s32 $0xFFFFC000  }
0x14: {  	[hbm4b:s5+s2] =	stream.linear.scatter [tilespmem:s8], [sflag:$0x2], $0x4000, $0x38;
	[tilespmem:$0x4080] =	vst v63  }
0x15: {  	s12 =	simm.s32 $0x10;
	_ =	swait.ge [sflag:s7], $0x4000  }
0x16: {  	s13 =	simm.s32 $0x20;
	s11 =	sadd.s32 $0x800, s5;
	[sflag:s7] =	ssyncset.done $0x0  }
.LBB2_2:
0x17: {  	s14 =	sadd.s32 s12, s6  }
0x18: {  	[sflag:s7] =	ssyncadd.s32 $0xFFFFC000;
	s12 =	smov.u32 s13;
	s15 =	sadd.s32 $0x10, s13  }
0x19: {  	[tilespmem:s2], [sflag:$0x2] =	stream.linear.gather [hbm4b:s14+s2], $0x80, $0x38;
	[tilespmem:$0x4080] =	vst v63  }
0x1a: {  	p0 =	sne.s32 s13, $0x90;
	_ =	swait.ge [sflag:s7], $0x80  }
0x1b: {  	[sflag:s7] =	ssyncset.done $0x0  }
0x1c: {  	[sflag:s7] =	ssyncadd.s32 $0xFFFFFF80  }
0x1d: {  	[tilespmem:s8], [sflag:$0x1] =	stream.indirect.gather [hbm4b:s3+s8], $0x80, s2, s8, $0xb8;
	[tilespmem:$0x4080] =	vst v63  }
0x1e: {  	_ =	swait.ge [sflag:s9], $0x4000  }
.Ltmp0:
0x1f: {  	[sflag:s9] =	ssyncset.done $0x0;
	(pc) =	sbr.rel @p0 .LBB2_2-.Ltmp0, $4  }
0x20: {  	[sflag:s9] =	ssyncadd.s32 $0xFFFFC000  }
0x21: {  	[hbm4b:s11+s2] =	stream.linear.scatter [tilespmem:s8], [sflag:$0x2], $0x4000, $0x38;
	[tilespmem:$0x4080] =	vst v63  }
0x22: {  	_ =	swait.ge [sflag:s7], $0x4000  }
0x23: {  	s13 =	smov.u32 s15;
	s11 =	sadd.s32 $0x800, s11;
	[sflag:s7] =	ssyncset.done $0x0  }
0x24: {  	s12 =	sadd.s32 s12, s6;
	[sflag:s7] =	ssyncadd.s32 $0xFFFFC000  }
0x25: {  	[tilespmem:s2], [sflag:$0x2] =	stream.linear.gather [hbm4b:s12+s2], $0x80, $0x38;
	[tilespmem:$0x4080] =	vst v63  }
0x26: {  	_ =	swait.ge [sflag:s7], $0x80  }
0x27: {  	[sflag:s7] =	ssyncset.done $0x0  }
0x28: {  	[sflag:s7] =	ssyncadd.s32 $0xFFFFFF80  }
0x29: {  	[tilespmem:s8], [sflag:$0x1] =	stream.indirect.gather [hbm4b:s3+s8], $0x80, s2, s8, $0xb8;
	[tilespmem:$0x4080] =	vst v63  }
0x2a: {  	s10 =	sadd.s32 $0x1, s10;
	_ =	swait.ge [sflag:s9], $0x4000  }
0x2b: {  	p0 =	sne.s32 s10, s4;
	[sflag:s9] =	ssyncset.done $0x0  }
.Ltmp1:
0x2c: {  	[sflag:s9] =	ssyncadd.s32 $0xFFFFC000;
	(pc) =	sbr.rel @p0 .LBB2_1-.Ltmp1, $4  }
0x2d: {  	[hbm4b:s11+s2] =	stream.linear.scatter [tilespmem:s8], [sflag:$0x2], $0x4000, $0x38;
	[tilespmem:$0x4080] =	vst v63  }
0x2e: {  	_ =	swait.ge [sflag:s7], $0x4000  }
0x2f: {  	[sflag:s7] =	ssyncset.done $0x0  }
0x30: {  	[sflag:s7] =	ssyncadd.s32 $0xFFFFC000  }
0x31: {  	_ =	sfence.sel $0x180000  }
0x32: {  	[bflag:$0x0] =	sbarrier.arrive $0xFFFF  }
0x33: {  	p0 =	sne.s32 s1, $0x0;
	_ =	strace $0x9000004D  }
0x34: {  	s0 =	sadd.s32 @!p0 $0x100000, s0;
	[bflag:$0x2] =	sbarrier.arrive $0xFFFF  }
0x35: {  	[sflag:s0] =	ssyncadd.tile.s32 @!p0 $0x1;
	_ =	shalt  }
.Lfunc_end2:
_tile_overlayer_lowered:
.L_overlay_start_2:
0x36: {  	(tag) =	ssettag $0x2  }
0x37: {  	s0 =	rddreg [dreg:$0x0];
	s2 =	stileid.u32  }
0x38: {  	s1 =	rddreg [dreg:$0x1];
	p0 =	sne.s32 s2, $0x0  }
0x39: {  	s3 =	rddreg [dreg:$0x2];
	[bflag:$0x3] =	sbarrier.arrive $0xFFFF;
	s2 =	simm.s32 @!p0 $0x1C02  }
0x3a: {  	[timem:s3], [sflag:s2] =	dma.local @!p0 [hbm:s0], s1  }
0x3b: {  	s0 =	simm.s32 @!p0 $0x2  }
0x3c: {  	_ =	swait.ge @!p0 [sflag:s0], s1  }
0x3d: {  	s1 =	ssub.s32 @!p0 $0x0, s1;
	[sflag:s0] =	ssyncset.done @!p0 $0x0  }
0x3e: {  	[sflag:s0] =	ssyncadd.s32 @!p0 s1  }
0x3f: {  	[bflag:$0x3] =	sbarrier.arrive $0xFFFF  }
0x40: {  	_ =	shalt  }

// kernel: kernel.17.cloned.1.call-start
scs
__scs_entry_jumppad:
0x0: {  	(pc) =	sbr.rel $0x88, $3  }
0x1: {  	(tag) =	ssettag $0x0;
	lr =	simm.s32 $0x1  }
0x2: {  	[smem:$0x3F8A] =	sst lr;
	_ =	strace $0xD0000000  }
0x3: {  	_ = 	snop  }
0x4: {  	_ = 	snop  }
0x5: {  	_ = 	snop  }
0x6: {  	_ = 	snop  }
0x7: {  	_ = 	snop  }
__scs_overlays_trampoline_lowered:
0x8: {  	[smem:$0x3F99] =	sst s0  }
0x9: {  	[smem:$0x3F9A] =	sst s1  }
0xa: {  	[smem:$0x3F9B] =	sst s2  }
0xb: {  	[smem:$0x3F9C] =	sst s3  }
0xc: {  	[smem:$0x3F9D] =	sst s4  }
0xd: {  	[smem:$0x3F9E] =	sst s5  }
0xe: {  	[smem:$0x3F9F] =	sst s6  }
0xf: {  	[smem:$0x3FA0] =	sst s7  }
0x10: {  	[smem:$0x3FA1] =	sst s8  }
0x11: {  	[smem:$0x3FA2] =	sst s9;
	s0 =	simm.s32 @!p0 $0x0  }
0x12: {  	s1 =	sld [smem:$0x3F88];
	s0 =	simm.s32 @p0 $0x1  }
0x13: {  	[smem:$0x3FA3] =	sst s0;
	s0 =	simm.s32 @!p1 $0x0  }
0x14: {  	s2 =	sld [smem:$0x3F87];
	s0 =	simm.s32 @p1 $0x1  }
0x15: {  	[smem:$0x3FA4] =	sst s0;
	s0 =	simm.s32 @!p2 $0x0  }
0x16: {  	s3 =	sld [smem:$0x3FDB];
	s0 =	simm.s32 @p2 $0x1  }
0x17: {  	s4 =	simm.s32 $0x1BF5;
	[smem:$0x3FA6] =	sst s0  }
0x18: {  	s0 =	sld [smem:$0x3F89];
	_ =	swait.ge [sflag:s4], $0x0  }
0x19: {  	s7 =	sld [smem:$0x3F8A]  }
0x1a: {  	s8 =	sadd.s32 $0xFFFFE003, lr  }
0x1b: {  	s9 =	sadd.s32 $0xFFFFFEF7, lr;
	s5 =	simm.s32 $0xFFFFFFFF;
	p2 =	slt.u32 s8, $0xFFFFF086  }
0x1c: {  	p1 =	slt.u32 s9, $0xF7A;
	s5 =	simm.s32 @!p2 $0x0  }
0x1d: {  	s5 =	simm.s32 @p1 $0x1;
	p0 =	seq.s32 s7, s2  }
0x1e: {  	s7 =	smul.u32 @!p0 $0xF7A, s2;
	p2 =	seq.s32 @!p0 s5, $0x0  }
0x1f: {  	s9 =	smul.u32 $0xF7A, s1;
	s8 =	simm.s32 @!p0 $0x1BF5;
	p2 =	por !p2, p0  }
0x20: {  	[sflag:s8] =	ssyncset.s32 @!p0 $0xFFFFF086;
	s6 =	sadd.s32 @!p0 s3, s7;
	s7 =	simm.s32 @!p0 $0x108  }
0x21: {  	s3 =	sadd.s32 s3, s9;
	s6 =	sadd.s32 @!p0 $0x88, s6;
	s7 =	simm.s32 @p2 $0x1082  }
0x22: {  	[simem:s7], [sflag:s8] =	dma.local @!p0 [hbm:s6], $0xF7A  }
0x23: {  	s9 =	sor.u32 $0xD0000000, s2;
	s6 =	simm.s32 $0x108;
	_ =	swait.ge @!p0 [sflag:s8], $0x0  }
0x24: {  	s3 =	sadd.s32 $0x88, s3;
	s6 =	simm.s32 @!p1 $0x1082;
	[sflag:s4] =	ssyncset.s32 $0xFFFFF086  }
0x25: {  	[simem:s6], [sflag:s4] =	dma.local [hbm:s3], $0xF7A  }
0x26: {  	[smem:$0x3F8A] =	sst s1;
	(tag) =	ssettag s2;
	_ =	strace s9  }
0x27: {  	s1 =	sld [smem:$0x3F9A]  }
0x28: {  	s2 =	sld [smem:$0x3F9B]  }
0x29: {  	s4 =	sld [smem:$0x3F9D]  }
0x2a: {  	p0 =	seq.s32 s5, $0x0;
	s5 =	sld [smem:$0x3F9E]  }
0x2b: {  	s6 =	sld [smem:$0x3F9F]  }
0x2c: {  	s7 =	sld [smem:$0x3FA0]  }
0x2d: {  	s3 =	simm.s32 $0x108;
	s8 =	sld [smem:$0x3FA1]  }
0x2e: {  	s3 =	simm.s32 @!p0 $0x1082;
	s9 =	sld [smem:$0x3FA2]  }
0x2f: {  	lr =	sadd.s32 s0, s3;
	s0 =	sld [smem:$0x3F99]  }
0x30: {  	s3 =	sld [smem:$0x3F9C]  }
0x31: {  	[smem:$0x3FA5] =	sst s10  }
0x32: {  	s10 =	sld [smem:$0x3FA3];
	_ =	sdelay $0x3  }
0x33: {  	p0 =	seq.s32 s10, $0x1;
	s10 =	sld [smem:$0x3FA5];
	_ =	sdelay $0x3  }
0x34: {  	[smem:$0x3FA5] =	sst s10  }
0x35: {  	s10 =	sld [smem:$0x3FA4];
	_ =	sdelay $0x3  }
0x36: {  	p1 =	seq.s32 s10, $0x1;
	s10 =	sld [smem:$0x3FA5];
	_ =	sdelay $0x3  }
0x37: {  	[smem:$0x3FA5] =	sst s10  }
0x38: {  	s10 =	sld [smem:$0x3FA6]  }
0x39: {  	_ = 	snop;
	(pc) =	sbr.ind lr, $3  }
0x3a: {  	_ = 	snop  }
0x3b: {  	_ = 	snop  }
0x3c: {  	p2 =	seq.s32 s10, $0x1;
	s10 =	sld [smem:$0x3FA5]  }
0x3d: {  	_ =	shalt  }
0x3e: {  	_ =	shalt  }
0x3f: {  	_ =	shalt  }
0x40: {  	_ =	shalt  }
0x41: {  	_ =	shalt  }
0x42: {  	_ =	shalt  }
0x43: {  	_ =	shalt  }
0x44: {  	_ =	shalt  }
0x45: {  	_ =	shalt  }
0x46: {  	_ =	shalt  }
0x47: {  	_ =	shalt  }
0x48: {  	_ =	shalt  }
0x49: {  	_ =	shalt  }
0x4a: {  	_ =	shalt  }
0x4b: {  	_ =	shalt  }
0x4c: {  	_ =	shalt  }
0x4d: {  	_ =	shalt  }
0x4e: {  	_ =	shalt  }
0x4f: {  	_ =	shalt  }
0x50: {  	_ =	shalt  }
0x51: {  	_ =	shalt  }
0x52: {  	_ =	shalt  }
0x53: {  	_ =	shalt  }
0x54: {  	_ =	shalt  }
0x55: {  	_ =	shalt  }
0x56: {  	_ =	shalt  }
0x57: {  	_ =	shalt  }
0x58: {  	_ =	shalt  }
0x59: {  	_ =	shalt  }
0x5a: {  	_ =	shalt  }
0x5b: {  	_ =	shalt  }
0x5c: {  	_ =	shalt  }
0x5d: {  	_ =	shalt  }
0x5e: {  	_ =	shalt  }
0x5f: {  	_ =	shalt  }
0x60: {  	_ =	shalt  }
0x61: {  	_ =	shalt  }
0x62: {  	_ =	shalt  }
0x63: {  	_ =	shalt  }
0x64: {  	_ =	shalt  }
0x65: {  	_ =	shalt  }
0x66: {  	_ =	shalt  }
0x67: {  	_ =	shalt  }
0x68: {  	_ =	shalt  }
0x69: {  	_ =	shalt  }
0x6a: {  	_ =	shalt  }
0x6b: {  	_ =	shalt  }
0x6c: {  	_ =	shalt  }
0x6d: {  	_ =	shalt  }
0x6e: {  	_ =	shalt  }
0x6f: {  	_ =	shalt  }
0x70: {  	_ =	shalt  }
0x71: {  	_ =	shalt  }
0x72: {  	_ =	shalt  }
0x73: {  	_ =	shalt  }
0x74: {  	_ =	shalt  }
0x75: {  	_ =	shalt  }
0x76: {  	_ =	shalt  }
0x77: {  	_ =	shalt  }
0x78: {  	_ =	shalt  }
0x79: {  	_ =	shalt  }
0x7a: {  	_ =	shalt  }
0x7b: {  	_ =	shalt  }
0x7c: {  	_ =	shalt  }
0x7d: {  	_ =	shalt  }
0x7e: {  	_ =	shalt  }
0x7f: {  	_ =	shalt  }
0x80: {  	_ =	shalt  }
0x81: {  	_ =	shalt  }
0x82: {  	_ =	shalt  }
0x83: {  	_ =	shalt  }
0x84: {  	_ =	shalt  }
0x85: {  	_ =	shalt  }
0x86: {  	_ =	shalt  }
0x87: {  	_ =	shalt  }
.Lfunc_end0:
.L_simem_size_0:
called_computation.2_lowered:
.L_overlay_start_0:
0x88: {  	s2 =	sld [smem:$0x3FD9]  }
0x89: {  	s3 =	sld [smem:$0x3FFE];
	_ =	sdelay $0x1  }
0x8a: {  	s1 =	srdreg.scid  }
0x8b: {  	s0 =	sand.u32 $0x1, s1  }
0x8c: {  	s17 =	sshll.u32 s0, $0xA;
	s2 =	sadd.s32 s3, s2  }
0x8d: {  	s2 =	sadd.s32 s2, s17  }
0x8e: {  	[smem:$0x3FB1] =	sst s2  }
0x8f: {  	_ = 	snop  }
0x90: {  	(tm) =	ssettm $0x1  }
0x91: {  	s18 =	sld [smem:$0x3FFB];
	_ =	sdelay $0x3  }
0x92: {  	_ =	strace s18  }
0x93: {  	s2 =	sld [smem:$0x3FFC];
	_ =	sdelay $0x3  }
0x94: {  	_ =	strace s2  }
0x95: {  	s2 =	sld [smem:$0x3FFD];
	_ =	sdelay $0x3  }
0x96: {  	_ =	strace s2  }
0x97: {  	_ =	strace $0x8FFFFFFF  }
0x98: {  	s19 =	sld [smem:$0x3FDB];
	_ =	sdelay $0x1  }
0x99: {  	s20 =	simm.s32 $_scs_section_size  }
0x9a: {  	s4 =	simm.s32 $_size__tile_overlayer_lowered;
	s5 =	simm.s32 $_tile_overlayer_lowered  }
0x9b: {  	s6 =	simm.s32 $0x1BFF;
	s21 =	sshll.u32 s5, $0x1;
	s3 =	sadd.s32 s20, s19  }
0x9c: {  	s22 =	simm.s32 $0x0;
	s4 =	sshll.u32 s4, $0x1;
	s5 =	sadd.s32 s21, s3  }
0x9d: {  	[timem:s22], [sflag:s6] =	dma.local [hbm:s5], s4  }
0x9e: {  	_ =	swait.ge [sflag:s6], s4  }
0x9f: {  	s4 =	ssub.s32 $0x0, s4;
	[sflag:s6] =	ssyncset.done $0x0  }
0xa0: {  	[sflag:s6] =	ssyncadd.s32 s4;
	_ =	sdelay $0x1  }
0xa1: {  	s23 =	simm.s32 $0x1B8B  }
0xa2: {  	_ =	swait.ge [sflag:s23], $0x1  }
0xa3: {  	[sflag:s23] =	ssyncset.done $0x0  }
0xa4: {  	[sflag:s23] =	ssyncadd.s32 $0xFFFFFFFF  }
0xa5: {  	s4 =	sld [smem:$0x0]  }
0xa6: {  	s5 =	sand.u32 $0xFFFFFFFE, s1  }
0xa7: {  	p0 =	sne.s32 s1, s5  }
0xa8: {  	s5 =	sshll.u32 @p0 s5, $0xE  }
0xa9: {  	s5 =	sadd.s32 @p0 $0x11B8D, s5;
	s6 =	sshll.u32 @p0 s4, $0x11  }
0xaa: {  	s5 =	sor.u32 @p0 s6, s5  }
0xab: {  	[sflag:s5] =	ssyncadd.remote.s32 @p0 $0x1;
	_ =	sdelay $0x1  }
0xac: {  	s5 =	simm.s32 @p0 $0x1B8D  }
0xad: {  	_ =	swait.eq @p0 [sflag:s5], $0x1  }
0xae: {  	[sflag:s5] =	ssyncadd.s32 @p0 $0xFFFFFFFF  }
0xaf: {  	s6 =	sshll.u32 @!p0 s1, $0xE  }
0xb0: {  	s6 =	sor.u32 @!p0 $0x4000, s6;
	s5 =	simm.s32 @!p0 $0x1B8D  }
0xb1: {  	s4 =	sshll.u32 @!p0 s4, $0x11;
	s6 =	sadd.s32 @!p0 $0x11B8D, s6;
	_ =	swait.eq @!p0 [sflag:s5], $0x1  }
0xb2: {  	s4 =	sor.u32 @!p0 s4, s6;
	[sflag:s5] =	ssyncadd.s32 @!p0 $0xFFFFFFFF  }
0xb3: {  	s25 =	simm.s32 $0x1B8E;
	s24 =	sld [smem:$0x3FFE];
	[sflag:s4] =	ssyncadd.remote.s32 @!p0 $0x1  }
0xb4: {  	s26 =	simm.s32 $execute0_lowered;
	[smem:$0x3FD2] =	sst s25  }
0xb5: {  	s5 =	sshll.u32 s26, $0x1;
	_ =	strace $0x80000049;
	[dreg:$0x1] =	wrdreg $0xFFFFFFFF  }
0xb6: {  	s28 =	simm.s32 $_size_execute0_lowered;
	s3 =	sadd.s32 s3, s5;
	[dreg:$0x0] =	wrdreg $0x0  }
0xb7: {  	s5 =	sshll.u32 s28, $0x1;
	[dreg:$0x2] =	wrdreg s3  }
0xb8: {  	[dreg:$0x3] =	wrdreg s5  }
0xb9: {  	[dreg:$0x4] =	wrdreg $0xC0  }
0xba: {  	_ =	task [dreg:s22], $0x5FFFF  }
0xbb: {  	[dreg:$0x1] =	wrdreg $0xFFFFFFFF  }
0xbc: {  	[dreg:$0x0] =	wrdreg $0x60  }
0xbd: {  	[dreg:$0x2] =	wrdreg s24  }
0xbe: {  	[dreg:$0x3] =	wrdreg $0xB  }
0xbf: {  	_ =	task.clear_ibuf [dreg:s22], $0x4FFFF;
	_ =	strace $0x90000049  }
0xc0: {  	s29 =	simm.s32 $0xB;
	_ =	strace $0x8000004B  }
0xc1: {  	_ =	swait.ge [sflag:s29], $0x1  }
0xc2: {  	[sflag:s29] =	ssyncadd.s32 $0xFFFFFFFF  }
0xc3: {  	_ =	strace $0x9000004B  }
0xc4: {  	_ =	sfence  }
0xc5: {  	s30 =	sld [smem:$0x0];
	_ =	sdelay $0x2  }
0xc6: {  	s31 =	sshll.u32 s1, $0xD;
	s1 =	sshrl.u32 s1, $0x2  }
0xc7: {  	s4 =	sand.u32 $0x4000, s31;
	s1 =	sadd.s32 s1, s30  }
0xc8: {  	s0 =	sor.u32 s4, s0;
	s1 =	sshll.u32 s1, $0x11  }
0xc9: {  	s0 =	sor.u32 s1, s0  }
0xca: {  	s0 =	sadd.s32 $0x8F2B, s0  }
0xcb: {  	[sflag:s0] =	ssyncadd.remote.s32 $0x1  }
0xcc: {  	_ =	sfence.sel $0xFFFF  }
0xcd: {  	[dreg:$0x0] =	wrdreg $0xFFFFFFFF;
	(pc) =	sbr.abs _section_cstart, $3  }
0xce: {  	[dreg:$0x1] =	wrdreg $0xFFFFFFFF  }
0xcf: {  	_ =	task.clear_ibuf [dreg:s22], $0x2FFFF;
	_ =	strace $0x9FFFFFFF  }
0xd0: {  	(tm) =	ssettm $0x7FFFFFFF  }
0xd1: {  	_ =	shalt  }
tec
execute0_lowered:
.L_overlay_start_1:
0x0: {  	(tag) =	ssettag $0x1  }
0x1: {  	s4 =	rddreg [dreg:$0x0]  }
0x2: {  	s0 =	rddreg [dreg:$0x1];
	s2 =	simm.s32 $0x0;
	s1 =	stileid.u32  }
0x3: {  	s3 =	srdreg.scid;
	s10 =	simm.s32 $0x0;
	s6 =	smul.u32 $0xA00, s1  }
0x4: {  	[smem:$0x7FF] =	sst s2;
	s5 =	sand.u32 $0x1, s3;
	s8 =	smul.u32 $0xA000, s1  }
0x5: {  	s3 =	sadd.s32 $0x8A00, s4;
	s7 =	smul.u32 $0x500, s5;
	s9 =	ssub.s32 $0x2, s5  }
0x6: {  	_ =	strace $0x8000004A;
	s5 =	smul.u32 $0x5000, s5;
	s31 =	sshrl.u32 s9, $0x1  }
0x7: {  	s8 =	sadd.s32 s8, s4;
	s6 =	sadd.s32 s7, s6;
	s7 =	ssub.s32 s9, s31  }
0x8: {  	s5 =	sadd.s32 s5, s8;
	s8 =	simm.s32 $0x80;
	s6 =	sshrl.u32 s6, $0x3  }
0x9: {  	s9 =	simm.s32 $0x1;
	s5 =	sadd.s32 $0x2FC00, s5;
	s6 =	sadd.s32 s6, s4  }
0xa: {  	s4 =	smax.u32 s7, $0x1;
	s7 =	simm.s32 $0x2;
	s6 =	sadd.s32 $0x6200, s6  }
.LBB2_1:
0xb: {  	s11 =	sadd.s32 $0x0, s6  }
0xc: {  	[tilespmem:s2], [sflag:$0x2] =	stream.linear.gather [hbm4b:s11+s2], $0x80, $0x38;
	[tilespmem:$0x4080] =	vst v63  }
0xd: {  	_ =	swait.ge [sflag:s7], $0x80  }
0xe: {  	[sflag:s7] =	ssyncset.done $0x0  }
0xf: {  	[sflag:s7] =	ssyncadd.s32 $0xFFFFFF80  }
0x10: {  	[tilespmem:s8], [sflag:$0x1] =	stream.indirect.gather [hbm4b:s3+s8], $0x80, s2, s8, $0xb8;
	[tilespmem:$0x4080] =	vst v63  }
0x11: {  	_ =	swait.ge [sflag:s9], $0x4000  }
0x12: {  	[sflag:s9] =	ssyncset.done $0x0  }
0x13: {  	[sflag:s9] =	ssyncadd.s32 $0xFFFFC000  }
0x14: {  	[hbm4b:s5+s2] =	stream.linear.scatter [tilespmem:s8], [sflag:$0x2], $0x4000, $0x38;
	[tilespmem:$0x4080] =	vst v63  }
0x15: {  	s12 =	simm.s32 $0x10;
	_ =	swait.ge [sflag:s7], $0x4000  }
0x16: {  	s13 =	simm.s32 $0x20;
	s11 =	sadd.s32 $0x800, s5;
	[sflag:s7] =	ssyncset.done $0x0  }
.LBB2_2:
0x17: {  	s14 =	sadd.s32 s12, s6  }
0x18: {  	[sflag:s7] =	ssyncadd.s32 $0xFFFFC000;
	s12 =	smov.u32 s13;
	s15 =	sadd.s32 $0x10, s13  }
0x19: {  	[tilespmem:s2], [sflag:$0x2] =	stream.linear.gather [hbm4b:s14+s2], $0x80, $0x38;
	[tilespmem:$0x4080] =	vst v63  }
0x1a: {  	p0 =	sne.s32 s13, $0x90;
	_ =	swait.ge [sflag:s7], $0x80  }
0x1b: {  	[sflag:s7] =	ssyncset.done $0x0  }
0x1c: {  	[sflag:s7] =	ssyncadd.s32 $0xFFFFFF80  }
0x1d: {  	[tilespmem:s8], [sflag:$0x1] =	stream.indirect.gather [hbm4b:s3+s8], $0x80, s2, s8, $0xb8;
	[tilespmem:$0x4080] =	vst v63  }
0x1e: {  	_ =	swait.ge [sflag:s9], $0x4000  }
.Ltmp0:
0x1f: {  	[sflag:s9] =	ssyncset.done $0x0;
	(pc) =	sbr.rel @p0 .LBB2_2-.Ltmp0, $4  }
0x20: {  	[sflag:s9] =	ssyncadd.s32 $0xFFFFC000  }
0x21: {  	[hbm4b:s11+s2] =	stream.linear.scatter [tilespmem:s8], [sflag:$0x2], $0x4000, $0x38;
	[tilespmem:$0x4080] =	vst v63  }
0x22: {  	_ =	swait.ge [sflag:s7], $0x4000  }
0x23: {  	s13 =	smov.u32 s15;
	s11 =	sadd.s32 $0x800, s11;
	[sflag:s7] =	ssyncset.done $0x0  }
0x24: {  	s12 =	sadd.s32 s12, s6;
	[sflag:s7] =	ssyncadd.s32 $0xFFFFC000  }
0x25: {  	[tilespmem:s2], [sflag:$0x2] =	stream.linear.gather [hbm4b:s12+s2], $0x80, $0x38;
	[tilespmem:$0x4080] =	vst v63  }
0x26: {  	_ =	swait.ge [sflag:s7], $0x80  }
0x27: {  	[sflag:s7] =	ssyncset.done $0x0  }
0x28: {  	[sflag:s7] =	ssyncadd.s32 $0xFFFFFF80  }
0x29: {  	[tilespmem:s8], [sflag:$0x1] =	stream.indirect.gather [hbm4b:s3+s8], $0x80, s2, s8, $0xb8;
	[tilespmem:$0x4080] =	vst v63  }
0x2a: {  	s10 =	sadd.s32 $0x1, s10;
	_ =	swait.ge [sflag:s9], $0x4000  }
0x2b: {  	p0 =	sne.s32 s10, s4;
	[sflag:s9] =	ssyncset.done $0x0  }
.Ltmp1:
0x2c: {  	[sflag:s9] =	ssyncadd.s32 $0xFFFFC000;
	(pc) =	sbr.rel @p0 .LBB2_1-.Ltmp1, $4  }
0x2d: {  	[hbm4b:s11+s2] =	stream.linear.scatter [tilespmem:s8], [sflag:$0x2], $0x4000, $0x38;
	[tilespmem:$0x4080] =	vst v63  }
0x2e: {  	_ =	swait.ge [sflag:s7], $0x4000  }
0x2f: {  	[sflag:s7] =	ssyncset.done $0x0  }
0x30: {  	[sflag:s7] =	ssyncadd.s32 $0xFFFFC000  }
0x31: {  	_ =	sfence.sel $0x180000  }
0x32: {  	[bflag:$0x0] =	sbarrier.arrive $0xFFFF  }
0x33: {  	p0 =	sne.s32 s1, $0x0;
	_ =	strace $0x9000004A  }
0x34: {  	s0 =	sadd.s32 @!p0 $0x100000, s0;
	[bflag:$0x2] =	sbarrier.arrive $0xFFFF  }
0x35: {  	[sflag:s0] =	ssyncadd.tile.s32 @!p0 $0x1;
	_ =	shalt  }
.Lfunc_end2:
_tile_overlayer_lowered:
.L_overlay_start_2:
0x36: {  	(tag) =	ssettag $0x2  }
0x37: {  	s0 =	rddreg [dreg:$0x0];
	s2 =	stileid.u32  }
0x38: {  	s1 =	rddreg [dreg:$0x1];
	p0 =	sne.s32 s2, $0x0  }
0x39: {  	s3 =	rddreg [dreg:$0x2];
	[bflag:$0x3] =	sbarrier.arrive $0xFFFF;
	s2 =	simm.s32 @!p0 $0x1C02  }
0x3a: {  	[timem:s3], [sflag:s2] =	dma.local @!p0 [hbm:s0], s1  }
0x3b: {  	s0 =	simm.s32 @!p0 $0x2  }
0x3c: {  	_ =	swait.ge @!p0 [sflag:s0], s1  }
0x3d: {  	s1 =	ssub.s32 @!p0 $0x0, s1;
	[sflag:s0] =	ssyncset.done @!p0 $0x0  }
0x3e: {  	[sflag:s0] =	ssyncadd.s32 @!p0 s1  }
0x3f: {  	[bflag:$0x3] =	sbarrier.arrive $0xFFFF  }
0x40: {  	_ =	shalt  }

// kernel: kernel.20.cloned.1.call-start
scs
__scs_entry_jumppad:
0x0: {  	(pc) =	sbr.rel $0x88, $3  }
0x1: {  	(tag) =	ssettag $0x0;
	lr =	simm.s32 $0x1  }
0x2: {  	[smem:$0x3F8A] =	sst lr;
	_ =	strace $0xD0000000  }
0x3: {  	_ = 	snop  }
0x4: {  	_ = 	snop  }
0x5: {  	_ = 	snop  }
0x6: {  	_ = 	snop  }
0x7: {  	_ = 	snop  }
__scs_overlays_trampoline_lowered:
0x8: {  	[smem:$0x3F99] =	sst s0  }
0x9: {  	[smem:$0x3F9A] =	sst s1  }
0xa: {  	[smem:$0x3F9B] =	sst s2  }
0xb: {  	[smem:$0x3F9C] =	sst s3  }
0xc: {  	[smem:$0x3F9D] =	sst s4  }
0xd: {  	[smem:$0x3F9E] =	sst s5  }
0xe: {  	[smem:$0x3F9F] =	sst s6  }
0xf: {  	[smem:$0x3FA0] =	sst s7  }
0x10: {  	[smem:$0x3FA1] =	sst s8  }
0x11: {  	[smem:$0x3FA2] =	sst s9;
	s0 =	simm.s32 @!p0 $0x0  }
0x12: {  	s1 =	sld [smem:$0x3F88];
	s0 =	simm.s32 @p0 $0x1  }
0x13: {  	[smem:$0x3FA3] =	sst s0;
	s0 =	simm.s32 @!p1 $0x0  }
0x14: {  	s2 =	sld [smem:$0x3F87];
	s0 =	simm.s32 @p1 $0x1  }
0x15: {  	[smem:$0x3FA4] =	sst s0;
	s0 =	simm.s32 @!p2 $0x0  }
0x16: {  	s3 =	sld [smem:$0x3FDB];
	s0 =	simm.s32 @p2 $0x1  }
0x17: {  	s4 =	simm.s32 $0x1BF5;
	[smem:$0x3FA6] =	sst s0  }
0x18: {  	s0 =	sld [smem:$0x3F89];
	_ =	swait.ge [sflag:s4], $0x0  }
0x19: {  	s7 =	sld [smem:$0x3F8A]  }
0x1a: {  	s8 =	sadd.s32 $0xFFFFE003, lr  }
0x1b: {  	s9 =	sadd.s32 $0xFFFFFEF7, lr;
	s5 =	simm.s32 $0xFFFFFFFF;
	p2 =	slt.u32 s8, $0xFFFFF086  }
0x1c: {  	p1 =	slt.u32 s9, $0xF7A;
	s5 =	simm.s32 @!p2 $0x0  }
0x1d: {  	s5 =	simm.s32 @p1 $0x1;
	p0 =	seq.s32 s7, s2  }
0x1e: {  	s7 =	smul.u32 @!p0 $0xF7A, s2;
	p2 =	seq.s32 @!p0 s5, $0x0  }
0x1f: {  	s9 =	smul.u32 $0xF7A, s1;
	s8 =	simm.s32 @!p0 $0x1BF5;
	p2 =	por !p2, p0  }
0x20: {  	[sflag:s8] =	ssyncset.s32 @!p0 $0xFFFFF086;
	s6 =	sadd.s32 @!p0 s3, s7;
	s7 =	simm.s32 @!p0 $0x108  }
0x21: {  	s3 =	sadd.s32 s3, s9;
	s6 =	sadd.s32 @!p0 $0x88, s6;
	s7 =	simm.s32 @p2 $0x1082  }
0x22: {  	[simem:s7], [sflag:s8] =	dma.local @!p0 [hbm:s6], $0xF7A  }
0x23: {  	s9 =	sor.u32 $0xD0000000, s2;
	s6 =	simm.s32 $0x108;
	_ =	swait.ge @!p0 [sflag:s8], $0x0  }
0x24: {  	s3 =	sadd.s32 $0x88, s3;
	s6 =	simm.s32 @!p1 $0x1082;
	[sflag:s4] =	ssyncset.s32 $0xFFFFF086  }
0x25: {  	[simem:s6], [sflag:s4] =	dma.local [hbm:s3], $0xF7A  }
0x26: {  	[smem:$0x3F8A] =	sst s1;
	(tag) =	ssettag s2;
	_ =	strace s9  }
0x27: {  	s1 =	sld [smem:$0x3F9A]  }
0x28: {  	s2 =	sld [smem:$0x3F9B]  }
0x29: {  	s4 =	sld [smem:$0x3F9D]  }
0x2a: {  	p0 =	seq.s32 s5, $0x0;
	s5 =	sld [smem:$0x3F9E]  }
0x2b: {  	s6 =	sld [smem:$0x3F9F]  }
0x2c: {  	s7 =	sld [smem:$0x3FA0]  }
0x2d: {  	s3 =	simm.s32 $0x108;
	s8 =	sld [smem:$0x3FA1]  }
0x2e: {  	s3 =	simm.s32 @!p0 $0x1082;
	s9 =	sld [smem:$0x3FA2]  }
0x2f: {  	lr =	sadd.s32 s0, s3;
	s0 =	sld [smem:$0x3F99]  }
0x30: {  	s3 =	sld [smem:$0x3F9C]  }
0x31: {  	[smem:$0x3FA5] =	sst s10  }
0x32: {  	s10 =	sld [smem:$0x3FA3];
	_ =	sdelay $0x3  }
0x33: {  	p0 =	seq.s32 s10, $0x1;
	s10 =	sld [smem:$0x3FA5];
	_ =	sdelay $0x3  }
0x34: {  	[smem:$0x3FA5] =	sst s10  }
0x35: {  	s10 =	sld [smem:$0x3FA4];
	_ =	sdelay $0x3  }
0x36: {  	p1 =	seq.s32 s10, $0x1;
	s10 =	sld [smem:$0x3FA5];
	_ =	sdelay $0x3  }
0x37: {  	[smem:$0x3FA5] =	sst s10  }
0x38: {  	s10 =	sld [smem:$0x3FA6]  }
0x39: {  	_ = 	snop;
	(pc) =	sbr.ind lr, $3  }
0x3a: {  	_ = 	snop  }
0x3b: {  	_ = 	snop  }
0x3c: {  	p2 =	seq.s32 s10, $0x1;
	s10 =	sld [smem:$0x3FA5]  }
0x3d: {  	_ =	shalt  }
0x3e: {  	_ =	shalt  }
0x3f: {  	_ =	shalt  }
0x40: {  	_ =	shalt  }
0x41: {  	_ =	shalt  }
0x42: {  	_ =	shalt  }
0x43: {  	_ =	shalt  }
0x44: {  	_ =	shalt  }
0x45: {  	_ =	shalt  }
0x46: {  	_ =	shalt  }
0x47: {  	_ =	shalt  }
0x48: {  	_ =	shalt  }
0x49: {  	_ =	shalt  }
0x4a: {  	_ =	shalt  }
0x4b: {  	_ =	shalt  }
0x4c: {  	_ =	shalt  }
0x4d: {  	_ =	shalt  }
0x4e: {  	_ =	shalt  }
0x4f: {  	_ =	shalt  }
0x50: {  	_ =	shalt  }
0x51: {  	_ =	shalt  }
0x52: {  	_ =	shalt  }
0x53: {  	_ =	shalt  }
0x54: {  	_ =	shalt  }
0x55: {  	_ =	shalt  }
0x56: {  	_ =	shalt  }
0x57: {  	_ =	shalt  }
0x58: {  	_ =	shalt  }
0x59: {  	_ =	shalt  }
0x5a: {  	_ =	shalt  }
0x5b: {  	_ =	shalt  }
0x5c: {  	_ =	shalt  }
0x5d: {  	_ =	shalt  }
0x5e: {  	_ =	shalt  }
0x5f: {  	_ =	shalt  }
0x60: {  	_ =	shalt  }
0x61: {  	_ =	shalt  }
0x62: {  	_ =	shalt  }
0x63: {  	_ =	shalt  }
0x64: {  	_ =	shalt  }
0x65: {  	_ =	shalt  }
0x66: {  	_ =	shalt  }
0x67: {  	_ =	shalt  }
0x68: {  	_ =	shalt  }
0x69: {  	_ =	shalt  }
0x6a: {  	_ =	shalt  }
0x6b: {  	_ =	shalt  }
0x6c: {  	_ =	shalt  }
0x6d: {  	_ =	shalt  }
0x6e: {  	_ =	shalt  }
0x6f: {  	_ =	shalt  }
0x70: {  	_ =	shalt  }
0x71: {  	_ =	shalt  }
0x72: {  	_ =	shalt  }
0x73: {  	_ =	shalt  }
0x74: {  	_ =	shalt  }
0x75: {  	_ =	shalt  }
0x76: {  	_ =	shalt  }
0x77: {  	_ =	shalt  }
0x78: {  	_ =	shalt  }
0x79: {  	_ =	shalt  }
0x7a: {  	_ =	shalt  }
0x7b: {  	_ =	shalt  }
0x7c: {  	_ =	shalt  }
0x7d: {  	_ =	shalt  }
0x7e: {  	_ =	shalt  }
0x7f: {  	_ =	shalt  }
0x80: {  	_ =	shalt  }
0x81: {  	_ =	shalt  }
0x82: {  	_ =	shalt  }
0x83: {  	_ =	shalt  }
0x84: {  	_ =	shalt  }
0x85: {  	_ =	shalt  }
0x86: {  	_ =	shalt  }
0x87: {  	_ =	shalt  }
.Lfunc_end0:
.L_simem_size_0:
called_computation.3_lowered:
.L_overlay_start_0:
0x88: {  	s2 =	sld [smem:$0x3FD9]  }
0x89: {  	s3 =	sld [smem:$0x3FFE];
	_ =	sdelay $0x1  }
0x8a: {  	s1 =	srdreg.scid  }
0x8b: {  	s0 =	sand.u32 $0x1, s1  }
0x8c: {  	s17 =	sshll.u32 s0, $0xA;
	s2 =	sadd.s32 s3, s2  }
0x8d: {  	s2 =	sadd.s32 s2, s17  }
0x8e: {  	[smem:$0x3FB1] =	sst s2  }
0x8f: {  	_ = 	snop  }
0x90: {  	s2 =	sld [smem:$0x3FD0];
	(tm) =	ssettm $0x1  }
0x91: {  	s18 =	sld [smem:$0x3FFB];
	_ =	sdelay $0x3  }
0x92: {  	_ =	strace s18  }
0x93: {  	s3 =	sld [smem:$0x3FFC];
	_ =	sdelay $0x3  }
0x94: {  	_ =	strace s3  }
0x95: {  	s3 =	sld [smem:$0x3FFD];
	_ =	sdelay $0x3  }
0x96: {  	_ =	strace s3  }
0x97: {  	_ =	strace $0x8FFFFFFF  }
0x98: {  	s19 =	sld [smem:$0x3FDB];
	_ =	sdelay $0x1  }
0x99: {  	s4 =	simm.s32 $_scs_section_size  }
0x9a: {  	s5 =	simm.s32 $_size__tile_overlayer_lowered;
	s6 =	simm.s32 $_tile_overlayer_lowered  }
0x9b: {  	s22 =	simm.s32 $0x1BFF;
	s21 =	sshll.u32 s6, $0x1;
	s3 =	sadd.s32 s4, s19  }
0x9c: {  	s7 =	simm.s32 $0x0;
	s20 =	sshll.u32 s5, $0x1;
	s5 =	sadd.s32 s21, s3  }
0x9d: {  	[timem:s7], [sflag:s22] =	dma.local [hbm:s5], s20  }
0x9e: {  	_ =	swait.ge [sflag:s22], s20  }
0x9f: {  	s4 =	ssub.s32 $0x0, s20;
	[sflag:s22] =	ssyncset.done $0x0  }
0xa0: {  	[sflag:s22] =	ssyncadd.s32 s4;
	_ =	sdelay $0x1  }
0xa1: {  	s23 =	simm.s32 $0x1B8B  }
0xa2: {  	_ =	swait.ge [sflag:s23], $0x1  }
0xa3: {  	[sflag:s23] =	ssyncset.done $0x0  }
0xa4: {  	s25 =	simm.s32 $0x1B8E;
	s24 =	sld [smem:$0x3FFE];
	[sflag:s23] =	ssyncadd.s32 $0xFFFFFFFF  }
0xa5: {  	s26 =	simm.s32 $execute0_lowered;
	[smem:$0x3FD2] =	sst s25  }
0xa6: {  	s5 =	sshll.u32 s26, $0x1;
	_ =	strace $0x80000046;
	[dreg:$0x1] =	wrdreg $0xFFFFFFFF  }
0xa7: {  	s28 =	simm.s32 $_size_execute0_lowered;
	s3 =	sadd.s32 s3, s5;
	[dreg:$0x0] =	wrdreg $0x0  }
0xa8: {  	s5 =	sshll.u32 s28, $0x1;
	[dreg:$0x2] =	wrdreg s3  }
0xa9: {  	[dreg:$0x3] =	wrdreg s5  }
0xaa: {  	[dreg:$0x4] =	wrdreg $0xC0  }
0xab: {  	_ =	task [dreg:s7], $0x5FFFF  }
0xac: {  	[dreg:$0x1] =	wrdreg $0xFFFFFFFF  }
0xad: {  	[dreg:$0x0] =	wrdreg $0x60  }
0xae: {  	[dreg:$0x2] =	wrdreg s24  }
0xaf: {  	[dreg:$0x3] =	wrdreg s2  }
0xb0: {  	[dreg:$0x4] =	wrdreg $0xC  }
0xb1: {  	_ =	task.clear_ibuf [dreg:s7], $0x5FFFF;
	_ =	strace $0x90000046  }
0xb2: {  	s29 =	simm.s32 $0xC;
	_ =	strace $0x80000048  }
0xb3: {  	_ =	swait.ge [sflag:s29], $0x1  }
0xb4: {  	[sflag:s29] =	ssyncadd.s32 $0xFFFFFFFF  }
0xb5: {  	_ =	strace $0x90000048  }
0xb6: {  	_ =	sfence  }
0xb7: {  	s30 =	sld [smem:$0x0];
	_ =	sdelay $0x2  }
0xb8: {  	s31 =	sshll.u32 s1, $0xD;
	s1 =	sshrl.u32 s1, $0x2  }
0xb9: {  	s3 =	sand.u32 $0x4000, s31;
	s1 =	sadd.s32 s1, s30  }
0xba: {  	s0 =	sor.u32 s3, s0;
	s1 =	sshll.u32 s1, $0x11  }
0xbb: {  	s0 =	sor.u32 s1, s0  }
0xbc: {  	s0 =	sadd.s32 $0x8F2B, s0  }
0xbd: {  	[sflag:s0] =	ssyncadd.remote.s32 $0x1  }
0xbe: {  	_ =	sfence.sel $0xFFFF  }
0xbf: {  	[dreg:$0x0] =	wrdreg $0xFFFFFFFF;
	(pc) =	sbr.abs _section_cstart, $3  }
0xc0: {  	[dreg:$0x1] =	wrdreg $0xFFFFFFFF  }
0xc1: {  	_ =	task.clear_ibuf [dreg:s7], $0x2FFFF;
	_ =	strace $0x9FFFFFFF  }
0xc2: {  	(tm) =	ssettm $0x7FFFFFFF  }
0xc3: {  	_ =	shalt  }
tec
execute0_lowered:
.L_overlay_start_1:
0x0: {  	(tag) =	ssettag $0x1  }
0x1: {  	s4 =	rddreg [dreg:$0x0]  }
0x2: {  	s5 =	rddreg [dreg:$0x1]  }
0x3: {  	s0 =	rddreg [dreg:$0x2];
	s1 =	stileid.u32  }
0x4: {  	s3 =	srdreg.scid;
	s2 =	simm.s32 $0x0;
	s7 =	smul.u32 $0xA00, s1  }
0x5: {  	s6 =	sand.u32 $0x1, s3;
	[smem:$0x7FF] =	sst s2;
	s10 =	smul.u32 $0xA000, s1  }
0x6: {  	s3 =	sadd.s32 $0x8A00, s4;
	s8 =	smul.u32 $0x500, s6;
	s9 =	ssub.s32 $0x2, s6  }
0x7: {  	_ =	strace $0x80000047;
	s6 =	smul.u32 $0x5000, s6;
	s31 =	sshrl.u32 s9, $0x1  }
0x8: {  	s5 =	sadd.s32 s10, s5;
	s10 =	simm.s32 $0x0;
	s7 =	sadd.s32 s8, s7  }
0x9: {  	s8 =	ssub.s32 s9, s31;
	s5 =	sadd.s32 s6, s5;
	s7 =	sshrl.u32 s7, $0x3  }
0xa: {  	s9 =	simm.s32 $0x1;
	s7 =	sadd.s32 s7, s4;
	s4 =	smax.u32 s8, $0x1  }
0xb: {  	s8 =	simm.s32 $0x80;
	s6 =	sadd.s32 $0x4E00, s7;
	s7 =	simm.s32 $0x2  }
.LBB2_1:
0xc: {  	s11 =	sadd.s32 $0x0, s6  }
0xd: {  	[tilespmem:s2], [sflag:$0x2] =	stream.linear.gather [hbm4b:s11+s2], $0x80, $0x38;
	[tilespmem:$0x4080] =	vst v63  }
0xe: {  	_ =	swait.ge [sflag:s7], $0x80  }
0xf: {  	[sflag:s7] =	ssyncset.done $0x0  }
0x10: {  	[sflag:s7] =	ssyncadd.s32 $0xFFFFFF80  }
0x11: {  	[tilespmem:s8], [sflag:$0x1] =	stream.indirect.gather [hbm4b:s3+s8], $0x80, s2, s8, $0xb8;
	[tilespmem:$0x4080] =	vst v63  }
0x12: {  	_ =	swait.ge [sflag:s9], $0x4000  }
0x13: {  	[sflag:s9] =	ssyncset.done $0x0  }
0x14: {  	[sflag:s9] =	ssyncadd.s32 $0xFFFFC000  }
0x15: {  	[hbm4b:s5+s2] =	stream.linear.scatter [tilespmem:s8], [sflag:$0x2], $0x4000, $0x38;
	[tilespmem:$0x4080] =	vst v63  }
0x16: {  	s12 =	simm.s32 $0x10;
	_ =	swait.ge [sflag:s7], $0x4000  }
0x17: {  	s13 =	simm.s32 $0x20;
	s11 =	sadd.s32 $0x800, s5;
	[sflag:s7] =	ssyncset.done $0x0  }
.LBB2_2:
0x18: {  	s14 =	sadd.s32 s12, s6  }
0x19: {  	[sflag:s7] =	ssyncadd.s32 $0xFFFFC000;
	s12 =	smov.u32 s13;
	s15 =	sadd.s32 $0x10, s13  }
0x1a: {  	[tilespmem:s2], [sflag:$0x2] =	stream.linear.gather [hbm4b:s14+s2], $0x80, $0x38;
	[tilespmem:$0x4080] =	vst v63  }
0x1b: {  	p0 =	sne.s32 s13, $0x90;
	_ =	swait.ge [sflag:s7], $0x80  }
0x1c: {  	[sflag:s7] =	ssyncset.done $0x0  }
0x1d: {  	[sflag:s7] =	ssyncadd.s32 $0xFFFFFF80  }
0x1e: {  	[tilespmem:s8], [sflag:$0x1] =	stream.indirect.gather [hbm4b:s3+s8], $0x80, s2, s8, $0xb8;
	[tilespmem:$0x4080] =	vst v63  }
0x1f: {  	_ =	swait.ge [sflag:s9], $0x4000  }
.Ltmp0:
0x20: {  	[sflag:s9] =	ssyncset.done $0x0;
	(pc) =	sbr.rel @p0 .LBB2_2-.Ltmp0, $4  }
0x21: {  	[sflag:s9] =	ssyncadd.s32 $0xFFFFC000  }
0x22: {  	[hbm4b:s11+s2] =	stream.linear.scatter [tilespmem:s8], [sflag:$0x2], $0x4000, $0x38;
	[tilespmem:$0x4080] =	vst v63  }
0x23: {  	_ =	swait.ge [sflag:s7], $0x4000  }
0x24: {  	s13 =	smov.u32 s15;
	s11 =	sadd.s32 $0x800, s11;
	[sflag:s7] =	ssyncset.done $0x0  }
0x25: {  	s12 =	sadd.s32 s12, s6;
	[sflag:s7] =	ssyncadd.s32 $0xFFFFC000  }
0x26: {  	[tilespmem:s2], [sflag:$0x2] =	stream.linear.gather [hbm4b:s12+s2], $0x80, $0x38;
	[tilespmem:$0x4080] =	vst v63  }
0x27: {  	_ =	swait.ge [sflag:s7], $0x80  }
0x28: {  	[sflag:s7] =	ssyncset.done $0x0  }
0x29: {  	[sflag:s7] =	ssyncadd.s32 $0xFFFFFF80  }
0x2a: {  	[tilespmem:s8], [sflag:$0x1] =	stream.indirect.gather [hbm4b:s3+s8], $0x80, s2, s8, $0xb8;
	[tilespmem:$0x4080] =	vst v63  }
0x2b: {  	s10 =	sadd.s32 $0x1, s10;
	_ =	swait.ge [sflag:s9], $0x4000  }
0x2c: {  	p0 =	sne.s32 s10, s4;
	[sflag:s9] =	ssyncset.done $0x0  }
.Ltmp1:
0x2d: {  	[sflag:s9] =	ssyncadd.s32 $0xFFFFC000;
	(pc) =	sbr.rel @p0 .LBB2_1-.Ltmp1, $4  }
0x2e: {  	[hbm4b:s11+s2] =	stream.linear.scatter [tilespmem:s8], [sflag:$0x2], $0x4000, $0x38;
	[tilespmem:$0x4080] =	vst v63  }
0x2f: {  	_ =	swait.ge [sflag:s7], $0x4000  }
0x30: {  	[sflag:s7] =	ssyncset.done $0x0  }
0x31: {  	[sflag:s7] =	ssyncadd.s32 $0xFFFFC000  }
0x32: {  	_ =	sfence.sel $0x180000  }
0x33: {  	[bflag:$0x0] =	sbarrier.arrive $0xFFFF  }
0x34: {  	p0 =	sne.s32 s1, $0x0;
	_ =	strace $0x90000047  }
0x35: {  	s0 =	sadd.s32 @!p0 $0x100000, s0;
	[bflag:$0x2] =	sbarrier.arrive $0xFFFF  }
0x36: {  	[sflag:s0] =	ssyncadd.tile.s32 @!p0 $0x1;
	_ =	shalt  }
.Lfunc_end2:
_tile_overlayer_lowered:
.L_overlay_start_2:
0x37: {  	(tag) =	ssettag $0x2  }
0x38: {  	s0 =	rddreg [dreg:$0x0];
	s2 =	stileid.u32  }
0x39: {  	s1 =	rddreg [dreg:$0x1];
	p0 =	sne.s32 s2, $0x0  }
0x3a: {  	s3 =	rddreg [dreg:$0x2];
	[bflag:$0x3] =	sbarrier.arrive $0xFFFF;
	s2 =	simm.s32 @!p0 $0x1C02  }
0x3b: {  	[timem:s3], [sflag:s2] =	dma.local @!p0 [hbm:s0], s1  }
0x3c: {  	s0 =	simm.s32 @!p0 $0x2  }
0x3d: {  	_ =	swait.ge @!p0 [sflag:s0], s1  }
0x3e: {  	s1 =	ssub.s32 @!p0 $0x0, s1;
	[sflag:s0] =	ssyncset.done @!p0 $0x0  }
0x3f: {  	[sflag:s0] =	ssyncadd.s32 @!p0 s1  }
0x40: {  	[bflag:$0x3] =	sbarrier.arrive $0xFFFF  }
0x41: {  	_ =	shalt  }

</sc_bundles>
